<compile_context>
chip_gen: v7x
topology: tpu7x:2x2x1
jax: 0.10.2.dev20260603
libtpu: 0.0.44.dev20260713+nightly
codegen_flags: <defaults>
</compile_context>

<pallas_src>
import jax
import jax.numpy as jnp
from jax import lax
from jax.experimental import pallas as pl
from jax.experimental.pallas import tpu as pltpu
from jax.experimental.pallas import tpu_sc as plsc

N_USER = 25000
N_NODES = 50000
D = 64
H = 32
N_EDGES = 800000
N_LAYERS = 3
NPAD = 50048
K = 128
NSUB = 16
NCHUNK = -(-N_EDGES // (NSUB * K))
EPT = NCHUNK * K
E_PAD = EPT * NSUB
RPT = NPAD // NSUB


def _sc_body(t0, src, dst, vals, zeros, o1, o2, o3,
             acc, srcbuf, dstbuf, valbuf, rows, sem):
    c = lax.axis_index("c")
    s = lax.axis_index("s")
    col_off = c * NPAD
    ebase = s * EPT

    tables = [t0, o1, o2, o3]
    for layer in range(N_LAYERS):
        t_in = tables[layer]
        t_out = tables[layer + 1]

        @pl.when(s == 0)
        def _zero():
            pltpu.sync_copy(zeros, acc)

        plsc.subcore_barrier()

        def chunk_body(i, carry):
            base = ebase + i * K
            pltpu.sync_copy(src.at[pl.ds(base, K)], srcbuf)
            pltpu.sync_copy(dst.at[pl.ds(base, K)], dstbuf)
            pltpu.sync_copy(vals.at[pl.ds(base, K)], valbuf)
            for g in range(K // 16):
                sl = pl.ds(g * 16, 16)
                srcbuf[sl] = srcbuf[sl] + col_off
            pltpu.async_copy(t_in.at[srcbuf], rows, sem).wait()

            def scale(g, carry2):
                vv = valbuf[pl.ds(g * 16, 16)]
                for j in range(16):
                    e = g * 16 + j
                    v = vv[j]
                    rows[e, pl.ds(0, 16)] = rows[e, pl.ds(0, 16)] * v
                    rows[e, pl.ds(16, 16)] = rows[e, pl.ds(16, 16)] * v
                return carry2

            lax.fori_loop(0, K // 16, scale, 0)
            pltpu.sync_copy(rows, acc.at[dstbuf], add=True)
            return carry

        lax.fori_loop(0, NCHUNK, chunk_body, 0)
        plsc.subcore_barrier()

        pltpu.sync_copy(acc.at[pl.ds(s * RPT, RPT)],
                        t_out.at[pl.ds(col_off + s * RPT, RPT)])
        plsc.subcore_barrier()


_sc_propagate = pl.kernel(
    _sc_body,
    out_type=[jax.ShapeDtypeStruct((2 * NPAD, H), jnp.float32)] * N_LAYERS,
    mesh=plsc.VectorSubcoreMesh(core_axis_name="c", subcore_axis_name="s"),
    compiler_params=pltpu.CompilerParams(use_tc_tiling_on_sc=False),
    scratch_types=[
        pltpu.VMEM_SHARED((NPAD, H), jnp.float32),
        pltpu.VMEM((K,), jnp.int32),
        pltpu.VMEM((K,), jnp.int32),
        pltpu.VMEM((K,), jnp.float32),
        pltpu.VMEM((K, H), jnp.float32),
        pltpu.SemaphoreType.DMA,
    ],
)


def kernel(user_emb, item_emb, adj_indices, adj_values):
    all_emb = jnp.concatenate([user_emb, item_emb], axis=0)
    rpad = jnp.zeros((NPAD - N_NODES, H), jnp.float32)
    t0 = jnp.concatenate([all_emb[:, :H], rpad, all_emb[:, H:], rpad], axis=0)

    dst = adj_indices[0]
    src = adj_indices[1]
    pad = E_PAD - N_EDGES
    src_p = jnp.concatenate([src, jnp.zeros((pad,), jnp.int32)])
    dst_p = jnp.concatenate([dst, jnp.zeros((pad,), jnp.int32)])
    val_p = jnp.concatenate([adj_values, jnp.zeros((pad,), jnp.float32)])
    zeros = jnp.zeros((NPAD, H), jnp.float32)

    o1, o2, o3 = _sc_propagate(t0, src_p, dst_p, val_p, zeros)

    def unsplit(t):
        return jnp.concatenate([t[:N_NODES], t[NPAD:NPAD + N_NODES]], axis=1)

    mean = (all_emb + unsplit(o1) + unsplit(o2) + unsplit(o3)) * 0.25
    return mean[:N_USER], mean[N_USER:]

# --- scband reference (transcript-rebuilt; emitter-appended) ---
"""Pipeline reference for scband-light-gcn-59734405153038 (READ-ONLY COPY).

The authoritative reference and input builder live on the scoring server;
editing this copy changes nothing except your own understanding.
"""

import jax, jax.numpy as jnp
import numpy as np

USER_NUMBER = 25000
ITEM_NUMBER = 25000
N_NODES = USER_NUMBER + ITEM_NUMBER
N_EDGES = 800000
EMBED_DIM = 64
N_LAYERS = 3
KEEP_PROB = 1.0


def setup_inputs(seed: int = 0) -> dict:
    key = jax.random.key(seed)
    k1, k2, k3, k4 = jax.random.split(key, 4)
    # learned embedding tables (nn.Embedding weights)
    user_emb = jax.random.normal(k1, (USER_NUMBER, EMBED_DIM), dtype=jnp.float32) * 0.1
    item_emb = jax.random.normal(k2, (ITEM_NUMBER, EMBED_DIM), dtype=jnp.float32) * 0.1
    # sparse normalized adjacency in COO form: row 0 = dst, row 1 = src
    adj_indices = jax.random.randint(k3, (2, N_EDGES), 0, N_NODES, dtype=jnp.int32)
    adj_values = jax.random.uniform(k4, (N_EDGES,), dtype=jnp.float32) * (1.0 / 16.0)
    return {"user_emb": user_emb, "item_emb": item_emb, "adj_indices": adj_indices, "adj_values": adj_values}


def reference(user_emb, item_emb, adj_indices, adj_values):
    # LightGCN forward: propagate concatenated embeddings through sparse adjacency
    all_emb = jnp.concatenate([user_emb, item_emb], axis=0)
    dst = adj_indices[0]
    src = adj_indices[1]
    # drop_out with keep_prob=1.0 keeps every edge and divides values by 1.0
    vals = adj_values / KEEP_PROB
    embeddings = [all_emb]
    for _ in range(N_LAYERS):
        # torch.sparse.mm(A, all_emb): gather src rows, scale by edge value, scatter-add to dst
        msg = all_emb[src] * vals[:, None]
        all_emb = jax.ops.segment_sum(msg, dst, num_segments=N_NODES)
        embeddings.append(all_emb)
    stacked = jnp.stack(embeddings, axis=1)
    final_embedding = jnp.mean(stacked, axis=1)
    final_users_embeddings = final_embedding[:USER_NUMBER]
    final_items_embeddings = final_embedding[USER_NUMBER:]
    return (final_users_embeddings, final_items_embeddings)

if __name__ == "__main__":
    import jax
    _d = setup_inputs()
    print(jax.jit(kernel)(*tuple(_d.values())))

</pallas_src>

<mosaic_0001>
#map = affine_map<(d0, d1) -> (0, 0)>
#map1 = affine_map<(d0, d1) -> (0)>
module attributes {stable_mosaic.version = 14 : i64} {
  func.func @_sc_body(%arg0: i32, %arg1: i32, %arg2: memref<100096x32xf32, #tpu.memory_space<hbm>>, %arg3: memref<800768xi32, #tpu.memory_space<hbm>>, %arg4: memref<800768xi32, #tpu.memory_space<hbm>>, %arg5: memref<800768xf32, #tpu.memory_space<hbm>>, %arg6: memref<50048x32xf32, #tpu.memory_space<hbm>>, %arg7: memref<100096x32xf32, #tpu.memory_space<hbm>>, %arg8: memref<100096x32xf32, #tpu.memory_space<hbm>>, %arg9: memref<100096x32xf32, #tpu.memory_space<hbm>>, %arg10: memref<50048x32xf32, #tpu.memory_space<vmem_shared>>, %arg11: memref<128xi32, #tpu.memory_space<vmem>>, %arg12: memref<128xi32, #tpu.memory_space<vmem>>, %arg13: memref<128xf32, #tpu.memory_space<vmem>>, %arg14: memref<128x32xf32, #tpu.memory_space<vmem>>, %arg15: memref<!tpu.dma_semaphore, #tpu.memory_space<semaphore_mem>>) attributes {dimension_semantics = [#tpu.dimension_semantics<core_parallel>, #tpu.dimension_semantics<subcore_parallel>], iteration_bounds = array<i64: 2, 16>, scalar_prefetch = 0 : i64, scratch_operands = 6 : i64, tpu.core_type = #tpu.core_type<sc_vector_subcore>, window_params = [{transform_indices = #map}, {transform_indices = #map1}, {transform_indices = #map1}, {transform_indices = #map1}, {transform_indices = #map}, {transform_indices = #map}, {transform_indices = #map}, {transform_indices = #map}]} {
    %mul3A = arith.constant 50048 : i32
    %mul3A_0 = arith.muli %arg0, %mul3A : i32
    %mul3A_1 = arith.constant 50048 : i32
    %mul3A_2 = arith.muli %arg1, %mul3A_1 : i32
    %eq3A = arith.constant 0 : i32
    %eq3A_3 = arith.cmpi eq, %arg1, %eq3A : i32
    %convert_element_type3A = arith.extui %eq3A_3 : i1 to i32
    %cond3A = arith.constant 0 : i32
    %cond3A_4 = arith.cmpi ne, %convert_element_type3A, %cond3A : i32
    scf.if %cond3A_4 {
      "tpu.region"() ({
        %run_scoped3A = tpu.sem_alloc : memref<!tpu.dma_semaphore, #tpu.memory_space<semaphore_mem>>
        tpu.enqueue_dma source(%arg6 : memref<50048x32xf32, #tpu.memory_space<hbm>>) target(%arg10 : memref<50048x32xf32, #tpu.memory_space<vmem_shared>>) target_semaphore(%run_scoped3A : memref<!tpu.dma_semaphore, #tpu.memory_space<semaphore_mem>>)
        tpu.wait_dma2 semaphore(%run_scoped3A : memref<!tpu.dma_semaphore, #tpu.memory_space<semaphore_mem>>) src(%arg6 : memref<50048x32xf32, #tpu.memory_space<hbm>>) dst(%arg10 : memref<50048x32xf32, #tpu.memory_space<vmem_shared>>)
        tpu.yield
      }) : () -> ()
    } else {
    }
    %barrier3A = arith.constant 0 : index
    tpu.barrier barrier_id(%barrier3A)
    %scan3A = arith.constant 0 : i32
    %scan3A_5 = arith.constant 0 : i32
    %scan3A_6 = arith.constant 391 : i32
    %scan3A_7 = arith.addi %scan3A_5, %scan3A_6 : i32
    %scan3A_8 = arith.constant 1 : i32
    scf.for %scan3A_54 = %scan3A_5 to %scan3A_7 step %scan3A_8  : i32 {
      %mul3A_55 = arith.constant 128 : i32
      %mul3A_56 = arith.muli %scan3A_54, %mul3A_55 : i32
      %add3A_57 = arith.addi %mul3A_2, %mul3A_56 : i32
      "tpu.region"() ({
        %run_scoped3A = tpu.sem_alloc : memref<!tpu.dma_semaphore, #tpu.memory_space<semaphore_mem>>
        %dma_start3A_138 = tpu.memref_slice %arg3[%add3A_57] : memref<800768xi32, #tpu.memory_space<hbm>> -> memref<128xi32, #tpu.memory_space<hbm>>
        %dma_start3A_139 = tpu.memref_slice %arg3[%add3A_57] : memref<800768xi32, #tpu.memory_space<hbm>> -> memref<128xi32, #tpu.memory_space<hbm>>
        tpu.enqueue_dma source(%dma_start3A_139 : memref<128xi32, #tpu.memory_space<hbm>>) target(%arg11 : memref<128xi32, #tpu.memory_space<vmem>>) target_semaphore(%run_scoped3A : memref<!tpu.dma_semaphore, #tpu.memory_space<semaphore_mem>>)
        %dma_wait3A_140 = tpu.memref_slice %arg3[%add3A_57] : memref<800768xi32, #tpu.memory_space<hbm>> -> memref<128xi32, #tpu.memory_space<hbm>>
        %dma_wait3A_141 = tpu.memref_slice %arg3[%add3A_57] : memref<800768xi32, #tpu.memory_space<hbm>> -> memref<128xi32, #tpu.memory_space<hbm>>
        tpu.wait_dma2 semaphore(%run_scoped3A : memref<!tpu.dma_semaphore, #tpu.memory_space<semaphore_mem>>) src(%dma_wait3A_141 : memref<128xi32, #tpu.memory_space<hbm>>) dst(%arg11 : memref<128xi32, #tpu.memory_space<vmem>>)
        tpu.yield
      }) : () -> ()
      "tpu.region"() ({
        %run_scoped3A = tpu.sem_alloc : memref<!tpu.dma_semaphore, #tpu.memory_space<semaphore_mem>>
        %dma_start3A_138 = tpu.memref_slice %arg4[%add3A_57] : memref<800768xi32, #tpu.memory_space<hbm>> -> memref<128xi32, #tpu.memory_space<hbm>>
        %dma_start3A_139 = tpu.memref_slice %arg4[%add3A_57] : memref<800768xi32, #tpu.memory_space<hbm>> -> memref<128xi32, #tpu.memory_space<hbm>>
        tpu.enqueue_dma source(%dma_start3A_139 : memref<128xi32, #tpu.memory_space<hbm>>) target(%arg12 : memref<128xi32, #tpu.memory_space<vmem>>) target_semaphore(%run_scoped3A : memref<!tpu.dma_semaphore, #tpu.memory_space<semaphore_mem>>)
        %dma_wait3A_140 = tpu.memref_slice %arg4[%add3A_57] : memref<800768xi32, #tpu.memory_space<hbm>> -> memref<128xi32, #tpu.memory_space<hbm>>
        %dma_wait3A_141 = tpu.memref_slice %arg4[%add3A_57] : memref<800768xi32, #tpu.memory_space<hbm>> -> memref<128xi32, #tpu.memory_space<hbm>>
        tpu.wait_dma2 semaphore(%run_scoped3A : memref<!tpu.dma_semaphore, #tpu.memory_space<semaphore_mem>>) src(%dma_wait3A_141 : memref<128xi32, #tpu.memory_space<hbm>>) dst(%arg12 : memref<128xi32, #tpu.memory_space<vmem>>)
        tpu.yield
      }) : () -> ()
      "tpu.region"() ({
        %run_scoped3A = tpu.sem_alloc : memref<!tpu.dma_semaphore, #tpu.memory_space<semaphore_mem>>
        %dma_start3A_138 = tpu.memref_slice %arg5[%add3A_57] : memref<800768xf32, #tpu.memory_space<hbm>> -> memref<128xf32, #tpu.memory_space<hbm>>
        %dma_start3A_139 = tpu.memref_slice %arg5[%add3A_57] : memref<800768xf32, #tpu.memory_space<hbm>> -> memref<128xf32, #tpu.memory_space<hbm>>
        tpu.enqueue_dma source(%dma_start3A_139 : memref<128xf32, #tpu.memory_space<hbm>>) target(%arg13 : memref<128xf32, #tpu.memory_space<vmem>>) target_semaphore(%run_scoped3A : memref<!tpu.dma_semaphore, #tpu.memory_space<semaphore_mem>>)
        %dma_wait3A_140 = tpu.memref_slice %arg5[%add3A_57] : memref<800768xf32, #tpu.memory_space<hbm>> -> memref<128xf32, #tpu.memory_space<hbm>>
        %dma_wait3A_141 = tpu.memref_slice %arg5[%add3A_57] : memref<800768xf32, #tpu.memory_space<hbm>> -> memref<128xf32, #tpu.memory_space<hbm>>
        tpu.wait_dma2 semaphore(%run_scoped3A : memref<!tpu.dma_semaphore, #tpu.memory_space<semaphore_mem>>) src(%dma_wait3A_141 : memref<128xf32, #tpu.memory_space<hbm>>) dst(%arg13 : memref<128xf32, #tpu.memory_space<vmem>>)
        tpu.yield
      }) : () -> ()
      %get3A = arith.constant 0 : index
      %get3A_58 = tpu.vector_load %arg11[%get3A] {strides = array<i32>} : memref<128xi32, #tpu.memory_space<vmem>>, vector<16xi32>,
      %get3A_59 = vector.shape_cast %get3A_58 : vector<16xi32> to vector<16xi32>
      %add3A_60 = vector.broadcast %mul3A_0 : i32 to vector<16xi32>
      %add3A_61 = arith.addi %get3A_59, %add3A_60 : vector<16xi32>
      %swap3A = arith.constant 0 : index
      %swap3A_62 = tpu.vector_load %arg11[%swap3A] {strides = array<i32>} : memref<128xi32, #tpu.memory_space<vmem>>, vector<16xi32>,
      %swap3A_63 = vector.shape_cast %swap3A_62 : vector<16xi32> to vector<16xi32>
      %swap3A_64 = vector.shape_cast %add3A_61 : vector<16xi32> to vector<16xi32>
      tpu.vector_store %arg11[%swap3A], %swap3A_64 {strides = array<i32>} : memref<128xi32, #tpu.memory_space<vmem>>, vector<16xi32>,
      %get3A_65 = arith.constant 16 : index
      %get3A_66 = tpu.vector_load %arg11[%get3A_65] {strides = array<i32>} : memref<128xi32, #tpu.memory_space<vmem>>, vector<16xi32>,
      %get3A_67 = vector.shape_cast %get3A_66 : vector<16xi32> to vector<16xi32>
      %add3A_68 = vector.broadcast %mul3A_0 : i32 to vector<16xi32>
      %add3A_69 = arith.addi %get3A_67, %add3A_68 : vector<16xi32>
      %swap3A_70 = arith.constant 16 : index
      %swap3A_71 = tpu.vector_load %arg11[%swap3A_70] {strides = array<i32>} : memref<128xi32, #tpu.memory_space<vmem>>, vector<16xi32>,
      %swap3A_72 = vector.shape_cast %swap3A_71 : vector<16xi32> to vector<16xi32>
      %swap3A_73 = vector.shape_cast %add3A_69 : vector<16xi32> to vector<16xi32>
      tpu.vector_store %arg11[%swap3A_70], %swap3A_73 {strides = array<i32>} : memref<128xi32, #tpu.memory_space<vmem>>, vector<16xi32>,
      %get3A_74 = arith.constant 32 : index
      %get3A_75 = tpu.vector_load %arg11[%get3A_74] {strides = array<i32>} : memref<128xi32, #tpu.memory_space<vmem>>, vector<16xi32>,
      %get3A_76 = vector.shape_cast %get3A_75 : vector<16xi32> to vector<16xi32>
      %add3A_77 = vector.broadcast %mul3A_0 : i32 to vector<16xi32>
      %add3A_78 = arith.addi %get3A_76, %add3A_77 : vector<16xi32>
      %swap3A_79 = arith.constant 32 : index
      %swap3A_80 = tpu.vector_load %arg11[%swap3A_79] {strides = array<i32>} : memref<128xi32, #tpu.memory_space<vmem>>, vector<16xi32>,
      %swap3A_81 = vector.shape_cast %swap3A_80 : vector<16xi32> to vector<16xi32>
      %swap3A_82 = vector.shape_cast %add3A_78 : vector<16xi32> to vector<16xi32>
      tpu.vector_store %arg11[%swap3A_79], %swap3A_82 {strides = array<i32>} : memref<128xi32, #tpu.memory_space<vmem>>, vector<16xi32>,
      %get3A_83 = arith.constant 48 : index
      %get3A_84 = tpu.vector_load %arg11[%get3A_83] {strides = array<i32>} : memref<128xi32, #tpu.memory_space<vmem>>, vector<16xi32>,
      %get3A_85 = vector.shape_cast %get3A_84 : vector<16xi32> to vector<16xi32>
      %add3A_86 = vector.broadcast %mul3A_0 : i32 to vector<16xi32>
      %add3A_87 = arith.addi %get3A_85, %add3A_86 : vector<16xi32>
      %swap3A_88 = arith.constant 48 : index
      %swap3A_89 = tpu.vector_load %arg11[%swap3A_88] {strides = array<i32>} : memref<128xi32, #tpu.memory_space<vmem>>, vector<16xi32>,
      %swap3A_90 = vector.shape_cast %swap3A_89 : vector<16xi32> to vector<16xi32>
      %swap3A_91 = vector.shape_cast %add3A_87 : vector<16xi32> to vector<16xi32>
      tpu.vector_store %arg11[%swap3A_88], %swap3A_91 {strides = array<i32>} : memref<128xi32, #tpu.memory_space<vmem>>, vector<16xi32>,
      %get3A_92 = arith.constant 64 : index
      %get3A_93 = tpu.vector_load %arg11[%get3A_92] {strides = array<i32>} : memref<128xi32, #tpu.memory_space<vmem>>, vector<16xi32>,
      %get3A_94 = vector.shape_cast %get3A_93 : vector<16xi32> to vector<16xi32>
      %add3A_95 = vector.broadcast %mul3A_0 : i32 to vector<16xi32>
      %add3A_96 = arith.addi %get3A_94, %add3A_95 : vector<16xi32>
      %swap3A_97 = arith.constant 64 : index
      %swap3A_98 = tpu.vector_load %arg11[%swap3A_97] {strides = array<i32>} : memref<128xi32, #tpu.memory_space<vmem>>, vector<16xi32>,
      %swap3A_99 = vector.shape_cast %swap3A_98 : vector<16xi32> to vector<16xi32>
      %swap3A_100 = vector.shape_cast %add3A_96 : vector<16xi32> to vector<16xi32>
      tpu.vector_store %arg11[%swap3A_97], %swap3A_100 {strides = array<i32>} : memref<128xi32, #tpu.memory_space<vmem>>, vector<16xi32>,
      %get3A_101 = arith.constant 80 : index
      %get3A_102 = tpu.vector_load %arg11[%get3A_101] {strides = array<i32>} : memref<128xi32, #tpu.memory_space<vmem>>, vector<16xi32>,
      %get3A_103 = vector.shape_cast %get3A_102 : vector<16xi32> to vector<16xi32>
      %add3A_104 = vector.broadcast %mul3A_0 : i32 to vector<16xi32>
      %add3A_105 = arith.addi %get3A_103, %add3A_104 : vector<16xi32>
      %swap3A_106 = arith.constant 80 : index
      %swap3A_107 = tpu.vector_load %arg11[%swap3A_106] {strides = array<i32>} : memref<128xi32, #tpu.memory_space<vmem>>, vector<16xi32>,
      %swap3A_108 = vector.shape_cast %swap3A_107 : vector<16xi32> to vector<16xi32>
      %swap3A_109 = vector.shape_cast %add3A_105 : vector<16xi32> to vector<16xi32>
      tpu.vector_store %arg11[%swap3A_106], %swap3A_109 {strides = array<i32>} : memref<128xi32, #tpu.memory_space<vmem>>, vector<16xi32>,
      %get3A_110 = arith.constant 96 : index
      %get3A_111 = tpu.vector_load %arg11[%get3A_110] {strides = array<i32>} : memref<128xi32, #tpu.memory_space<vmem>>, vector<16xi32>,
      %get3A_112 = vector.shape_cast %get3A_111 : vector<16xi32> to vector<16xi32>
      %add3A_113 = vector.broadcast %mul3A_0 : i32 to vector<16xi32>
      %add3A_114 = arith.addi %get3A_112, %add3A_113 : vector<16xi32>
      %swap3A_115 = arith.constant 96 : index
      %swap3A_116 = tpu.vector_load %arg11[%swap3A_115] {strides = array<i32>} : memref<128xi32, #tpu.memory_space<vmem>>, vector<16xi32>,
      %swap3A_117 = vector.shape_cast %swap3A_116 : vector<16xi32> to vector<16xi32>
      %swap3A_118 = vector.shape_cast %add3A_114 : vector<16xi32> to vector<16xi32>
      tpu.vector_store %arg11[%swap3A_115], %swap3A_118 {strides = array<i32>} : memref<128xi32, #tpu.memory_space<vmem>>, vector<16xi32>,
      %get3A_119 = arith.constant 112 : index
      %get3A_120 = tpu.vector_load %arg11[%get3A_119] {strides = array<i32>} : memref<128xi32, #tpu.memory_space<vmem>>, vector<16xi32>,
      %get3A_121 = vector.shape_cast %get3A_120 : vector<16xi32> to vector<16xi32>
      %add3A_122 = vector.broadcast %mul3A_0 : i32 to vector<16xi32>
      %add3A_123 = arith.addi %get3A_121, %add3A_122 : vector<16xi32>
      %swap3A_124 = arith.constant 112 : index
      %swap3A_125 = tpu.vector_load %arg11[%swap3A_124] {strides = array<i32>} : memref<128xi32, #tpu.memory_space<vmem>>, vector<16xi32>,
      %swap3A_126 = vector.shape_cast %swap3A_125 : vector<16xi32> to vector<16xi32>
      %swap3A_127 = vector.shape_cast %add3A_123 : vector<16xi32> to vector<16xi32>
      tpu.vector_store %arg11[%swap3A_124], %swap3A_127 {strides = array<i32>} : memref<128xi32, #tpu.memory_space<vmem>>, vector<16xi32>,
      %dma_start3A = arith.constant 0 : i32
      %dma_start3A_128 = arith.constant 0 : i32
      %dma_start3A_129 = tpu.memref_slice %arg2[%dma_start3A, %dma_start3A_128] : memref<100096x32xf32, #tpu.memory_space<hbm>> -> memref<100096x32xf32, #tpu.memory_space<hbm>>
      tpu.enqueue_indirect_dma source(%dma_start3A_129 : memref<100096x32xf32, #tpu.memory_space<hbm>>) target(%arg14 : memref<128x32xf32, #tpu.memory_space<vmem>>) offsets(%arg11 : memref<128xi32, #tpu.memory_space<vmem>>) semaphore(%arg15 : memref<!tpu.dma_semaphore, #tpu.memory_space<semaphore_mem>>)
      %dma_wait3A = arith.constant 0 : i32
      %dma_wait3A_130 = arith.constant 0 : i32
      %dma_wait3A_131 = tpu.memref_slice %arg2[%dma_wait3A, %dma_wait3A_130] : memref<100096x32xf32, #tpu.memory_space<hbm>> -> memref<100096x32xf32, #tpu.memory_space<hbm>>
      tpu.wait_indirect_dma semaphore(%arg15 : memref<!tpu.dma_semaphore, #tpu.memory_space<semaphore_mem>>) src(%dma_wait3A_131 : memref<100096x32xf32, #tpu.memory_space<hbm>>) dst(%arg14 : memref<128x32xf32, #tpu.memory_space<vmem>>)
      %scan3A_132 = arith.constant 0 : i32
      %scan3A_133 = arith.constant 0 : i32
      %scan3A_134 = arith.constant 8 : i32
      %scan3A_135 = arith.addi %scan3A_133, %scan3A_134 : i32
      %scan3A_136 = arith.constant 1 : i32
      scf.for %scan3A_138 = %scan3A_133 to %scan3A_135 step %scan3A_136  : i32 {
        %mul3A_139 = arith.constant 16 : i32
        %mul3A_140 = arith.muli %scan3A_138, %mul3A_139 : i32
        %get3A_141 = arith.index_cast %mul3A_140 : i32 to index
        %get3A_142 = tpu.vector_load %arg13[%get3A_141] {strides = array<i32>} : memref<128xf32, #tpu.memory_space<vmem>>, vector<16xf32>,
        %get3A_143 = vector.shape_cast %get3A_142 : vector<16xf32> to vector<16xf32>
        %mul3A_144 = arith.constant 16 : i32
        %mul3A_145 = arith.muli %scan3A_138, %mul3A_144 : i32
        %add3A_146 = arith.constant 0 : i32
        %add3A_147 = arith.addi %mul3A_145, %add3A_146 : i32
        %slice3A = vector.extract_strided_slice %get3A_143 {offsets = [0], sizes = [1], strides = [1]} : vector<16xf32> to vector<1xf32>
        %squeeze3A = vector.extract %slice3A[0] : f32 from vector<1xf32>
        %get3A_148 = arith.index_cast %add3A_147 : i32 to index
        %get3A_149 = arith.constant 0 : index
        %get3A_150 = tpu.vector_load %arg14[%get3A_148, %get3A_149] {strides = array<i32>} : memref<128x32xf32, #tpu.memory_space<vmem>>, vector<1x16xf32>,
        %get3A_151 = vector.shape_cast %get3A_150 : vector<1x16xf32> to vector<16xf32>
        %mul3A_152 = vector.broadcast %squeeze3A : f32 to vector<16xf32>
        %mul3A_153 = arith.mulf %get3A_151, %mul3A_152 : vector<16xf32>
        %swap3A_154 = arith.index_cast %add3A_147 : i32 to index
        %swap3A_155 = arith.constant 0 : index
        %swap3A_156 = tpu.vector_load %arg14[%swap3A_154, %swap3A_155] {strides = array<i32>} : memref<128x32xf32, #tpu.memory_space<vmem>>, vector<1x16xf32>,
        %swap3A_157 = vector.shape_cast %swap3A_156 : vector<1x16xf32> to vector<16xf32>
        %swap3A_158 = vector.shape_cast %mul3A_153 : vector<16xf32> to vector<1x16xf32>
        tpu.vector_store %arg14[%swap3A_154, %swap3A_155], %swap3A_158 {strides = array<i32>} : memref<128x32xf32, #tpu.memory_space<vmem>>, vector<1x16xf32>,
        %get3A_159 = arith.index_cast %add3A_147 : i32 to index
        %get3A_160 = arith.constant 16 : index
        %get3A_161 = tpu.vector_load %arg14[%get3A_159, %get3A_160] {strides = array<i32>} : memref<128x32xf32, #tpu.memory_space<vmem>>, vector<1x16xf32>,
        %get3A_162 = vector.shape_cast %get3A_161 : vector<1x16xf32> to vector<16xf32>
        %mul3A_163 = vector.broadcast %squeeze3A : f32 to vector<16xf32>
        %mul3A_164 = arith.mulf %get3A_162, %mul3A_163 : vector<16xf32>
        %swap3A_165 = arith.index_cast %add3A_147 : i32 to index
        %swap3A_166 = arith.constant 16 : index
        %swap3A_167 = tpu.vector_load %arg14[%swap3A_165, %swap3A_166] {strides = array<i32>} : memref<128x32xf32, #tpu.memory_space<vmem>>, vector<1x16xf32>,
        %swap3A_168 = vector.shape_cast %swap3A_167 : vector<1x16xf32> to vector<16xf32>
        %swap3A_169 = vector.shape_cast %mul3A_164 : vector<16xf32> to vector<1x16xf32>
        tpu.vector_store %arg14[%swap3A_165, %swap3A_166], %swap3A_169 {strides = array<i32>} : memref<128x32xf32, #tpu.memory_space<vmem>>, vector<1x16xf32>,
        %mul3A_170 = arith.constant 16 : i32
        %mul3A_171 = arith.muli %scan3A_138, %mul3A_170 : i32
        %add3A_172 = arith.constant 1 : i32
        %add3A_173 = arith.addi %mul3A_171, %add3A_172 : i32
        %slice3A_174 = vector.extract_strided_slice %get3A_143 {offsets = [1], sizes = [1], strides = [1]} : vector<16xf32> to vector<1xf32>
        %squeeze3A_175 = vector.extract %slice3A_174[0] : f32 from vector<1xf32>
        %get3A_176 = arith.index_cast %add3A_173 : i32 to index
        %get3A_177 = arith.constant 0 : index
        %get3A_178 = tpu.vector_load %arg14[%get3A_176, %get3A_177] {strides = array<i32>} : memref<128x32xf32, #tpu.memory_space<vmem>>, vector<1x16xf32>,
        %get3A_179 = vector.shape_cast %get3A_178 : vector<1x16xf32> to vector<16xf32>
        %mul3A_180 = vector.broadcast %squeeze3A_175 : f32 to vector<16xf32>
        %mul3A_181 = arith.mulf %get3A_179, %mul3A_180 : vector<16xf32>
        %swap3A_182 = arith.index_cast %add3A_173 : i32 to index
        %swap3A_183 = arith.constant 0 : index
        %swap3A_184 = tpu.vector_load %arg14[%swap3A_182, %swap3A_183] {strides = array<i32>} : memref<128x32xf32, #tpu.memory_space<vmem>>, vector<1x16xf32>,
        %swap3A_185 = vector.shape_cast %swap3A_184 : vector<1x16xf32> to vector<16xf32>
        %swap3A_186 = vector.shape_cast %mul3A_181 : vector<16xf32> to vector<1x16xf32>
        tpu.vector_store %arg14[%swap3A_182, %swap3A_183], %swap3A_186 {strides = array<i32>} : memref<128x32xf32, #tpu.memory_space<vmem>>, vector<1x16xf32>,
        %get3A_187 = arith.index_cast %add3A_173 : i32 to index
        %get3A_188 = arith.constant 16 : index
        %get3A_189 = tpu.vector_load %arg14[%get3A_187, %get3A_188] {strides = array<i32>} : memref<128x32xf32, #tpu.memory_space<vmem>>, vector<1x16xf32>,
        %get3A_190 = vector.shape_cast %get3A_189 : vector<1x16xf32> to vector<16xf32>
        %mul3A_191 = vector.broadcast %squeeze3A_175 : f32 to vector<16xf32>
        %mul3A_192 = arith.mulf %get3A_190, %mul3A_191 : vector<16xf32>
        %swap3A_193 = arith.index_cast %add3A_173 : i32 to index
        %swap3A_194 = arith.constant 16 : index
        %swap3A_195 = tpu.vector_load %arg14[%swap3A_193, %swap3A_194] {strides = array<i32>} : memref<128x32xf32, #tpu.memory_space<vmem>>, vector<1x16xf32>,
        %swap3A_196 = vector.shape_cast %swap3A_195 : vector<1x16xf32> to vector<16xf32>
        %swap3A_197 = vector.shape_cast %mul3A_192 : vector<16xf32> to vector<1x16xf32>
        tpu.vector_store %arg14[%swap3A_193, %swap3A_194], %swap3A_197 {strides = array<i32>} : memref<128x32xf32, #tpu.memory_space<vmem>>, vector<1x16xf32>,
        %mul3A_198 = arith.constant 16 : i32
        %mul3A_199 = arith.muli %scan3A_138, %mul3A_198 : i32
        %add3A_200 = arith.constant 2 : i32
        %add3A_201 = arith.addi %mul3A_199, %add3A_200 : i32
        %slice3A_202 = vector.extract_strided_slice %get3A_143 {offsets = [2], sizes = [1], strides = [1]} : vector<16xf32> to vector<1xf32>
        %squeeze3A_203 = vector.extract %slice3A_202[0] : f32 from vector<1xf32>
        %get3A_204 = arith.index_cast %add3A_201 : i32 to index
        %get3A_205 = arith.constant 0 : index
        %get3A_206 = tpu.vector_load %arg14[%get3A_204, %get3A_205] {strides = array<i32>} : memref<128x32xf32, #tpu.memory_space<vmem>>, vector<1x16xf32>,
        %get3A_207 = vector.shape_cast %get3A_206 : vector<1x16xf32> to vector<16xf32>
        %mul3A_208 = vector.broadcast %squeeze3A_203 : f32 to vector<16xf32>
        %mul3A_209 = arith.mulf %get3A_207, %mul3A_208 : vector<16xf32>
        %swap3A_210 = arith.index_cast %add3A_201 : i32 to index
        %swap3A_211 = arith.constant 0 : index
        %swap3A_212 = tpu.vector_load %arg14[%swap3A_210, %swap3A_211] {strides = array<i32>} : memref<128x32xf32, #tpu.memory_space<vmem>>, vector<1x16xf32>,
        %swap3A_213 = vector.shape_cast %swap3A_212 : vector<1x16xf32> to vector<16xf32>
        %swap3A_214 = vector.shape_cast %mul3A_209 : vector<16xf32> to vector<1x16xf32>
        tpu.vector_store %arg14[%swap3A_210, %swap3A_211], %swap3A_214 {strides = array<i32>} : memref<128x32xf32, #tpu.memory_space<vmem>>, vector<1x16xf32>,
        %get3A_215 = arith.index_cast %add3A_201 : i32 to index
        %get3A_216 = arith.constant 16 : index
        %get3A_217 = tpu.vector_load %arg14[%get3A_215, %get3A_216] {strides = array<i32>} : memref<128x32xf32, #tpu.memory_space<vmem>>, vector<1x16xf32>,
        %get3A_218 = vector.shape_cast %get3A_217 : vector<1x16xf32> to vector<16xf32>
        %mul3A_219 = vector.broadcast %squeeze3A_203 : f32 to vector<16xf32>
        %mul3A_220 = arith.mulf %get3A_218, %mul3A_219 : vector<16xf32>
        %swap3A_221 = arith.index_cast %add3A_201 : i32 to index
        %swap3A_222 = arith.constant 16 : index
        %swap3A_223 = tpu.vector_load %arg14[%swap3A_221, %swap3A_222] {strides = array<i32>} : memref<128x32xf32, #tpu.memory_space<vmem>>, vector<1x16xf32>,
        %swap3A_224 = vector.shape_cast %swap3A_223 : vector<1x16xf32> to vector<16xf32>
        %swap3A_225 = vector.shape_cast %mul3A_220 : vector<16xf32> to vector<1x16xf32>
        tpu.vector_store %arg14[%swap3A_221, %swap3A_222], %swap3A_225 {strides = array<i32>} : memref<128x32xf32, #tpu.memory_space<vmem>>, vector<1x16xf32>,
        %mul3A_226 = arith.constant 16 : i32
        %mul3A_227 = arith.muli %scan3A_138, %mul3A_226 : i32
        %add3A_228 = arith.constant 3 : i32
        %add3A_229 = arith.addi %mul3A_227, %add3A_228 : i32
        %slice3A_230 = vector.extract_strided_slice %get3A_143 {offsets = [3], sizes = [1], strides = [1]} : vector<16xf32> to vector<1xf32>
        %squeeze3A_231 = vector.extract %slice3A_230[0] : f32 from vector<1xf32>
        %get3A_232 = arith.index_cast %add3A_229 : i32 to index
        %get3A_233 = arith.constant 0 : index
        %get3A_234 = tpu.vector_load %arg14[%get3A_232, %get3A_233] {strides = array<i32>} : memref<128x32xf32, #tpu.memory_space<vmem>>, vector<1x16xf32>,
        %get3A_235 = vector.shape_cast %get3A_234 : vector<1x16xf32> to vector<16xf32>
        %mul3A_236 = vector.broadcast %squeeze3A_231 : f32 to vector<16xf32>
        %mul3A_237 = arith.mulf %get3A_235, %mul3A_236 : vector<16xf32>
        %swap3A_238 = arith.index_cast %add3A_229 : i32 to index
        %swap3A_239 = arith.constant 0 : index
        %swap3A_240 = tpu.vector_load %arg14[%swap3A_238, %swap3A_239] {strides = array<i32>} : memref<128x32xf32, #tpu.memory_space<vmem>>, vector<1x16xf32>,
        %swap3A_241 = vector.shape_cast %swap3A_240 : vector<1x16xf32> to vector<16xf32>
        %swap3A_242 = vector.shape_cast %mul3A_237 : vector<16xf32> to vector<1x16xf32>
        tpu.vector_store %arg14[%swap3A_238, %swap3A_239], %swap3A_242 {strides = array<i32>} : memref<128x32xf32, #tpu.memory_space<vmem>>, vector<1x16xf32>,
        %get3A_243 = arith.index_cast %add3A_229 : i32 to index
        %get3A_244 = arith.constant 16 : index
        %get3A_245 = tpu.vector_load %arg14[%get3A_243, %get3A_244] {strides = array<i32>} : memref<128x32xf32, #tpu.memory_space<vmem>>, vector<1x16xf32>,
        %get3A_246 = vector.shape_cast %get3A_245 : vector<1x16xf32> to vector<16xf32>
        %mul3A_247 = vector.broadcast %squeeze3A_231 : f32 to vector<16xf32>
        %mul3A_248 = arith.mulf %get3A_246, %mul3A_247 : vector<16xf32>
        %swap3A_249 = arith.index_cast %add3A_229 : i32 to index
        %swap3A_250 = arith.constant 16 : index
        %swap3A_251 = tpu.vector_load %arg14[%swap3A_249, %swap3A_250] {strides = array<i32>} : memref<128x32xf32, #tpu.memory_space<vmem>>, vector<1x16xf32>,
        %swap3A_252 = vector.shape_cast %swap3A_251 : vector<1x16xf32> to vector<16xf32>
        %swap3A_253 = vector.shape_cast %mul3A_248 : vector<16xf32> to vector<1x16xf32>
        tpu.vector_store %arg14[%swap3A_249, %swap3A_250], %swap3A_253 {strides = array<i32>} : memref<128x32xf32, #tpu.memory_space<vmem>>, vector<1x16xf32>,
        %mul3A_254 = arith.constant 16 : i32
        %mul3A_255 = arith.muli %scan3A_138, %mul3A_254 : i32
        %add3A_256 = arith.constant 4 : i32
        %add3A_257 = arith.addi %mul3A_255, %add3A_256 : i32
        %slice3A_258 = vector.extract_strided_slice %get3A_143 {offsets = [4], sizes = [1], strides = [1]} : vector<16xf32> to vector<1xf32>
        %squeeze3A_259 = vector.extract %slice3A_258[0] : f32 from vector<1xf32>
        %get3A_260 = arith.index_cast %add3A_257 : i32 to index
        %get3A_261 = arith.constant 0 : index
        %get3A_262 = tpu.vector_load %arg14[%get3A_260, %get3A_261] {strides = array<i32>} : memref<128x32xf32, #tpu.memory_space<vmem>>, vector<1x16xf32>,
        %get3A_263 = vector.shape_cast %get3A_262 : vector<1x16xf32> to vector<16xf32>
        %mul3A_264 = vector.broadcast %squeeze3A_259 : f32 to vector<16xf32>
        %mul3A_265 = arith.mulf %get3A_263, %mul3A_264 : vector<16xf32>
        %swap3A_266 = arith.index_cast %add3A_257 : i32 to index
        %swap3A_267 = arith.constant 0 : index
        %swap3A_268 = tpu.vector_load %arg14[%swap3A_266, %swap3A_267] {strides = array<i32>} : memref<128x32xf32, #tpu.memory_space<vmem>>, vector<1x16xf32>,
        %swap3A_269 = vector.shape_cast %swap3A_268 : vector<1x16xf32> to vector<16xf32>
        %swap3A_270 = vector.shape_cast %mul3A_265 : vector<16xf32> to vector<1x16xf32>
        tpu.vector_store %arg14[%swap3A_266, %swap3A_267], %swap3A_270 {strides = array<i32>} : memref<128x32xf32, #tpu.memory_space<vmem>>, vector<1x16xf32>,
        %get3A_271 = arith.index_cast %add3A_257 : i32 to index
        %get3A_272 = arith.constant 16 : index
        %get3A_273 = tpu.vector_load %arg14[%get3A_271, %get3A_272] {strides = array<i32>} : memref<128x32xf32, #tpu.memory_space<vmem>>, vector<1x16xf32>,
        %get3A_274 = vector.shape_cast %get3A_273 : vector<1x16xf32> to vector<16xf32>
        %mul3A_275 = vector.broadcast %squeeze3A_259 : f32 to vector<16xf32>
        %mul3A_276 = arith.mulf %get3A_274, %mul3A_275 : vector<16xf32>
        %swap3A_277 = arith.index_cast %add3A_257 : i32 to index
        %swap3A_278 = arith.constant 16 : index
        %swap3A_279 = tpu.vector_load %arg14[%swap3A_277, %swap3A_278] {strides = array<i32>} : memref<128x32xf32, #tpu.memory_space<vmem>>, vector<1x16xf32>,
        %swap3A_280 = vector.shape_cast %swap3A_279 : vector<1x16xf32> to vector<16xf32>
        %swap3A_281 = vector.shape_cast %mul3A_276 : vector<16xf32> to vector<1x16xf32>
        tpu.vector_store %arg14[%swap3A_277, %swap3A_278], %swap3A_281 {strides = array<i32>} : memref<128x32xf32, #tpu.memory_space<vmem>>, vector<1x16xf32>,
        %mul3A_282 = arith.constant 16 : i32
        %mul3A_283 = arith.muli %scan3A_138, %mul3A_282 : i32
        %add3A_284 = arith.constant 5 : i32
        %add3A_285 = arith.addi %mul3A_283, %add3A_284 : i32
        %slice3A_286 = vector.extract_strided_slice %get3A_143 {offsets = [5], sizes = [1], strides = [1]} : vector<16xf32> to vector<1xf32>
        %squeeze3A_287 = vector.extract %slice3A_286[0] : f32 from vector<1xf32>
        %get3A_288 = arith.index_cast %add3A_285 : i32 to index
        %get3A_289 = arith.constant 0 : index
        %get3A_290 = tpu.vector_load %arg14[%get3A_288, %get3A_289] {strides = array<i32>} : memref<128x32xf32, #tpu.memory_space<vmem>>, vector<1x16xf32>,
        %get3A_291 = vector.shape_cast %get3A_290 : vector<1x16xf32> to vector<16xf32>
        %mul3A_292 = vector.broadcast %squeeze3A_287 : f32 to vector<16xf32>
        %mul3A_293 = arith.mulf %get3A_291, %mul3A_292 : vector<16xf32>
        %swap3A_294 = arith.index_cast %add3A_285 : i32 to index
        %swap3A_295 = arith.constant 0 : index
        %swap3A_296 = tpu.vector_load %arg14[%swap3A_294, %swap3A_295] {strides = array<i32>} : memref<128x32xf32, #tpu.memory_space<vmem>>, vector<1x16xf32>,
        %swap3A_297 = vector.shape_cast %swap3A_296 : vector<1x16xf32> to vector<16xf32>
        %swap3A_298 = vector.shape_cast %mul3A_293 : vector<16xf32> to vector<1x16xf32>
        tpu.vector_store %arg14[%swap3A_294, %swap3A_295], %swap3A_298 {strides = array<i32>} : memref<128x32xf32, #tpu.memory_space<vmem>>, vector<1x16xf32>,
        %get3A_299 = arith.index_cast %add3A_285 : i32 to index
        %get3A_300 = arith.constant 16 : index
        %get3A_301 = tpu.vector_load %arg14[%get3A_299, %get3A_300] {strides = array<i32>} : memref<128x32xf32, #tpu.memory_space<vmem>>, vector<1x16xf32>,
        %get3A_302 = vector.shape_cast %get3A_301 : vector<1x16xf32> to vector<16xf32>
        %mul3A_303 = vector.broadcast %squeeze3A_287 : f32 to vector<16xf32>
        %mul3A_304 = arith.mulf %get3A_302, %mul3A_303 : vector<16xf32>
        %swap3A_305 = arith.index_cast %add3A_285 : i32 to index
        %swap3A_306 = arith.constant 16 : index
        %swap3A_307 = tpu.vector_load %arg14[%swap3A_305, %swap3A_306] {strides = array<i32>} : memref<128x32xf32, #tpu.memory_space<vmem>>, vector<1x16xf32>,
        %swap3A_308 = vector.shape_cast %swap3A_307 : vector<1x16xf32> to vector<16xf32>
        %swap3A_309 = vector.shape_cast %mul3A_304 : vector<16xf32> to vector<1x16xf32>
        tpu.vector_store %arg14[%swap3A_305, %swap3A_306], %swap3A_309 {strides = array<i32>} : memref<128x32xf32, #tpu.memory_space<vmem>>, vector<1x16xf32>,
        %mul3A_310 = arith.constant 16 : i32
        %mul3A_311 = arith.muli %scan3A_138, %mul3A_310 : i32
        %add3A_312 = arith.constant 6 : i32
        %add3A_313 = arith.addi %mul3A_311, %add3A_312 : i32
        %slice3A_314 = vector.extract_strided_slice %get3A_143 {offsets = [6], sizes = [1], strides = [1]} : vector<16xf32> to vector<1xf32>
        %squeeze3A_315 = vector.extract %slice3A_314[0] : f32 from vector<1xf32>
        %get3A_316 = arith.index_cast %add3A_313 : i32 to index
        %get3A_317 = arith.constant 0 : index
        %get3A_318 = tpu.vector_load %arg14[%get3A_316, %get3A_317] {strides = array<i32>} : memref<128x32xf32, #tpu.memory_space<vmem>>, vector<1x16xf32>,
        %get3A_319 = vector.shape_cast %get3A_318 : vector<1x16xf32> to vector<16xf32>
        %mul3A_320 = vector.broadcast %squeeze3A_315 : f32 to vector<16xf32>
        %mul3A_321 = arith.mulf %get3A_319, %mul3A_320 : vector<16xf32>
        %swap3A_322 = arith.index_cast %add3A_313 : i32 to index
        %swap3A_323 = arith.constant 0 : index
        %swap3A_324 = tpu.vector_load %arg14[%swap3A_322, %swap3A_323] {strides = array<i32>} : memref<128x32xf32, #tpu.memory_space<vmem>>, vector<1x16xf32>,
        %swap3A_325 = vector.shape_cast %swap3A_324 : vector<1x16xf32> to vector<16xf32>
        %swap3A_326 = vector.shape_cast %mul3A_321 : vector<16xf32> to vector<1x16xf32>
        tpu.vector_store %arg14[%swap3A_322, %swap3A_323], %swap3A_326 {strides = array<i32>} : memref<128x32xf32, #tpu.memory_space<vmem>>, vector<1x16xf32>,
        %get3A_327 = arith.index_cast %add3A_313 : i32 to index
        %get3A_328 = arith.constant 16 : index
        %get3A_329 = tpu.vector_load %arg14[%get3A_327, %get3A_328] {strides = array<i32>} : memref<128x32xf32, #tpu.memory_space<vmem>>, vector<1x16xf32>,
        %get3A_330 = vector.shape_cast %get3A_329 : vector<1x16xf32> to vector<16xf32>
        %mul3A_331 = vector.broadcast %squeeze3A_315 : f32 to vector<16xf32>
        %mul3A_332 = arith.mulf %get3A_330, %mul3A_331 : vector<16xf32>
        %swap3A_333 = arith.index_cast %add3A_313 : i32 to index
        %swap3A_334 = arith.constant 16 : index
        %swap3A_335 = tpu.vector_load %arg14[%swap3A_333, %swap3A_334] {strides = array<i32>} : memref<128x32xf32, #tpu.memory_space<vmem>>, vector<1x16xf32>,
        %swap3A_336 = vector.shape_cast %swap3A_335 : vector<1x16xf32> to vector<16xf32>
        %swap3A_337 = vector.shape_cast %mul3A_332 : vector<16xf32> to vector<1x16xf32>
        tpu.vector_store %arg14[%swap3A_333, %swap3A_334], %swap3A_337 {strides = array<i32>} : memref<128x32xf32, #tpu.memory_space<vmem>>, vector<1x16xf32>,
        %mul3A_338 = arith.constant 16 : i32
        %mul3A_339 = arith.muli %scan3A_138, %mul3A_338 : i32
        %add3A_340 = arith.constant 7 : i32
        %add3A_341 = arith.addi %mul3A_339, %add3A_340 : i32
        %slice3A_342 = vector.extract_strided_slice %get3A_143 {offsets = [7], sizes = [1], strides = [1]} : vector<16xf32> to vector<1xf32>
        %squeeze3A_343 = vector.extract %slice3A_342[0] : f32 from vector<1xf32>
        %get3A_344 = arith.index_cast %add3A_341 : i32 to index
        %get3A_345 = arith.constant 0 : index
        %get3A_346 = tpu.vector_load %arg14[%get3A_344, %get3A_345] {strides = array<i32>} : memref<128x32xf32, #tpu.memory_space<vmem>>, vector<1x16xf32>,
        %get3A_347 = vector.shape_cast %get3A_346 : vector<1x16xf32> to vector<16xf32>
        %mul3A_348 = vector.broadcast %squeeze3A_343 : f32 to vector<16xf32>
        %mul3A_349 = arith.mulf %get3A_347, %mul3A_348 : vector<16xf32>
        %swap3A_350 = arith.index_cast %add3A_341 : i32 to index
        %swap3A_351 = arith.constant 0 : index
        %swap3A_352 = tpu.vector_load %arg14[%swap3A_350, %swap3A_351] {strides = array<i32>} : memref<128x32xf32, #tpu.memory_space<vmem>>, vector<1x16xf32>,
        %swap3A_353 = vector.shape_cast %swap3A_352 : vector<1x16xf32> to vector<16xf32>
        %swap3A_354 = vector.shape_cast %mul3A_349 : vector<16xf32> to vector<1x16xf32>
        tpu.vector_store %arg14[%swap3A_350, %swap3A_351], %swap3A_354 {strides = array<i32>} : memref<128x32xf32, #tpu.memory_space<vmem>>, vector<1x16xf32>,
        %get3A_355 = arith.index_cast %add3A_341 : i32 to index
        %get3A_356 = arith.constant 16 : index
        %get3A_357 = tpu.vector_load %arg14[%get3A_355, %get3A_356] {strides = array<i32>} : memref<128x32xf32, #tpu.memory_space<vmem>>, vector<1x16xf32>,
        %get3A_358 = vector.shape_cast %get3A_357 : vector<1x16xf32> to vector<16xf32>
        %mul3A_359 = vector.broadcast %squeeze3A_343 : f32 to vector<16xf32>
        %mul3A_360 = arith.mulf %get3A_358, %mul3A_359 : vector<16xf32>
        %swap3A_361 = arith.index_cast %add3A_341 : i32 to index
        %swap3A_362 = arith.constant 16 : index
        %swap3A_363 = tpu.vector_load %arg14[%swap3A_361, %swap3A_362] {strides = array<i32>} : memref<128x32xf32, #tpu.memory_space<vmem>>, vector<1x16xf32>,
        %swap3A_364 = vector.shape_cast %swap3A_363 : vector<1x16xf32> to vector<16xf32>
        %swap3A_365 = vector.shape_cast %mul3A_360 : vector<16xf32> to vector<1x16xf32>
        tpu.vector_store %arg14[%swap3A_361, %swap3A_362], %swap3A_365 {strides = array<i32>} : memref<128x32xf32, #tpu.memory_space<vmem>>, vector<1x16xf32>,
        %mul3A_366 = arith.constant 16 : i32
        %mul3A_367 = arith.muli %scan3A_138, %mul3A_366 : i32
        %add3A_368 = arith.constant 8 : i32
        %add3A_369 = arith.addi %mul3A_367, %add3A_368 : i32
        %slice3A_370 = vector.extract_strided_slice %get3A_143 {offsets = [8], sizes = [1], strides = [1]} : vector<16xf32> to vector<1xf32>
        %squeeze3A_371 = vector.extract %slice3A_370[0] : f32 from vector<1xf32>
        %get3A_372 = arith.index_cast %add3A_369 : i32 to index
        %get3A_373 = arith.constant 0 : index
        %get3A_374 = tpu.vector_load %arg14[%get3A_372, %get3A_373] {strides = array<i32>} : memref<128x32xf32, #tpu.memory_space<vmem>>, vector<1x16xf32>,
        %get3A_375 = vector.shape_cast %get3A_374 : vector<1x16xf32> to vector<16xf32>
        %mul3A_376 = vector.broadcast %squeeze3A_371 : f32 to vector<16xf32>
        %mul3A_377 = arith.mulf %get3A_375, %mul3A_376 : vector<16xf32>
        %swap3A_378 = arith.index_cast %add3A_369 : i32 to index
        %swap3A_379 = arith.constant 0 : index
        %swap3A_380 = tpu.vector_load %arg14[%swap3A_378, %swap3A_379] {strides = array<i32>} : memref<128x32xf32, #tpu.memory_space<vmem>>, vector<1x16xf32>,
        %swap3A_381 = vector.shape_cast %swap3A_380 : vector<1x16xf32> to vector<16xf32>
        %swap3A_382 = vector.shape_cast %mul3A_377 : vector<16xf32> to vector<1x16xf32>
        tpu.vector_store %arg14[%swap3A_378, %swap3A_379], %swap3A_382 {strides = array<i32>} : memref<128x32xf32, #tpu.memory_space<vmem>>, vector<1x16xf32>,
        %get3A_383 = arith.index_cast %add3A_369 : i32 to index
        %get3A_384 = arith.constant 16 : index
        %get3A_385 = tpu.vector_load %arg14[%get3A_383, %get3A_384] {strides = array<i32>} : memref<128x32xf32, #tpu.memory_space<vmem>>, vector<1x16xf32>,
        %get3A_386 = vector.shape_cast %get3A_385 : vector<1x16xf32> to vector<16xf32>
        %mul3A_387 = vector.broadcast %squeeze3A_371 : f32 to vector<16xf32>
        %mul3A_388 = arith.mulf %get3A_386, %mul3A_387 : vector<16xf32>
        %swap3A_389 = arith.index_cast %add3A_369 : i32 to index
        %swap3A_390 = arith.constant 16 : index
        %swap3A_391 = tpu.vector_load %arg14[%swap3A_389, %swap3A_390] {strides = array<i32>} : memref<128x32xf32, #tpu.memory_space<vmem>>, vector<1x16xf32>,
        %swap3A_392 = vector.shape_cast %swap3A_391 : vector<1x16xf32> to vector<16xf32>
        %swap3A_393 = vector.shape_cast %mul3A_388 : vector<16xf32> to vector<1x16xf32>
        tpu.vector_store %arg14[%swap3A_389, %swap3A_390], %swap3A_393 {strides = array<i32>} : memref<128x32xf32, #tpu.memory_space<vmem>>, vector<1x16xf32>,
        %mul3A_394 = arith.constant 16 : i32
        %mul3A_395 = arith.muli %scan3A_138, %mul3A_394 : i32
        %add3A_396 = arith.constant 9 : i32
        %add3A_397 = arith.addi %mul3A_395, %add3A_396 : i32
        %slice3A_398 = vector.extract_strided_slice %get3A_143 {offsets = [9], sizes = [1], strides = [1]} : vector<16xf32> to vector<1xf32>
        %squeeze3A_399 = vector.extract %slice3A_398[0] : f32 from vector<1xf32>
        %get3A_400 = arith.index_cast %add3A_397 : i32 to index
        %get3A_401 = arith.constant 0 : index
        %get3A_402 = tpu.vector_load %arg14[%get3A_400, %get3A_401] {strides = array<i32>} : memref<128x32xf32, #tpu.memory_space<vmem>>, vector<1x16xf32>,
        %get3A_403 = vector.shape_cast %get3A_402 : vector<1x16xf32> to vector<16xf32>
        %mul3A_404 = vector.broadcast %squeeze3A_399 : f32 to vector<16xf32>
        %mul3A_405 = arith.mulf %get3A_403, %mul3A_404 : vector<16xf32>
        %swap3A_406 = arith.index_cast %add3A_397 : i32 to index
        %swap3A_407 = arith.constant 0 : index
        %swap3A_408 = tpu.vector_load %arg14[%swap3A_406, %swap3A_407] {strides = array<i32>} : memref<128x32xf32, #tpu.memory_space<vmem>>, vector<1x16xf32>,
        %swap3A_409 = vector.shape_cast %swap3A_408 : vector<1x16xf32> to vector<16xf32>
        %swap3A_410 = vector.shape_cast %mul3A_405 : vector<16xf32> to vector<1x16xf32>
        tpu.vector_store %arg14[%swap3A_406, %swap3A_407], %swap3A_410 {strides = array<i32>} : memref<128x32xf32, #tpu.memory_space<vmem>>, vector<1x16xf32>,
        %get3A_411 = arith.index_cast %add3A_397 : i32 to index
        %get3A_412 = arith.constant 16 : index
        %get3A_413 = tpu.vector_load %arg14[%get3A_411, %get3A_412] {strides = array<i32>} : memref<128x32xf32, #tpu.memory_space<vmem>>, vector<1x16xf32>,
        %get3A_414 = vector.shape_cast %get3A_413 : vector<1x16xf32> to vector<16xf32>
        %mul3A_415 = vector.broadcast %squeeze3A_399 : f32 to vector<16xf32>
        %mul3A_416 = arith.mulf %get3A_414, %mul3A_415 : vector<16xf32>
        %swap3A_417 = arith.index_cast %add3A_397 : i32 to index
        %swap3A_418 = arith.constant 16 : index
        %swap3A_419 = tpu.vector_load %arg14[%swap3A_417, %swap3A_418] {strides = array<i32>} : memref<128x32xf32, #tpu.memory_space<vmem>>, vector<1x16xf32>,
        %swap3A_420 = vector.shape_cast %swap3A_419 : vector<1x16xf32> to vector<16xf32>
        %swap3A_421 = vector.shape_cast %mul3A_416 : vector<16xf32> to vector<1x16xf32>
        tpu.vector_store %arg14[%swap3A_417, %swap3A_418], %swap3A_421 {strides = array<i32>} : memref<128x32xf32, #tpu.memory_space<vmem>>, vector<1x16xf32>,
        %mul3A_422 = arith.constant 16 : i32
        %mul3A_423 = arith.muli %scan3A_138, %mul3A_422 : i32
        %add3A_424 = arith.constant 10 : i32
        %add3A_425 = arith.addi %mul3A_423, %add3A_424 : i32
        %slice3A_426 = vector.extract_strided_slice %get3A_143 {offsets = [10], sizes = [1], strides = [1]} : vector<16xf32> to vector<1xf32>
        %squeeze3A_427 = vector.extract %slice3A_426[0] : f32 from vector<1xf32>
        %get3A_428 = arith.index_cast %add3A_425 : i32 to index
        %get3A_429 = arith.constant 0 : index
        %get3A_430 = tpu.vector_load %arg14[%get3A_428, %get3A_429] {strides = array<i32>} : memref<128x32xf32, #tpu.memory_space<vmem>>, vector<1x16xf32>,
        %get3A_431 = vector.shape_cast %get3A_430 : vector<1x16xf32> to vector<16xf32>
        %mul3A_432 = vector.broadcast %squeeze3A_427 : f32 to vector<16xf32>
        %mul3A_433 = arith.mulf %get3A_431, %mul3A_432 : vector<16xf32>
        %swap3A_434 = arith.index_cast %add3A_425 : i32 to index
        %swap3A_435 = arith.constant 0 : index
        %swap3A_436 = tpu.vector_load %arg14[%swap3A_434, %swap3A_435] {strides = array<i32>} : memref<128x32xf32, #tpu.memory_space<vmem>>, vector<1x16xf32>,
        %swap3A_437 = vector.shape_cast %swap3A_436 : vector<1x16xf32> to vector<16xf32>
        %swap3A_438 = vector.shape_cast %mul3A_433 : vector<16xf32> to vector<1x16xf32>
        tpu.vector_store %arg14[%swap3A_434, %swap3A_435], %swap3A_438 {strides = array<i32>} : memref<128x32xf32, #tpu.memory_space<vmem>>, vector<1x16xf32>,
        %get3A_439 = arith.index_cast %add3A_425 : i32 to index
        %get3A_440 = arith.constant 16 : index
        %get3A_441 = tpu.vector_load %arg14[%get3A_439, %get3A_440] {strides = array<i32>} : memref<128x32xf32, #tpu.memory_space<vmem>>, vector<1x16xf32>,
        %get3A_442 = vector.shape_cast %get3A_441 : vector<1x16xf32> to vector<16xf32>
        %mul3A_443 = vector.broadcast %squeeze3A_427 : f32 to vector<16xf32>
        %mul3A_444 = arith.mulf %get3A_442, %mul3A_443 : vector<16xf32>
        %swap3A_445 = arith.index_cast %add3A_425 : i32 to index
        %swap3A_446 = arith.constant 16 : index
        %swap3A_447 = tpu.vector_load %arg14[%swap3A_445, %swap3A_446] {strides = array<i32>} : memref<128x32xf32, #tpu.memory_space<vmem>>, vector<1x16xf32>,
        %swap3A_448 = vector.shape_cast %swap3A_447 : vector<1x16xf32> to vector<16xf32>
        %swap3A_449 = vector.shape_cast %mul3A_444 : vector<16xf32> to vector<1x16xf32>
        tpu.vector_store %arg14[%swap3A_445, %swap3A_446], %swap3A_449 {strides = array<i32>} : memref<128x32xf32, #tpu.memory_space<vmem>>, vector<1x16xf32>,
        %mul3A_450 = arith.constant 16 : i32
        %mul3A_451 = arith.muli %scan3A_138, %mul3A_450 : i32
        %add3A_452 = arith.constant 11 : i32
        %add3A_453 = arith.addi %mul3A_451, %add3A_452 : i32
        %slice3A_454 = vector.extract_strided_slice %get3A_143 {offsets = [11], sizes = [1], strides = [1]} : vector<16xf32> to vector<1xf32>
        %squeeze3A_455 = vector.extract %slice3A_454[0] : f32 from vector<1xf32>
        %get3A_456 = arith.index_cast %add3A_453 : i32 to index
        %get3A_457 = arith.constant 0 : index
        %get3A_458 = tpu.vector_load %arg14[%get3A_456, %get3A_457] {strides = array<i32>} : memref<128x32xf32, #tpu.memory_space<vmem>>, vector<1x16xf32>,
        %get3A_459 = vector.shape_cast %get3A_458 : vector<1x16xf32> to vector<16xf32>
        %mul3A_460 = vector.broadcast %squeeze3A_455 : f32 to vector<16xf32>
        %mul3A_461 = arith.mulf %get3A_459, %mul3A_460 : vector<16xf32>
        %swap3A_462 = arith.index_cast %add3A_453 : i32 to index
        %swap3A_463 = arith.constant 0 : index
        %swap3A_464 = tpu.vector_load %arg14[%swap3A_462, %swap3A_463] {strides = array<i32>} : memref<128x32xf32, #tpu.memory_space<vmem>>, vector<1x16xf32>,
        %swap3A_465 = vector.shape_cast %swap3A_464 : vector<1x16xf32> to vector<16xf32>
        %swap3A_466 = vector.shape_cast %mul3A_461 : vector<16xf32> to vector<1x16xf32>
        tpu.vector_store %arg14[%swap3A_462, %swap3A_463], %swap3A_466 {strides = array<i32>} : memref<128x32xf32, #tpu.memory_space<vmem>>, vector<1x16xf32>,
        %get3A_467 = arith.index_cast %add3A_453 : i32 to index
        %get3A_468 = arith.constant 16 : index
        %get3A_469 = tpu.vector_load %arg14[%get3A_467, %get3A_468] {strides = array<i32>} : memref<128x32xf32, #tpu.memory_space<vmem>>, vector<1x16xf32>,
        %get3A_470 = vector.shape_cast %get3A_469 : vector<1x16xf32> to vector<16xf32>
        %mul3A_471 = vector.broadcast %squeeze3A_455 : f32 to vector<16xf32>
        %mul3A_472 = arith.mulf %get3A_470, %mul3A_471 : vector<16xf32>
        %swap3A_473 = arith.index_cast %add3A_453 : i32 to index
        %swap3A_474 = arith.constant 16 : index
        %swap3A_475 = tpu.vector_load %arg14[%swap3A_473, %swap3A_474] {strides = array<i32>} : memref<128x32xf32, #tpu.memory_space<vmem>>, vector<1x16xf32>,
        %swap3A_476 = vector.shape_cast %swap3A_475 : vector<1x16xf32> to vector<16xf32>
        %swap3A_477 = vector.shape_cast %mul3A_472 : vector<16xf32> to vector<1x16xf32>
        tpu.vector_store %arg14[%swap3A_473, %swap3A_474], %swap3A_477 {strides = array<i32>} : memref<128x32xf32, #tpu.memory_space<vmem>>, vector<1x16xf32>,
        %mul3A_478 = arith.constant 16 : i32
        %mul3A_479 = arith.muli %scan3A_138, %mul3A_478 : i32
        %add3A_480 = arith.constant 12 : i32
        %add3A_481 = arith.addi %mul3A_479, %add3A_480 : i32
        %slice3A_482 = vector.extract_strided_slice %get3A_143 {offsets = [12], sizes = [1], strides = [1]} : vector<16xf32> to vector<1xf32>
        %squeeze3A_483 = vector.extract %slice3A_482[0] : f32 from vector<1xf32>
        %get3A_484 = arith.index_cast %add3A_481 : i32 to index
        %get3A_485 = arith.constant 0 : index
        %get3A_486 = tpu.vector_load %arg14[%get3A_484, %get3A_485] {strides = array<i32>} : memref<128x32xf32, #tpu.memory_space<vmem>>, vector<1x16xf32>,
        %get3A_487 = vector.shape_cast %get3A_486 : vector<1x16xf32> to vector<16xf32>
        %mul3A_488 = vector.broadcast %squeeze3A_483 : f32 to vector<16xf32>
        %mul3A_489 = arith.mulf %get3A_487, %mul3A_488 : vector<16xf32>
        %swap3A_490 = arith.index_cast %add3A_481 : i32 to index
        %swap3A_491 = arith.constant 0 : index
        %swap3A_492 = tpu.vector_load %arg14[%swap3A_490, %swap3A_491] {strides = array<i32>} : memref<128x32xf32, #tpu.memory_space<vmem>>, vector<1x16xf32>,
        %swap3A_493 = vector.shape_cast %swap3A_492 : vector<1x16xf32> to vector<16xf32>
        %swap3A_494 = vector.shape_cast %mul3A_489 : vector<16xf32> to vector<1x16xf32>
        tpu.vector_store %arg14[%swap3A_490, %swap3A_491], %swap3A_494 {strides = array<i32>} : memref<128x32xf32, #tpu.memory_space<vmem>>, vector<1x16xf32>,
        %get3A_495 = arith.index_cast %add3A_481 : i32 to index
        %get3A_496 = arith.constant 16 : index
        %get3A_497 = tpu.vector_load %arg14[%get3A_495, %get3A_496] {strides = array<i32>} : memref<128x32xf32, #tpu.memory_space<vmem>>, vector<1x16xf32>,
        %get3A_498 = vector.shape_cast %get3A_497 : vector<1x16xf32> to vector<16xf32>
        %mul3A_499 = vector.broadcast %squeeze3A_483 : f32 to vector<16xf32>
        %mul3A_500 = arith.mulf %get3A_498, %mul3A_499 : vector<16xf32>
        %swap3A_501 = arith.index_cast %add3A_481 : i32 to index
        %swap3A_502 = arith.constant 16 : index
        %swap3A_503 = tpu.vector_load %arg14[%swap3A_501, %swap3A_502] {strides = array<i32>} : memref<128x32xf32, #tpu.memory_space<vmem>>, vector<1x16xf32>,
        %swap3A_504 = vector.shape_cast %swap3A_503 : vector<1x16xf32> to vector<16xf32>
        %swap3A_505 = vector.shape_cast %mul3A_500 : vector<16xf32> to vector<1x16xf32>
        tpu.vector_store %arg14[%swap3A_501, %swap3A_502], %swap3A_505 {strides = array<i32>} : memref<128x32xf32, #tpu.memory_space<vmem>>, vector<1x16xf32>,
        %mul3A_506 = arith.constant 16 : i32
        %mul3A_507 = arith.muli %scan3A_138, %mul3A_506 : i32
        %add3A_508 = arith.constant 13 : i32
        %add3A_509 = arith.addi %mul3A_507, %add3A_508 : i32
        %slice3A_510 = vector.extract_strided_slice %get3A_143 {offsets = [13], sizes = [1], strides = [1]} : vector<16xf32> to vector<1xf32>
        %squeeze3A_511 = vector.extract %slice3A_510[0] : f32 from vector<1xf32>
        %get3A_512 = arith.index_cast %add3A_509 : i32 to index
        %get3A_513 = arith.constant 0 : index
        %get3A_514 = tpu.vector_load %arg14[%get3A_512, %get3A_513] {strides = array<i32>} : memref<128x32xf32, #tpu.memory_space<vmem>>, vector<1x16xf32>,
        %get3A_515 = vector.shape_cast %get3A_514 : vector<1x16xf32> to vector<16xf32>
        %mul3A_516 = vector.broadcast %squeeze3A_511 : f32 to vector<16xf32>
        %mul3A_517 = arith.mulf %get3A_515, %mul3A_516 : vector<16xf32>
        %swap3A_518 = arith.index_cast %add3A_509 : i32 to index
        %swap3A_519 = arith.constant 0 : index
        %swap3A_520 = tpu.vector_load %arg14[%swap3A_518, %swap3A_519] {strides = array<i32>} : memref<128x32xf32, #tpu.memory_space<vmem>>, vector<1x16xf32>,
        %swap3A_521 = vector.shape_cast %swap3A_520 : vector<1x16xf32> to vector<16xf32>
        %swap3A_522 = vector.shape_cast %mul3A_517 : vector<16xf32> to vector<1x16xf32>
        tpu.vector_store %arg14[%swap3A_518, %swap3A_519], %swap3A_522 {strides = array<i32>} : memref<128x32xf32, #tpu.memory_space<vmem>>, vector<1x16xf32>,
        %get3A_523 = arith.index_cast %add3A_509 : i32 to index
        %get3A_524 = arith.constant 16 : index
        %get3A_525 = tpu.vector_load %arg14[%get3A_523, %get3A_524] {strides = array<i32>} : memref<128x32xf32, #tpu.memory_space<vmem>>, vector<1x16xf32>,
        %get3A_526 = vector.shape_cast %get3A_525 : vector<1x16xf32> to vector<16xf32>
        %mul3A_527 = vector.broadcast %squeeze3A_511 : f32 to vector<16xf32>
        %mul3A_528 = arith.mulf %get3A_526, %mul3A_527 : vector<16xf32>
        %swap3A_529 = arith.index_cast %add3A_509 : i32 to index
        %swap3A_530 = arith.constant 16 : index
        %swap3A_531 = tpu.vector_load %arg14[%swap3A_529, %swap3A_530] {strides = array<i32>} : memref<128x32xf32, #tpu.memory_space<vmem>>, vector<1x16xf32>,
        %swap3A_532 = vector.shape_cast %swap3A_531 : vector<1x16xf32> to vector<16xf32>
        %swap3A_533 = vector.shape_cast %mul3A_528 : vector<16xf32> to vector<1x16xf32>
        tpu.vector_store %arg14[%swap3A_529, %swap3A_530], %swap3A_533 {strides = array<i32>} : memref<128x32xf32, #tpu.memory_space<vmem>>, vector<1x16xf32>,
        %mul3A_534 = arith.constant 16 : i32
        %mul3A_535 = arith.muli %scan3A_138, %mul3A_534 : i32
        %add3A_536 = arith.constant 14 : i32
        %add3A_537 = arith.addi %mul3A_535, %add3A_536 : i32
        %slice3A_538 = vector.extract_strided_slice %get3A_143 {offsets = [14], sizes = [1], strides = [1]} : vector<16xf32> to vector<1xf32>
        %squeeze3A_539 = vector.extract %slice3A_538[0] : f32 from vector<1xf32>
        %get3A_540 = arith.index_cast %add3A_537 : i32 to index
        %get3A_541 = arith.constant 0 : index
        %get3A_542 = tpu.vector_load %arg14[%get3A_540, %get3A_541] {strides = array<i32>} : memref<128x32xf32, #tpu.memory_space<vmem>>, vector<1x16xf32>,
        %get3A_543 = vector.shape_cast %get3A_542 : vector<1x16xf32> to vector<16xf32>
        %mul3A_544 = vector.broadcast %squeeze3A_539 : f32 to vector<16xf32>
        %mul3A_545 = arith.mulf %get3A_543, %mul3A_544 : vector<16xf32>
        %swap3A_546 = arith.index_cast %add3A_537 : i32 to index
        %swap3A_547 = arith.constant 0 : index
        %swap3A_548 = tpu.vector_load %arg14[%swap3A_546, %swap3A_547] {strides = array<i32>} : memref<128x32xf32, #tpu.memory_space<vmem>>, vector<1x16xf32>,
        %swap3A_549 = vector.shape_cast %swap3A_548 : vector<1x16xf32> to vector<16xf32>
        %swap3A_550 = vector.shape_cast %mul3A_545 : vector<16xf32> to vector<1x16xf32>
        tpu.vector_store %arg14[%swap3A_546, %swap3A_547], %swap3A_550 {strides = array<i32>} : memref<128x32xf32, #tpu.memory_space<vmem>>, vector<1x16xf32>,
        %get3A_551 = arith.index_cast %add3A_537 : i32 to index
        %get3A_552 = arith.constant 16 : index
        %get3A_553 = tpu.vector_load %arg14[%get3A_551, %get3A_552] {strides = array<i32>} : memref<128x32xf32, #tpu.memory_space<vmem>>, vector<1x16xf32>,
        %get3A_554 = vector.shape_cast %get3A_553 : vector<1x16xf32> to vector<16xf32>
        %mul3A_555 = vector.broadcast %squeeze3A_539 : f32 to vector<16xf32>
        %mul3A_556 = arith.mulf %get3A_554, %mul3A_555 : vector<16xf32>
        %swap3A_557 = arith.index_cast %add3A_537 : i32 to index
        %swap3A_558 = arith.constant 16 : index
        %swap3A_559 = tpu.vector_load %arg14[%swap3A_557, %swap3A_558] {strides = array<i32>} : memref<128x32xf32, #tpu.memory_space<vmem>>, vector<1x16xf32>,
        %swap3A_560 = vector.shape_cast %swap3A_559 : vector<1x16xf32> to vector<16xf32>
        %swap3A_561 = vector.shape_cast %mul3A_556 : vector<16xf32> to vector<1x16xf32>
        tpu.vector_store %arg14[%swap3A_557, %swap3A_558], %swap3A_561 {strides = array<i32>} : memref<128x32xf32, #tpu.memory_space<vmem>>, vector<1x16xf32>,
        %mul3A_562 = arith.constant 16 : i32
        %mul3A_563 = arith.muli %scan3A_138, %mul3A_562 : i32
        %add3A_564 = arith.constant 15 : i32
        %add3A_565 = arith.addi %mul3A_563, %add3A_564 : i32
        %slice3A_566 = vector.extract_strided_slice %get3A_143 {offsets = [15], sizes = [1], strides = [1]} : vector<16xf32> to vector<1xf32>
        %squeeze3A_567 = vector.extract %slice3A_566[0] : f32 from vector<1xf32>
        %get3A_568 = arith.index_cast %add3A_565 : i32 to index
        %get3A_569 = arith.constant 0 : index
        %get3A_570 = tpu.vector_load %arg14[%get3A_568, %get3A_569] {strides = array<i32>} : memref<128x32xf32, #tpu.memory_space<vmem>>, vector<1x16xf32>,
        %get3A_571 = vector.shape_cast %get3A_570 : vector<1x16xf32> to vector<16xf32>
        %mul3A_572 = vector.broadcast %squeeze3A_567 : f32 to vector<16xf32>
        %mul3A_573 = arith.mulf %get3A_571, %mul3A_572 : vector<16xf32>
        %swap3A_574 = arith.index_cast %add3A_565 : i32 to index
        %swap3A_575 = arith.constant 0 : index
        %swap3A_576 = tpu.vector_load %arg14[%swap3A_574, %swap3A_575] {strides = array<i32>} : memref<128x32xf32, #tpu.memory_space<vmem>>, vector<1x16xf32>,
        %swap3A_577 = vector.shape_cast %swap3A_576 : vector<1x16xf32> to vector<16xf32>
        %swap3A_578 = vector.shape_cast %mul3A_573 : vector<16xf32> to vector<1x16xf32>
        tpu.vector_store %arg14[%swap3A_574, %swap3A_575], %swap3A_578 {strides = array<i32>} : memref<128x32xf32, #tpu.memory_space<vmem>>, vector<1x16xf32>,
        %get3A_579 = arith.index_cast %add3A_565 : i32 to index
        %get3A_580 = arith.constant 16 : index
        %get3A_581 = tpu.vector_load %arg14[%get3A_579, %get3A_580] {strides = array<i32>} : memref<128x32xf32, #tpu.memory_space<vmem>>, vector<1x16xf32>,
        %get3A_582 = vector.shape_cast %get3A_581 : vector<1x16xf32> to vector<16xf32>
        %mul3A_583 = vector.broadcast %squeeze3A_567 : f32 to vector<16xf32>
        %mul3A_584 = arith.mulf %get3A_582, %mul3A_583 : vector<16xf32>
        %swap3A_585 = arith.index_cast %add3A_565 : i32 to index
        %swap3A_586 = arith.constant 16 : index
        %swap3A_587 = tpu.vector_load %arg14[%swap3A_585, %swap3A_586] {strides = array<i32>} : memref<128x32xf32, #tpu.memory_space<vmem>>, vector<1x16xf32>,
        %swap3A_588 = vector.shape_cast %swap3A_587 : vector<1x16xf32> to vector<16xf32>
        %swap3A_589 = vector.shape_cast %mul3A_584 : vector<16xf32> to vector<1x16xf32>
        tpu.vector_store %arg14[%swap3A_585, %swap3A_586], %swap3A_589 {strides = array<i32>} : memref<128x32xf32, #tpu.memory_space<vmem>>, vector<1x16xf32>,
      }
      %scan3A_137 = arith.constant 8 : i32
      "tpu.region"() ({
        %run_scoped3A = tpu.sem_alloc : memref<!tpu.dma_semaphore, #tpu.memory_space<semaphore_mem>>
        %dma_start3A_138 = arith.constant 0 : i32
        %dma_start3A_139 = arith.constant 0 : i32
        %dma_start3A_140 = tpu.memref_slice %arg10[%dma_start3A_138, %dma_start3A_139] : memref<50048x32xf32, #tpu.memory_space<vmem_shared>> -> memref<50048x32xf32, #tpu.memory_space<vmem_shared>>
        tpu.enqueue_indirect_dma source(%arg14 : memref<128x32xf32, #tpu.memory_space<vmem>>) target(%dma_start3A_140 : memref<50048x32xf32, #tpu.memory_space<vmem_shared>>) offsets(%arg12 : memref<128xi32, #tpu.memory_space<vmem>>) semaphore(%run_scoped3A : memref<!tpu.dma_semaphore, #tpu.memory_space<semaphore_mem>>) {add = true}
        %dma_wait3A_141 = arith.constant 0 : i32
        %dma_wait3A_142 = arith.constant 0 : i32
        %dma_wait3A_143 = tpu.memref_slice %arg10[%dma_wait3A_141, %dma_wait3A_142] : memref<50048x32xf32, #tpu.memory_space<vmem_shared>> -> memref<50048x32xf32, #tpu.memory_space<vmem_shared>>
        tpu.wait_indirect_dma semaphore(%run_scoped3A : memref<!tpu.dma_semaphore, #tpu.memory_space<semaphore_mem>>) src(%arg14 : memref<128x32xf32, #tpu.memory_space<vmem>>) dst(%dma_wait3A_143 : memref<50048x32xf32, #tpu.memory_space<vmem_shared>>)
        tpu.yield
      }) : () -> ()
    }
    %scan3A_9 = arith.constant 391 : i32
    %barrier3A_10 = arith.constant 0 : index
    tpu.barrier barrier_id(%barrier3A_10)
    %mul3A_11 = arith.constant 3128 : i32
    %mul3A_12 = arith.muli %arg1, %mul3A_11 : i32
    %mul3A_13 = arith.constant 3128 : i32
    %mul3A_14 = arith.muli %arg1, %mul3A_13 : i32
    %add3A = arith.addi %mul3A_0, %mul3A_14 : i32
    "tpu.region"() ({
      %run_scoped3A = tpu.sem_alloc : memref<!tpu.dma_semaphore, #tpu.memory_space<semaphore_mem>>
      %dma_start3A = arith.constant 0 : i32
      %dma_start3A_54 = tpu.memref_slice %arg7[%add3A, %dma_start3A] : memref<100096x32xf32, #tpu.memory_space<hbm>> -> memref<3128x32xf32, #tpu.memory_space<hbm>>
      %dma_start3A_55 = arith.constant 0 : i32
      %dma_start3A_56 = tpu.memref_slice %arg10[%mul3A_12, %dma_start3A_55] : memref<50048x32xf32, #tpu.memory_space<vmem_shared>> -> memref<3128x32xf32, #tpu.memory_space<vmem_shared>>
      tpu.enqueue_dma source(%dma_start3A_56 : memref<3128x32xf32, #tpu.memory_space<vmem_shared>>) target(%dma_start3A_54 : memref<3128x32xf32, #tpu.memory_space<hbm>>) target_semaphore(%run_scoped3A : memref<!tpu.dma_semaphore, #tpu.memory_space<semaphore_mem>>)
      %dma_wait3A = arith.constant 0 : i32
      %dma_wait3A_57 = tpu.memref_slice %arg7[%add3A, %dma_wait3A] : memref<100096x32xf32, #tpu.memory_space<hbm>> -> memref<3128x32xf32, #tpu.memory_space<hbm>>
      %dma_wait3A_58 = arith.constant 0 : i32
      %dma_wait3A_59 = tpu.memref_slice %arg10[%mul3A_12, %dma_wait3A_58] : memref<50048x32xf32, #tpu.memory_space<vmem_shared>> -> memref<3128x32xf32, #tpu.memory_space<vmem_shared>>
      tpu.wait_dma2 semaphore(%run_scoped3A : memref<!tpu.dma_semaphore, #tpu.memory_space<semaphore_mem>>) src(%dma_wait3A_59 : memref<3128x32xf32, #tpu.memory_space<vmem_shared>>) dst(%dma_wait3A_57 : memref<3128x32xf32, #tpu.memory_space<hbm>>)
      tpu.yield
    }) : () -> ()
    %barrier3A_15 = arith.constant 0 : index
    tpu.barrier barrier_id(%barrier3A_15)
    %eq3A_16 = arith.constant 0 : i32
    %eq3A_17 = arith.cmpi eq, %arg1, %eq3A_16 : i32
    %convert_element_type3A_18 = arith.extui %eq3A_17 : i1 to i32
    %cond3A_19 = arith.constant 0 : i32
    %cond3A_20 = arith.cmpi ne, %convert_element_type3A_18, %cond3A_19 : i32
    scf.if %cond3A_20 {
      "tpu.region"() ({
        %run_scoped3A = tpu.sem_alloc : memref<!tpu.dma_semaphore, #tpu.memory_space<semaphore_mem>>
        tpu.enqueue_dma source(%arg6 : memref<50048x32xf32, #tpu.memory_space<hbm>>) target(%arg10 : memref<50048x32xf32, #tpu.memory_space<vmem_shared>>) target_semaphore(%run_scoped3A : memref<!tpu.dma_semaphore, #tpu.memory_space<semaphore_mem>>)
        tpu.wait_dma2 semaphore(%run_scoped3A : memref<!tpu.dma_semaphore, #tpu.memory_space<semaphore_mem>>) src(%arg6 : memref<50048x32xf32, #tpu.memory_space<hbm>>) dst(%arg10 : memref<50048x32xf32, #tpu.memory_space<vmem_shared>>)
        tpu.yield
      }) : () -> ()
    } else {
    }
    %barrier3A_21 = arith.constant 0 : index
    tpu.barrier barrier_id(%barrier3A_21)
    %scan3A_22 = arith.constant 0 : i32
    %scan3A_23 = arith.constant 0 : i32
    %scan3A_24 = arith.constant 391 : i32
    %scan3A_25 = arith.addi %scan3A_23, %scan3A_24 : i32
    %scan3A_26 = arith.constant 1 : i32
    scf.for %scan3A_54 = %scan3A_23 to %scan3A_25 step %scan3A_26  : i32 {
      %mul3A_55 = arith.constant 128 : i32
      %mul3A_56 = arith.muli %scan3A_54, %mul3A_55 : i32
      %add3A_57 = arith.addi %mul3A_2, %mul3A_56 : i32
      "tpu.region"() ({
        %run_scoped3A = tpu.sem_alloc : memref<!tpu.dma_semaphore, #tpu.memory_space<semaphore_mem>>
        %dma_start3A_138 = tpu.memref_slice %arg3[%add3A_57] : memref<800768xi32, #tpu.memory_space<hbm>> -> memref<128xi32, #tpu.memory_space<hbm>>
        %dma_start3A_139 = tpu.memref_slice %arg3[%add3A_57] : memref<800768xi32, #tpu.memory_space<hbm>> -> memref<128xi32, #tpu.memory_space<hbm>>
        tpu.enqueue_dma source(%dma_start3A_139 : memref<128xi32, #tpu.memory_space<hbm>>) target(%arg11 : memref<128xi32, #tpu.memory_space<vmem>>) target_semaphore(%run_scoped3A : memref<!tpu.dma_semaphore, #tpu.memory_space<semaphore_mem>>)
        %dma_wait3A_140 = tpu.memref_slice %arg3[%add3A_57] : memref<800768xi32, #tpu.memory_space<hbm>> -> memref<128xi32, #tpu.memory_space<hbm>>
        %dma_wait3A_141 = tpu.memref_slice %arg3[%add3A_57] : memref<800768xi32, #tpu.memory_space<hbm>> -> memref<128xi32, #tpu.memory_space<hbm>>
        tpu.wait_dma2 semaphore(%run_scoped3A : memref<!tpu.dma_semaphore, #tpu.memory_space<semaphore_mem>>) src(%dma_wait3A_141 : memref<128xi32, #tpu.memory_space<hbm>>) dst(%arg11 : memref<128xi32, #tpu.memory_space<vmem>>)
        tpu.yield
      }) : () -> ()
      "tpu.region"() ({
        %run_scoped3A = tpu.sem_alloc : memref<!tpu.dma_semaphore, #tpu.memory_space<semaphore_mem>>
        %dma_start3A_138 = tpu.memref_slice %arg4[%add3A_57] : memref<800768xi32, #tpu.memory_space<hbm>> -> memref<128xi32, #tpu.memory_space<hbm>>
        %dma_start3A_139 = tpu.memref_slice %arg4[%add3A_57] : memref<800768xi32, #tpu.memory_space<hbm>> -> memref<128xi32, #tpu.memory_space<hbm>>
        tpu.enqueue_dma source(%dma_start3A_139 : memref<128xi32, #tpu.memory_space<hbm>>) target(%arg12 : memref<128xi32, #tpu.memory_space<vmem>>) target_semaphore(%run_scoped3A : memref<!tpu.dma_semaphore, #tpu.memory_space<semaphore_mem>>)
        %dma_wait3A_140 = tpu.memref_slice %arg4[%add3A_57] : memref<800768xi32, #tpu.memory_space<hbm>> -> memref<128xi32, #tpu.memory_space<hbm>>
        %dma_wait3A_141 = tpu.memref_slice %arg4[%add3A_57] : memref<800768xi32, #tpu.memory_space<hbm>> -> memref<128xi32, #tpu.memory_space<hbm>>
        tpu.wait_dma2 semaphore(%run_scoped3A : memref<!tpu.dma_semaphore, #tpu.memory_space<semaphore_mem>>) src(%dma_wait3A_141 : memref<128xi32, #tpu.memory_space<hbm>>) dst(%arg12 : memref<128xi32, #tpu.memory_space<vmem>>)
        tpu.yield
      }) : () -> ()
      "tpu.region"() ({
        %run_scoped3A = tpu.sem_alloc : memref<!tpu.dma_semaphore, #tpu.memory_space<semaphore_mem>>
        %dma_start3A_138 = tpu.memref_slice %arg5[%add3A_57] : memref<800768xf32, #tpu.memory_space<hbm>> -> memref<128xf32, #tpu.memory_space<hbm>>
        %dma_start3A_139 = tpu.memref_slice %arg5[%add3A_57] : memref<800768xf32, #tpu.memory_space<hbm>> -> memref<128xf32, #tpu.memory_space<hbm>>
        tpu.enqueue_dma source(%dma_start3A_139 : memref<128xf32, #tpu.memory_space<hbm>>) target(%arg13 : memref<128xf32, #tpu.memory_space<vmem>>) target_semaphore(%run_scoped3A : memref<!tpu.dma_semaphore, #tpu.memory_space<semaphore_mem>>)
        %dma_wait3A_140 = tpu.memref_slice %arg5[%add3A_57] : memref<800768xf32, #tpu.memory_space<hbm>> -> memref<128xf32, #tpu.memory_space<hbm>>
        %dma_wait3A_141 = tpu.memref_slice %arg5[%add3A_57] : memref<800768xf32, #tpu.memory_space<hbm>> -> memref<128xf32, #tpu.memory_space<hbm>>
        tpu.wait_dma2 semaphore(%run_scoped3A : memref<!tpu.dma_semaphore, #tpu.memory_space<semaphore_mem>>) src(%dma_wait3A_141 : memref<128xf32, #tpu.memory_space<hbm>>) dst(%arg13 : memref<128xf32, #tpu.memory_space<vmem>>)
        tpu.yield
      }) : () -> ()
      %get3A = arith.constant 0 : index
      %get3A_58 = tpu.vector_load %arg11[%get3A] {strides = array<i32>} : memref<128xi32, #tpu.memory_space<vmem>>, vector<16xi32>,
      %get3A_59 = vector.shape_cast %get3A_58 : vector<16xi32> to vector<16xi32>
      %add3A_60 = vector.broadcast %mul3A_0 : i32 to vector<16xi32>
      %add3A_61 = arith.addi %get3A_59, %add3A_60 : vector<16xi32>
      %swap3A = arith.constant 0 : index
      %swap3A_62 = tpu.vector_load %arg11[%swap3A] {strides = array<i32>} : memref<128xi32, #tpu.memory_space<vmem>>, vector<16xi32>,
      %swap3A_63 = vector.shape_cast %swap3A_62 : vector<16xi32> to vector<16xi32>
      %swap3A_64 = vector.shape_cast %add3A_61 : vector<16xi32> to vector<16xi32>
      tpu.vector_store %arg11[%swap3A], %swap3A_64 {strides = array<i32>} : memref<128xi32, #tpu.memory_space<vmem>>, vector<16xi32>,
      %get3A_65 = arith.constant 16 : index
      %get3A_66 = tpu.vector_load %arg11[%get3A_65] {strides = array<i32>} : memref<128xi32, #tpu.memory_space<vmem>>, vector<16xi32>,
      %get3A_67 = vector.shape_cast %get3A_66 : vector<16xi32> to vector<16xi32>
      %add3A_68 = vector.broadcast %mul3A_0 : i32 to vector<16xi32>
      %add3A_69 = arith.addi %get3A_67, %add3A_68 : vector<16xi32>
      %swap3A_70 = arith.constant 16 : index
      %swap3A_71 = tpu.vector_load %arg11[%swap3A_70] {strides = array<i32>} : memref<128xi32, #tpu.memory_space<vmem>>, vector<16xi32>,
      %swap3A_72 = vector.shape_cast %swap3A_71 : vector<16xi32> to vector<16xi32>
      %swap3A_73 = vector.shape_cast %add3A_69 : vector<16xi32> to vector<16xi32>
      tpu.vector_store %arg11[%swap3A_70], %swap3A_73 {strides = array<i32>} : memref<128xi32, #tpu.memory_space<vmem>>, vector<16xi32>,
      %get3A_74 = arith.constant 32 : index
      %get3A_75 = tpu.vector_load %arg11[%get3A_74] {strides = array<i32>} : memref<128xi32, #tpu.memory_space<vmem>>, vector<16xi32>,
      %get3A_76 = vector.shape_cast %get3A_75 : vector<16xi32> to vector<16xi32>
      %add3A_77 = vector.broadcast %mul3A_0 : i32 to vector<16xi32>
      %add3A_78 = arith.addi %get3A_76, %add3A_77 : vector<16xi32>
      %swap3A_79 = arith.constant 32 : index
      %swap3A_80 = tpu.vector_load %arg11[%swap3A_79] {strides = array<i32>} : memref<128xi32, #tpu.memory_space<vmem>>, vector<16xi32>,
      %swap3A_81 = vector.shape_cast %swap3A_80 : vector<16xi32> to vector<16xi32>
      %swap3A_82 = vector.shape_cast %add3A_78 : vector<16xi32> to vector<16xi32>
      tpu.vector_store %arg11[%swap3A_79], %swap3A_82 {strides = array<i32>} : memref<128xi32, #tpu.memory_space<vmem>>, vector<16xi32>,
      %get3A_83 = arith.constant 48 : index
      %get3A_84 = tpu.vector_load %arg11[%get3A_83] {strides = array<i32>} : memref<128xi32, #tpu.memory_space<vmem>>, vector<16xi32>,
      %get3A_85 = vector.shape_cast %get3A_84 : vector<16xi32> to vector<16xi32>
      %add3A_86 = vector.broadcast %mul3A_0 : i32 to vector<16xi32>
      %add3A_87 = arith.addi %get3A_85, %add3A_86 : vector<16xi32>
      %swap3A_88 = arith.constant 48 : index
      %swap3A_89 = tpu.vector_load %arg11[%swap3A_88] {strides = array<i32>} : memref<128xi32, #tpu.memory_space<vmem>>, vector<16xi32>,
      %swap3A_90 = vector.shape_cast %swap3A_89 : vector<16xi32> to vector<16xi32>
      %swap3A_91 = vector.shape_cast %add3A_87 : vector<16xi32> to vector<16xi32>
      tpu.vector_store %arg11[%swap3A_88], %swap3A_91 {strides = array<i32>} : memref<128xi32, #tpu.memory_space<vmem>>, vector<16xi32>,
      %get3A_92 = arith.constant 64 : index
      %get3A_93 = tpu.vector_load %arg11[%get3A_92] {strides = array<i32>} : memref<128xi32, #tpu.memory_space<vmem>>, vector<16xi32>,
      %get3A_94 = vector.shape_cast %get3A_93 : vector<16xi32> to vector<16xi32>
      %add3A_95 = vector.broadcast %mul3A_0 : i32 to vector<16xi32>
      %add3A_96 = arith.addi %get3A_94, %add3A_95 : vector<16xi32>
      %swap3A_97 = arith.constant 64 : index
      %swap3A_98 = tpu.vector_load %arg11[%swap3A_97] {strides = array<i32>} : memref<128xi32, #tpu.memory_space<vmem>>, vector<16xi32>,
      %swap3A_99 = vector.shape_cast %swap3A_98 : vector<16xi32> to vector<16xi32>
      %swap3A_100 = vector.shape_cast %add3A_96 : vector<16xi32> to vector<16xi32>
      tpu.vector_store %arg11[%swap3A_97], %swap3A_100 {strides = array<i32>} : memref<128xi32, #tpu.memory_space<vmem>>, vector<16xi32>,
      %get3A_101 = arith.constant 80 : index
      %get3A_102 = tpu.vector_load %arg11[%get3A_101] {strides = array<i32>} : memref<128xi32, #tpu.memory_space<vmem>>, vector<16xi32>,
      %get3A_103 = vector.shape_cast %get3A_102 : vector<16xi32> to vector<16xi32>
      %add3A_104 = vector.broadcast %mul3A_0 : i32 to vector<16xi32>
      %add3A_105 = arith.addi %get3A_103, %add3A_104 : vector<16xi32>
      %swap3A_106 = arith.constant 80 : index
      %swap3A_107 = tpu.vector_load %arg11[%swap3A_106] {strides = array<i32>} : memref<128xi32, #tpu.memory_space<vmem>>, vector<16xi32>,
      %swap3A_108 = vector.shape_cast %swap3A_107 : vector<16xi32> to vector<16xi32>
      %swap3A_109 = vector.shape_cast %add3A_105 : vector<16xi32> to vector<16xi32>
      tpu.vector_store %arg11[%swap3A_106], %swap3A_109 {strides = array<i32>} : memref<128xi32, #tpu.memory_space<vmem>>, vector<16xi32>,
      %get3A_110 = arith.constant 96 : index
      %get3A_111 = tpu.vector_load %arg11[%get3A_110] {strides = array<i32>} : memref<128xi32, #tpu.memory_space<vmem>>, vector<16xi32>,
      %get3A_112 = vector.shape_cast %get3A_111 : vector<16xi32> to vector<16xi32>
      %add3A_113 = vector.broadcast %mul3A_0 : i32 to vector<16xi32>
      %add3A_114 = arith.addi %get3A_112, %add3A_113 : vector<16xi32>
      %swap3A_115 = arith.constant 96 : index
      %swap3A_116 = tpu.vector_load %arg11[%swap3A_115] {strides = array<i32>} : memref<128xi32, #tpu.memory_space<vmem>>, vector<16xi32>,
      %swap3A_117 = vector.shape_cast %swap3A_116 : vector<16xi32> to vector<16xi32>
      %swap3A_118 = vector.shape_cast %add3A_114 : vector<16xi32> to vector<16xi32>
      tpu.vector_store %arg11[%swap3A_115], %swap3A_118 {strides = array<i32>} : memref<128xi32, #tpu.memory_space<vmem>>, vector<16xi32>,
      %get3A_119 = arith.constant 112 : index
      %get3A_120 = tpu.vector_load %arg11[%get3A_119] {strides = array<i32>} : memref<128xi32, #tpu.memory_space<vmem>>, vector<16xi32>,
      %get3A_121 = vector.shape_cast %get3A_120 : vector<16xi32> to vector<16xi32>
      %add3A_122 = vector.broadcast %mul3A_0 : i32 to vector<16xi32>
      %add3A_123 = arith.addi %get3A_121, %add3A_122 : vector<16xi32>
      %swap3A_124 = arith.constant 112 : index
      %swap3A_125 = tpu.vector_load %arg11[%swap3A_124] {strides = array<i32>} : memref<128xi32, #tpu.memory_space<vmem>>, vector<16xi32>,
      %swap3A_126 = vector.shape_cast %swap3A_125 : vector<16xi32> to vector<16xi32>
      %swap3A_127 = vector.shape_cast %add3A_123 : vector<16xi32> to vector<16xi32>
      tpu.vector_store %arg11[%swap3A_124], %swap3A_127 {strides = array<i32>} : memref<128xi32, #tpu.memory_space<vmem>>, vector<16xi32>,
      %dma_start3A = arith.constant 0 : i32
      %dma_start3A_128 = arith.constant 0 : i32
      %dma_start3A_129 = tpu.memref_slice %arg7[%dma_start3A, %dma_start3A_128] : memref<100096x32xf32, #tpu.memory_space<hbm>> -> memref<100096x32xf32, #tpu.memory_space<hbm>>
      tpu.enqueue_indirect_dma source(%dma_start3A_129 : memref<100096x32xf32, #tpu.memory_space<hbm>>) target(%arg14 : memref<128x32xf32, #tpu.memory_space<vmem>>) offsets(%arg11 : memref<128xi32, #tpu.memory_space<vmem>>) semaphore(%arg15 : memref<!tpu.dma_semaphore, #tpu.memory_space<semaphore_mem>>)
      %dma_wait3A = arith.constant 0 : i32
      %dma_wait3A_130 = arith.constant 0 : i32
      %dma_wait3A_131 = tpu.memref_slice %arg7[%dma_wait3A, %dma_wait3A_130] : memref<100096x32xf32, #tpu.memory_space<hbm>> -> memref<100096x32xf32, #tpu.memory_space<hbm>>
      tpu.wait_indirect_dma semaphore(%arg15 : memref<!tpu.dma_semaphore, #tpu.memory_space<semaphore_mem>>) src(%dma_wait3A_131 : memref<100096x32xf32, #tpu.memory_space<hbm>>) dst(%arg14 : memref<128x32xf32, #tpu.memory_space<vmem>>)
      %scan3A_132 = arith.constant 0 : i32
      %scan3A_133 = arith.constant 0 : i32
      %scan3A_134 = arith.constant 8 : i32
      %scan3A_135 = arith.addi %scan3A_133, %scan3A_134 : i32
      %scan3A_136 = arith.constant 1 : i32
      scf.for %scan3A_138 = %scan3A_133 to %scan3A_135 step %scan3A_136  : i32 {
        %mul3A_139 = arith.constant 16 : i32
        %mul3A_140 = arith.muli %scan3A_138, %mul3A_139 : i32
        %get3A_141 = arith.index_cast %mul3A_140 : i32 to index
        %get3A_142 = tpu.vector_load %arg13[%get3A_141] {strides = array<i32>} : memref<128xf32, #tpu.memory_space<vmem>>, vector<16xf32>,
        %get3A_143 = vector.shape_cast %get3A_142 : vector<16xf32> to vector<16xf32>
        %mul3A_144 = arith.constant 16 : i32
        %mul3A_145 = arith.muli %scan3A_138, %mul3A_144 : i32
        %add3A_146 = arith.constant 0 : i32
        %add3A_147 = arith.addi %mul3A_145, %add3A_146 : i32
        %slice3A = vector.extract_strided_slice %get3A_143 {offsets = [0], sizes = [1], strides = [1]} : vector<16xf32> to vector<1xf32>
        %squeeze3A = vector.extract %slice3A[0] : f32 from vector<1xf32>
        %get3A_148 = arith.index_cast %add3A_147 : i32 to index
        %get3A_149 = arith.constant 0 : index
        %get3A_150 = tpu.vector_load %arg14[%get3A_148, %get3A_149] {strides = array<i32>} : memref<128x32xf32, #tpu.memory_space<vmem>>, vector<1x16xf32>,
        %get3A_151 = vector.shape_cast %get3A_150 : vector<1x16xf32> to vector<16xf32>
        %mul3A_152 = vector.broadcast %squeeze3A : f32 to vector<16xf32>
        %mul3A_153 = arith.mulf %get3A_151, %mul3A_152 : vector<16xf32>
        %swap3A_154 = arith.index_cast %add3A_147 : i32 to index
        %swap3A_155 = arith.constant 0 : index
        %swap3A_156 = tpu.vector_load %arg14[%swap3A_154, %swap3A_155] {strides = array<i32>} : memref<128x32xf32, #tpu.memory_space<vmem>>, vector<1x16xf32>,
        %swap3A_157 = vector.shape_cast %swap3A_156 : vector<1x16xf32> to vector<16xf32>
        %swap3A_158 = vector.shape_cast %mul3A_153 : vector<16xf32> to vector<1x16xf32>
        tpu.vector_store %arg14[%swap3A_154, %swap3A_155], %swap3A_158 {strides = array<i32>} : memref<128x32xf32, #tpu.memory_space<vmem>>, vector<1x16xf32>,
        %get3A_159 = arith.index_cast %add3A_147 : i32 to index
        %get3A_160 = arith.constant 16 : index
        %get3A_161 = tpu.vector_load %arg14[%get3A_159, %get3A_160] {strides = array<i32>} : memref<128x32xf32, #tpu.memory_space<vmem>>, vector<1x16xf32>,
        %get3A_162 = vector.shape_cast %get3A_161 : vector<1x16xf32> to vector<16xf32>
        %mul3A_163 = vector.broadcast %squeeze3A : f32 to vector<16xf32>
        %mul3A_164 = arith.mulf %get3A_162, %mul3A_163 : vector<16xf32>
        %swap3A_165 = arith.index_cast %add3A_147 : i32 to index
        %swap3A_166 = arith.constant 16 : index
        %swap3A_167 = tpu.vector_load %arg14[%swap3A_165, %swap3A_166] {strides = array<i32>} : memref<128x32xf32, #tpu.memory_space<vmem>>, vector<1x16xf32>,
        %swap3A_168 = vector.shape_cast %swap3A_167 : vector<1x16xf32> to vector<16xf32>
        %swap3A_169 = vector.shape_cast %mul3A_164 : vector<16xf32> to vector<1x16xf32>
        tpu.vector_store %arg14[%swap3A_165, %swap3A_166], %swap3A_169 {strides = array<i32>} : memref<128x32xf32, #tpu.memory_space<vmem>>, vector<1x16xf32>,
        %mul3A_170 = arith.constant 16 : i32
        %mul3A_171 = arith.muli %scan3A_138, %mul3A_170 : i32
        %add3A_172 = arith.constant 1 : i32
        %add3A_173 = arith.addi %mul3A_171, %add3A_172 : i32
        %slice3A_174 = vector.extract_strided_slice %get3A_143 {offsets = [1], sizes = [1], strides = [1]} : vector<16xf32> to vector<1xf32>
        %squeeze3A_175 = vector.extract %slice3A_174[0] : f32 from vector<1xf32>
        %get3A_176 = arith.index_cast %add3A_173 : i32 to index
        %get3A_177 = arith.constant 0 : index
        %get3A_178 = tpu.vector_load %arg14[%get3A_176, %get3A_177] {strides = array<i32>} : memref<128x32xf32, #tpu.memory_space<vmem>>, vector<1x16xf32>,
        %get3A_179 = vector.shape_cast %get3A_178 : vector<1x16xf32> to vector<16xf32>
        %mul3A_180 = vector.broadcast %squeeze3A_175 : f32 to vector<16xf32>
        %mul3A_181 = arith.mulf %get3A_179, %mul3A_180 : vector<16xf32>
        %swap3A_182 = arith.index_cast %add3A_173 : i32 to index
        %swap3A_183 = arith.constant 0 : index
        %swap3A_184 = tpu.vector_load %arg14[%swap3A_182, %swap3A_183] {strides = array<i32>} : memref<128x32xf32, #tpu.memory_space<vmem>>, vector<1x16xf32>,
        %swap3A_185 = vector.shape_cast %swap3A_184 : vector<1x16xf32> to vector<16xf32>
        %swap3A_186 = vector.shape_cast %mul3A_181 : vector<16xf32> to vector<1x16xf32>
        tpu.vector_store %arg14[%swap3A_182, %swap3A_183], %swap3A_186 {strides = array<i32>} : memref<128x32xf32, #tpu.memory_space<vmem>>, vector<1x16xf32>,
        %get3A_187 = arith.index_cast %add3A_173 : i32 to index
        %get3A_188 = arith.constant 16 : index
        %get3A_189 = tpu.vector_load %arg14[%get3A_187, %get3A_188] {strides = array<i32>} : memref<128x32xf32, #tpu.memory_space<vmem>>, vector<1x16xf32>,
        %get3A_190 = vector.shape_cast %get3A_189 : vector<1x16xf32> to vector<16xf32>
        %mul3A_191 = vector.broadcast %squeeze3A_175 : f32 to vector<16xf32>
        %mul3A_192 = arith.mulf %get3A_190, %mul3A_191 : vector<16xf32>
        %swap3A_193 = arith.index_cast %add3A_173 : i32 to index
        %swap3A_194 = arith.constant 16 : index
        %swap3A_195 = tpu.vector_load %arg14[%swap3A_193, %swap3A_194] {strides = array<i32>} : memref<128x32xf32, #tpu.memory_space<vmem>>, vector<1x16xf32>,
        %swap3A_196 = vector.shape_cast %swap3A_195 : vector<1x16xf32> to vector<16xf32>
        %swap3A_197 = vector.shape_cast %mul3A_192 : vector<16xf32> to vector<1x16xf32>
        tpu.vector_store %arg14[%swap3A_193, %swap3A_194], %swap3A_197 {strides = array<i32>} : memref<128x32xf32, #tpu.memory_space<vmem>>, vector<1x16xf32>,
        %mul3A_198 = arith.constant 16 : i32
        %mul3A_199 = arith.muli %scan3A_138, %mul3A_198 : i32
        %add3A_200 = arith.constant 2 : i32
        %add3A_201 = arith.addi %mul3A_199, %add3A_200 : i32
        %slice3A_202 = vector.extract_strided_slice %get3A_143 {offsets = [2], sizes = [1], strides = [1]} : vector<16xf32> to vector<1xf32>
        %squeeze3A_203 = vector.extract %slice3A_202[0] : f32 from vector<1xf32>
        %get3A_204 = arith.index_cast %add3A_201 : i32 to index
        %get3A_205 = arith.constant 0 : index
        %get3A_206 = tpu.vector_load %arg14[%get3A_204, %get3A_205] {strides = array<i32>} : memref<128x32xf32, #tpu.memory_space<vmem>>, vector<1x16xf32>,
        %get3A_207 = vector.shape_cast %get3A_206 : vector<1x16xf32> to vector<16xf32>
        %mul3A_208 = vector.broadcast %squeeze3A_203 : f32 to vector<16xf32>
        %mul3A_209 = arith.mulf %get3A_207, %mul3A_208 : vector<16xf32>
        %swap3A_210 = arith.index_cast %add3A_201 : i32 to index
        %swap3A_211 = arith.constant 0 : index
        %swap3A_212 = tpu.vector_load %arg14[%swap3A_210, %swap3A_211] {strides = array<i32>} : memref<128x32xf32, #tpu.memory_space<vmem>>, vector<1x16xf32>,
        %swap3A_213 = vector.shape_cast %swap3A_212 : vector<1x16xf32> to vector<16xf32>
        %swap3A_214 = vector.shape_cast %mul3A_209 : vector<16xf32> to vector<1x16xf32>
        tpu.vector_store %arg14[%swap3A_210, %swap3A_211], %swap3A_214 {strides = array<i32>} : memref<128x32xf32, #tpu.memory_space<vmem>>, vector<1x16xf32>,
        %get3A_215 = arith.index_cast %add3A_201 : i32 to index
        %get3A_216 = arith.constant 16 : index
        %get3A_217 = tpu.vector_load %arg14[%get3A_215, %get3A_216] {strides = array<i32>} : memref<128x32xf32, #tpu.memory_space<vmem>>, vector<1x16xf32>,
        %get3A_218 = vector.shape_cast %get3A_217 : vector<1x16xf32> to vector<16xf32>
        %mul3A_219 = vector.broadcast %squeeze3A_203 : f32 to vector<16xf32>
        %mul3A_220 = arith.mulf %get3A_218, %mul3A_219 : vector<16xf32>
        %swap3A_221 = arith.index_cast %add3A_201 : i32 to index
        %swap3A_222 = arith.constant 16 : index
        %swap3A_223 = tpu.vector_load %arg14[%swap3A_221, %swap3A_222] {strides = array<i32>} : memref<128x32xf32, #tpu.memory_space<vmem>>, vector<1x16xf32>,
        %swap3A_224 = vector.shape_cast %swap3A_223 : vector<1x16xf32> to vector<16xf32>
        %swap3A_225 = vector.shape_cast %mul3A_220 : vector<16xf32> to vector<1x16xf32>
        tpu.vector_store %arg14[%swap3A_221, %swap3A_222], %swap3A_225 {strides = array<i32>} : memref<128x32xf32, #tpu.memory_space<vmem>>, vector<1x16xf32>,
        %mul3A_226 = arith.constant 16 : i32
        %mul3A_227 = arith.muli %scan3A_138, %mul3A_226 : i32
        %add3A_228 = arith.constant 3 : i32
        %add3A_229 = arith.addi %mul3A_227, %add3A_228 : i32
        %slice3A_230 = vector.extract_strided_slice %get3A_143 {offsets = [3], sizes = [1], strides = [1]} : vector<16xf32> to vector<1xf32>
        %squeeze3A_231 = vector.extract %slice3A_230[0] : f32 from vector<1xf32>
        %get3A_232 = arith.index_cast %add3A_229 : i32 to index
        %get3A_233 = arith.constant 0 : index
        %get3A_234 = tpu.vector_load %arg14[%get3A_232, %get3A_233] {strides = array<i32>} : memref<128x32xf32, #tpu.memory_space<vmem>>, vector<1x16xf32>,
        %get3A_235 = vector.shape_cast %get3A_234 : vector<1x16xf32> to vector<16xf32>
        %mul3A_236 = vector.broadcast %squeeze3A_231 : f32 to vector<16xf32>
        %mul3A_237 = arith.mulf %get3A_235, %mul3A_236 : vector<16xf32>
        %swap3A_238 = arith.index_cast %add3A_229 : i32 to index
        %swap3A_239 = arith.constant 0 : index
        %swap3A_240 = tpu.vector_load %arg14[%swap3A_238, %swap3A_239] {strides = array<i32>} : memref<128x32xf32, #tpu.memory_space<vmem>>, vector<1x16xf32>,
        %swap3A_241 = vector.shape_cast %swap3A_240 : vector<1x16xf32> to vector<16xf32>
        %swap3A_242 = vector.shape_cast %mul3A_237 : vector<16xf32> to vector<1x16xf32>
        tpu.vector_store %arg14[%swap3A_238, %swap3A_239], %swap3A_242 {strides = array<i32>} : memref<128x32xf32, #tpu.memory_space<vmem>>, vector<1x16xf32>,
        %get3A_243 = arith.index_cast %add3A_229 : i32 to index
        %get3A_244 = arith.constant 16 : index
        %get3A_245 = tpu.vector_load %arg14[%get3A_243, %get3A_244] {strides = array<i32>} : memref<128x32xf32, #tpu.memory_space<vmem>>, vector<1x16xf32>,
        %get3A_246 = vector.shape_cast %get3A_245 : vector<1x16xf32> to vector<16xf32>
        %mul3A_247 = vector.broadcast %squeeze3A_231 : f32 to vector<16xf32>
        %mul3A_248 = arith.mulf %get3A_246, %mul3A_247 : vector<16xf32>
        %swap3A_249 = arith.index_cast %add3A_229 : i32 to index
        %swap3A_250 = arith.constant 16 : index
        %swap3A_251 = tpu.vector_load %arg14[%swap3A_249, %swap3A_250] {strides = array<i32>} : memref<128x32xf32, #tpu.memory_space<vmem>>, vector<1x16xf32>,
        %swap3A_252 = vector.shape_cast %swap3A_251 : vector<1x16xf32> to vector<16xf32>
        %swap3A_253 = vector.shape_cast %mul3A_248 : vector<16xf32> to vector<1x16xf32>
        tpu.vector_store %arg14[%swap3A_249, %swap3A_250], %swap3A_253 {strides = array<i32>} : memref<128x32xf32, #tpu.memory_space<vmem>>, vector<1x16xf32>,
        %mul3A_254 = arith.constant 16 : i32
        %mul3A_255 = arith.muli %scan3A_138, %mul3A_254 : i32
        %add3A_256 = arith.constant 4 : i32
        %add3A_257 = arith.addi %mul3A_255, %add3A_256 : i32
        %slice3A_258 = vector.extract_strided_slice %get3A_143 {offsets = [4], sizes = [1], strides = [1]} : vector<16xf32> to vector<1xf32>
        %squeeze3A_259 = vector.extract %slice3A_258[0] : f32 from vector<1xf32>
        %get3A_260 = arith.index_cast %add3A_257 : i32 to index
        %get3A_261 = arith.constant 0 : index
        %get3A_262 = tpu.vector_load %arg14[%get3A_260, %get3A_261] {strides = array<i32>} : memref<128x32xf32, #tpu.memory_space<vmem>>, vector<1x16xf32>,
        %get3A_263 = vector.shape_cast %get3A_262 : vector<1x16xf32> to vector<16xf32>
        %mul3A_264 = vector.broadcast %squeeze3A_259 : f32 to vector<16xf32>
        %mul3A_265 = arith.mulf %get3A_263, %mul3A_264 : vector<16xf32>
        %swap3A_266 = arith.index_cast %add3A_257 : i32 to index
        %swap3A_267 = arith.constant 0 : index
        %swap3A_268 = tpu.vector_load %arg14[%swap3A_266, %swap3A_267] {strides = array<i32>} : memref<128x32xf32, #tpu.memory_space<vmem>>, vector<1x16xf32>,
        %swap3A_269 = vector.shape_cast %swap3A_268 : vector<1x16xf32> to vector<16xf32>
        %swap3A_270 = vector.shape_cast %mul3A_265 : vector<16xf32> to vector<1x16xf32>
        tpu.vector_store %arg14[%swap3A_266, %swap3A_267], %swap3A_270 {strides = array<i32>} : memref<128x32xf32, #tpu.memory_space<vmem>>, vector<1x16xf32>,
        %get3A_271 = arith.index_cast %add3A_257 : i32 to index
        %get3A_272 = arith.constant 16 : index
        %get3A_273 = tpu.vector_load %arg14[%get3A_271, %get3A_272] {strides = array<i32>} : memref<128x32xf32, #tpu.memory_space<vmem>>, vector<1x16xf32>,
        %get3A_274 = vector.shape_cast %get3A_273 : vector<1x16xf32> to vector<16xf32>
        %mul3A_275 = vector.broadcast %squeeze3A_259 : f32 to vector<16xf32>
        %mul3A_276 = arith.mulf %get3A_274, %mul3A_275 : vector<16xf32>
        %swap3A_277 = arith.index_cast %add3A_257 : i32 to index
        %swap3A_278 = arith.constant 16 : index
        %swap3A_279 = tpu.vector_load %arg14[%swap3A_277, %swap3A_278] {strides = array<i32>} : memref<128x32xf32, #tpu.memory_space<vmem>>, vector<1x16xf32>,
        %swap3A_280 = vector.shape_cast %swap3A_279 : vector<1x16xf32> to vector<16xf32>
        %swap3A_281 = vector.shape_cast %mul3A_276 : vector<16xf32> to vector<1x16xf32>
        tpu.vector_store %arg14[%swap3A_277, %swap3A_278], %swap3A_281 {strides = array<i32>} : memref<128x32xf32, #tpu.memory_space<vmem>>, vector<1x16xf32>,
        %mul3A_282 = arith.constant 16 : i32
        %mul3A_283 = arith.muli %scan3A_138, %mul3A_282 : i32
        %add3A_284 = arith.constant 5 : i32
        %add3A_285 = arith.addi %mul3A_283, %add3A_284 : i32
        %slice3A_286 = vector.extract_strided_slice %get3A_143 {offsets = [5], sizes = [1], strides = [1]} : vector<16xf32> to vector<1xf32>
        %squeeze3A_287 = vector.extract %slice3A_286[0] : f32 from vector<1xf32>
        %get3A_288 = arith.index_cast %add3A_285 : i32 to index
        %get3A_289 = arith.constant 0 : index
        %get3A_290 = tpu.vector_load %arg14[%get3A_288, %get3A_289] {strides = array<i32>} : memref<128x32xf32, #tpu.memory_space<vmem>>, vector<1x16xf32>,
        %get3A_291 = vector.shape_cast %get3A_290 : vector<1x16xf32> to vector<16xf32>
        %mul3A_292 = vector.broadcast %squeeze3A_287 : f32 to vector<16xf32>
        %mul3A_293 = arith.mulf %get3A_291, %mul3A_292 : vector<16xf32>
        %swap3A_294 = arith.index_cast %add3A_285 : i32 to index
        %swap3A_295 = arith.constant 0 : index
        %swap3A_296 = tpu.vector_load %arg14[%swap3A_294, %swap3A_295] {strides = array<i32>} : memref<128x32xf32, #tpu.memory_space<vmem>>, vector<1x16xf32>,
        %swap3A_297 = vector.shape_cast %swap3A_296 : vector<1x16xf32> to vector<16xf32>
        %swap3A_298 = vector.shape_cast %mul3A_293 : vector<16xf32> to vector<1x16xf32>
        tpu.vector_store %arg14[%swap3A_294, %swap3A_295], %swap3A_298 {strides = array<i32>} : memref<128x32xf32, #tpu.memory_space<vmem>>, vector<1x16xf32>,
        %get3A_299 = arith.index_cast %add3A_285 : i32 to index
        %get3A_300 = arith.constant 16 : index
        %get3A_301 = tpu.vector_load %arg14[%get3A_299, %get3A_300] {strides = array<i32>} : memref<128x32xf32, #tpu.memory_space<vmem>>, vector<1x16xf32>,
        %get3A_302 = vector.shape_cast %get3A_301 : vector<1x16xf32> to vector<16xf32>
        %mul3A_303 = vector.broadcast %squeeze3A_287 : f32 to vector<16xf32>
        %mul3A_304 = arith.mulf %get3A_302, %mul3A_303 : vector<16xf32>
        %swap3A_305 = arith.index_cast %add3A_285 : i32 to index
        %swap3A_306 = arith.constant 16 : index
        %swap3A_307 = tpu.vector_load %arg14[%swap3A_305, %swap3A_306] {strides = array<i32>} : memref<128x32xf32, #tpu.memory_space<vmem>>, vector<1x16xf32>,
        %swap3A_308 = vector.shape_cast %swap3A_307 : vector<1x16xf32> to vector<16xf32>
        %swap3A_309 = vector.shape_cast %mul3A_304 : vector<16xf32> to vector<1x16xf32>
        tpu.vector_store %arg14[%swap3A_305, %swap3A_306], %swap3A_309 {strides = array<i32>} : memref<128x32xf32, #tpu.memory_space<vmem>>, vector<1x16xf32>,
        %mul3A_310 = arith.constant 16 : i32
        %mul3A_311 = arith.muli %scan3A_138, %mul3A_310 : i32
        %add3A_312 = arith.constant 6 : i32
        %add3A_313 = arith.addi %mul3A_311, %add3A_312 : i32
        %slice3A_314 = vector.extract_strided_slice %get3A_143 {offsets = [6], sizes = [1], strides = [1]} : vector<16xf32> to vector<1xf32>
        %squeeze3A_315 = vector.extract %slice3A_314[0] : f32 from vector<1xf32>
        %get3A_316 = arith.index_cast %add3A_313 : i32 to index
        %get3A_317 = arith.constant 0 : index
        %get3A_318 = tpu.vector_load %arg14[%get3A_316, %get3A_317] {strides = array<i32>} : memref<128x32xf32, #tpu.memory_space<vmem>>, vector<1x16xf32>,
        %get3A_319 = vector.shape_cast %get3A_318 : vector<1x16xf32> to vector<16xf32>
        %mul3A_320 = vector.broadcast %squeeze3A_315 : f32 to vector<16xf32>
        %mul3A_321 = arith.mulf %get3A_319, %mul3A_320 : vector<16xf32>
        %swap3A_322 = arith.index_cast %add3A_313 : i32 to index
        %swap3A_323 = arith.constant 0 : index
        %swap3A_324 = tpu.vector_load %arg14[%swap3A_322, %swap3A_323] {strides = array<i32>} : memref<128x32xf32, #tpu.memory_space<vmem>>, vector<1x16xf32>,
        %swap3A_325 = vector.shape_cast %swap3A_324 : vector<1x16xf32> to vector<16xf32>
        %swap3A_326 = vector.shape_cast %mul3A_321 : vector<16xf32> to vector<1x16xf32>
        tpu.vector_store %arg14[%swap3A_322, %swap3A_323], %swap3A_326 {strides = array<i32>} : memref<128x32xf32, #tpu.memory_space<vmem>>, vector<1x16xf32>,
        %get3A_327 = arith.index_cast %add3A_313 : i32 to index
        %get3A_328 = arith.constant 16 : index
        %get3A_329 = tpu.vector_load %arg14[%get3A_327, %get3A_328] {strides = array<i32>} : memref<128x32xf32, #tpu.memory_space<vmem>>, vector<1x16xf32>,
        %get3A_330 = vector.shape_cast %get3A_329 : vector<1x16xf32> to vector<16xf32>
        %mul3A_331 = vector.broadcast %squeeze3A_315 : f32 to vector<16xf32>
        %mul3A_332 = arith.mulf %get3A_330, %mul3A_331 : vector<16xf32>
        %swap3A_333 = arith.index_cast %add3A_313 : i32 to index
        %swap3A_334 = arith.constant 16 : index
        %swap3A_335 = tpu.vector_load %arg14[%swap3A_333, %swap3A_334] {strides = array<i32>} : memref<128x32xf32, #tpu.memory_space<vmem>>, vector<1x16xf32>,
        %swap3A_336 = vector.shape_cast %swap3A_335 : vector<1x16xf32> to vector<16xf32>
        %swap3A_337 = vector.shape_cast %mul3A_332 : vector<16xf32> to vector<1x16xf32>
        tpu.vector_store %arg14[%swap3A_333, %swap3A_334], %swap3A_337 {strides = array<i32>} : memref<128x32xf32, #tpu.memory_space<vmem>>, vector<1x16xf32>,
        %mul3A_338 = arith.constant 16 : i32
        %mul3A_339 = arith.muli %scan3A_138, %mul3A_338 : i32
        %add3A_340 = arith.constant 7 : i32
        %add3A_341 = arith.addi %mul3A_339, %add3A_340 : i32
        %slice3A_342 = vector.extract_strided_slice %get3A_143 {offsets = [7], sizes = [1], strides = [1]} : vector<16xf32> to vector<1xf32>
        %squeeze3A_343 = vector.extract %slice3A_342[0] : f32 from vector<1xf32>
        %get3A_344 = arith.index_cast %add3A_341 : i32 to index
        %get3A_345 = arith.constant 0 : index
        %get3A_346 = tpu.vector_load %arg14[%get3A_344, %get3A_345] {strides = array<i32>} : memref<128x32xf32, #tpu.memory_space<vmem>>, vector<1x16xf32>,
        %get3A_347 = vector.shape_cast %get3A_346 : vector<1x16xf32> to vector<16xf32>
        %mul3A_348 = vector.broadcast %squeeze3A_343 : f32 to vector<16xf32>
        %mul3A_349 = arith.mulf %get3A_347, %mul3A_348 : vector<16xf32>
        %swap3A_350 = arith.index_cast %add3A_341 : i32 to index
        %swap3A_351 = arith.constant 0 : index
        %swap3A_352 = tpu.vector_load %arg14[%swap3A_350, %swap3A_351] {strides = array<i32>} : memref<128x32xf32, #tpu.memory_space<vmem>>, vector<1x16xf32>,
        %swap3A_353 = vector.shape_cast %swap3A_352 : vector<1x16xf32> to vector<16xf32>
        %swap3A_354 = vector.shape_cast %mul3A_349 : vector<16xf32> to vector<1x16xf32>
        tpu.vector_store %arg14[%swap3A_350, %swap3A_351], %swap3A_354 {strides = array<i32>} : memref<128x32xf32, #tpu.memory_space<vmem>>, vector<1x16xf32>,
        %get3A_355 = arith.index_cast %add3A_341 : i32 to index
        %get3A_356 = arith.constant 16 : index
        %get3A_357 = tpu.vector_load %arg14[%get3A_355, %get3A_356] {strides = array<i32>} : memref<128x32xf32, #tpu.memory_space<vmem>>, vector<1x16xf32>,
        %get3A_358 = vector.shape_cast %get3A_357 : vector<1x16xf32> to vector<16xf32>
        %mul3A_359 = vector.broadcast %squeeze3A_343 : f32 to vector<16xf32>
        %mul3A_360 = arith.mulf %get3A_358, %mul3A_359 : vector<16xf32>
        %swap3A_361 = arith.index_cast %add3A_341 : i32 to index
        %swap3A_362 = arith.constant 16 : index
        %swap3A_363 = tpu.vector_load %arg14[%swap3A_361, %swap3A_362] {strides = array<i32>} : memref<128x32xf32, #tpu.memory_space<vmem>>, vector<1x16xf32>,
        %swap3A_364 = vector.shape_cast %swap3A_363 : vector<1x16xf32> to vector<16xf32>
        %swap3A_365 = vector.shape_cast %mul3A_360 : vector<16xf32> to vector<1x16xf32>
        tpu.vector_store %arg14[%swap3A_361, %swap3A_362], %swap3A_365 {strides = array<i32>} : memref<128x32xf32, #tpu.memory_space<vmem>>, vector<1x16xf32>,
        %mul3A_366 = arith.constant 16 : i32
        %mul3A_367 = arith.muli %scan3A_138, %mul3A_366 : i32
        %add3A_368 = arith.constant 8 : i32
        %add3A_369 = arith.addi %mul3A_367, %add3A_368 : i32
        %slice3A_370 = vector.extract_strided_slice %get3A_143 {offsets = [8], sizes = [1], strides = [1]} : vector<16xf32> to vector<1xf32>
        %squeeze3A_371 = vector.extract %slice3A_370[0] : f32 from vector<1xf32>
        %get3A_372 = arith.index_cast %add3A_369 : i32 to index
        %get3A_373 = arith.constant 0 : index
        %get3A_374 = tpu.vector_load %arg14[%get3A_372, %get3A_373] {strides = array<i32>} : memref<128x32xf32, #tpu.memory_space<vmem>>, vector<1x16xf32>,
        %get3A_375 = vector.shape_cast %get3A_374 : vector<1x16xf32> to vector<16xf32>
        %mul3A_376 = vector.broadcast %squeeze3A_371 : f32 to vector<16xf32>
        %mul3A_377 = arith.mulf %get3A_375, %mul3A_376 : vector<16xf32>
        %swap3A_378 = arith.index_cast %add3A_369 : i32 to index
        %swap3A_379 = arith.constant 0 : index
        %swap3A_380 = tpu.vector_load %arg14[%swap3A_378, %swap3A_379] {strides = array<i32>} : memref<128x32xf32, #tpu.memory_space<vmem>>, vector<1x16xf32>,
        %swap3A_381 = vector.shape_cast %swap3A_380 : vector<1x16xf32> to vector<16xf32>
        %swap3A_382 = vector.shape_cast %mul3A_377 : vector<16xf32> to vector<1x16xf32>
        tpu.vector_store %arg14[%swap3A_378, %swap3A_379], %swap3A_382 {strides = array<i32>} : memref<128x32xf32, #tpu.memory_space<vmem>>, vector<1x16xf32>,
        %get3A_383 = arith.index_cast %add3A_369 : i32 to index
        %get3A_384 = arith.constant 16 : index
        %get3A_385 = tpu.vector_load %arg14[%get3A_383, %get3A_384] {strides = array<i32>} : memref<128x32xf32, #tpu.memory_space<vmem>>, vector<1x16xf32>,
        %get3A_386 = vector.shape_cast %get3A_385 : vector<1x16xf32> to vector<16xf32>
        %mul3A_387 = vector.broadcast %squeeze3A_371 : f32 to vector<16xf32>
        %mul3A_388 = arith.mulf %get3A_386, %mul3A_387 : vector<16xf32>
        %swap3A_389 = arith.index_cast %add3A_369 : i32 to index
        %swap3A_390 = arith.constant 16 : index
        %swap3A_391 = tpu.vector_load %arg14[%swap3A_389, %swap3A_390] {strides = array<i32>} : memref<128x32xf32, #tpu.memory_space<vmem>>, vector<1x16xf32>,
        %swap3A_392 = vector.shape_cast %swap3A_391 : vector<1x16xf32> to vector<16xf32>
        %swap3A_393 = vector.shape_cast %mul3A_388 : vector<16xf32> to vector<1x16xf32>
        tpu.vector_store %arg14[%swap3A_389, %swap3A_390], %swap3A_393 {strides = array<i32>} : memref<128x32xf32, #tpu.memory_space<vmem>>, vector<1x16xf32>,
        %mul3A_394 = arith.constant 16 : i32
        %mul3A_395 = arith.muli %scan3A_138, %mul3A_394 : i32
        %add3A_396 = arith.constant 9 : i32
        %add3A_397 = arith.addi %mul3A_395, %add3A_396 : i32
        %slice3A_398 = vector.extract_strided_slice %get3A_143 {offsets = [9], sizes = [1], strides = [1]} : vector<16xf32> to vector<1xf32>
        %squeeze3A_399 = vector.extract %slice3A_398[0] : f32 from vector<1xf32>
        %get3A_400 = arith.index_cast %add3A_397 : i32 to index
        %get3A_401 = arith.constant 0 : index
        %get3A_402 = tpu.vector_load %arg14[%get3A_400, %get3A_401] {strides = array<i32>} : memref<128x32xf32, #tpu.memory_space<vmem>>, vector<1x16xf32>,
        %get3A_403 = vector.shape_cast %get3A_402 : vector<1x16xf32> to vector<16xf32>
        %mul3A_404 = vector.broadcast %squeeze3A_399 : f32 to vector<16xf32>
        %mul3A_405 = arith.mulf %get3A_403, %mul3A_404 : vector<16xf32>
        %swap3A_406 = arith.index_cast %add3A_397 : i32 to index
        %swap3A_407 = arith.constant 0 : index
        %swap3A_408 = tpu.vector_load %arg14[%swap3A_406, %swap3A_407] {strides = array<i32>} : memref<128x32xf32, #tpu.memory_space<vmem>>, vector<1x16xf32>,
        %swap3A_409 = vector.shape_cast %swap3A_408 : vector<1x16xf32> to vector<16xf32>
        %swap3A_410 = vector.shape_cast %mul3A_405 : vector<16xf32> to vector<1x16xf32>
        tpu.vector_store %arg14[%swap3A_406, %swap3A_407], %swap3A_410 {strides = array<i32>} : memref<128x32xf32, #tpu.memory_space<vmem>>, vector<1x16xf32>,
        %get3A_411 = arith.index_cast %add3A_397 : i32 to index
        %get3A_412 = arith.constant 16 : index
        %get3A_413 = tpu.vector_load %arg14[%get3A_411, %get3A_412] {strides = array<i32>} : memref<128x32xf32, #tpu.memory_space<vmem>>, vector<1x16xf32>,
        %get3A_414 = vector.shape_cast %get3A_413 : vector<1x16xf32> to vector<16xf32>
        %mul3A_415 = vector.broadcast %squeeze3A_399 : f32 to vector<16xf32>
        %mul3A_416 = arith.mulf %get3A_414, %mul3A_415 : vector<16xf32>
        %swap3A_417 = arith.index_cast %add3A_397 : i32 to index
        %swap3A_418 = arith.constant 16 : index
        %swap3A_419 = tpu.vector_load %arg14[%swap3A_417, %swap3A_418] {strides = array<i32>} : memref<128x32xf32, #tpu.memory_space<vmem>>, vector<1x16xf32>,
        %swap3A_420 = vector.shape_cast %swap3A_419 : vector<1x16xf32> to vector<16xf32>
        %swap3A_421 = vector.shape_cast %mul3A_416 : vector<16xf32> to vector<1x16xf32>
        tpu.vector_store %arg14[%swap3A_417, %swap3A_418], %swap3A_421 {strides = array<i32>} : memref<128x32xf32, #tpu.memory_space<vmem>>, vector<1x16xf32>,
        %mul3A_422 = arith.constant 16 : i32
        %mul3A_423 = arith.muli %scan3A_138, %mul3A_422 : i32
        %add3A_424 = arith.constant 10 : i32
        %add3A_425 = arith.addi %mul3A_423, %add3A_424 : i32
        %slice3A_426 = vector.extract_strided_slice %get3A_143 {offsets = [10], sizes = [1], strides = [1]} : vector<16xf32> to vector<1xf32>
        %squeeze3A_427 = vector.extract %slice3A_426[0] : f32 from vector<1xf32>
        %get3A_428 = arith.index_cast %add3A_425 : i32 to index
        %get3A_429 = arith.constant 0 : index
        %get3A_430 = tpu.vector_load %arg14[%get3A_428, %get3A_429] {strides = array<i32>} : memref<128x32xf32, #tpu.memory_space<vmem>>, vector<1x16xf32>,
        %get3A_431 = vector.shape_cast %get3A_430 : vector<1x16xf32> to vector<16xf32>
        %mul3A_432 = vector.broadcast %squeeze3A_427 : f32 to vector<16xf32>
        %mul3A_433 = arith.mulf %get3A_431, %mul3A_432 : vector<16xf32>
        %swap3A_434 = arith.index_cast %add3A_425 : i32 to index
        %swap3A_435 = arith.constant 0 : index
        %swap3A_436 = tpu.vector_load %arg14[%swap3A_434, %swap3A_435] {strides = array<i32>} : memref<128x32xf32, #tpu.memory_space<vmem>>, vector<1x16xf32>,
        %swap3A_437 = vector.shape_cast %swap3A_436 : vector<1x16xf32> to vector<16xf32>
        %swap3A_438 = vector.shape_cast %mul3A_433 : vector<16xf32> to vector<1x16xf32>
        tpu.vector_store %arg14[%swap3A_434, %swap3A_435], %swap3A_438 {strides = array<i32>} : memref<128x32xf32, #tpu.memory_space<vmem>>, vector<1x16xf32>,
        %get3A_439 = arith.index_cast %add3A_425 : i32 to index
        %get3A_440 = arith.constant 16 : index
        %get3A_441 = tpu.vector_load %arg14[%get3A_439, %get3A_440] {strides = array<i32>} : memref<128x32xf32, #tpu.memory_space<vmem>>, vector<1x16xf32>,
        %get3A_442 = vector.shape_cast %get3A_441 : vector<1x16xf32> to vector<16xf32>
        %mul3A_443 = vector.broadcast %squeeze3A_427 : f32 to vector<16xf32>
        %mul3A_444 = arith.mulf %get3A_442, %mul3A_443 : vector<16xf32>
        %swap3A_445 = arith.index_cast %add3A_425 : i32 to index
        %swap3A_446 = arith.constant 16 : index
        %swap3A_447 = tpu.vector_load %arg14[%swap3A_445, %swap3A_446] {strides = array<i32>} : memref<128x32xf32, #tpu.memory_space<vmem>>, vector<1x16xf32>,
        %swap3A_448 = vector.shape_cast %swap3A_447 : vector<1x16xf32> to vector<16xf32>
        %swap3A_449 = vector.shape_cast %mul3A_444 : vector<16xf32> to vector<1x16xf32>
        tpu.vector_store %arg14[%swap3A_445, %swap3A_446], %swap3A_449 {strides = array<i32>} : memref<128x32xf32, #tpu.memory_space<vmem>>, vector<1x16xf32>,
        %mul3A_450 = arith.constant 16 : i32
        %mul3A_451 = arith.muli %scan3A_138, %mul3A_450 : i32
        %add3A_452 = arith.constant 11 : i32
        %add3A_453 = arith.addi %mul3A_451, %add3A_452 : i32
        %slice3A_454 = vector.extract_strided_slice %get3A_143 {offsets = [11], sizes = [1], strides = [1]} : vector<16xf32> to vector<1xf32>
        %squeeze3A_455 = vector.extract %slice3A_454[0] : f32 from vector<1xf32>
        %get3A_456 = arith.index_cast %add3A_453 : i32 to index
        %get3A_457 = arith.constant 0 : index
        %get3A_458 = tpu.vector_load %arg14[%get3A_456, %get3A_457] {strides = array<i32>} : memref<128x32xf32, #tpu.memory_space<vmem>>, vector<1x16xf32>,
        %get3A_459 = vector.shape_cast %get3A_458 : vector<1x16xf32> to vector<16xf32>
        %mul3A_460 = vector.broadcast %squeeze3A_455 : f32 to vector<16xf32>
        %mul3A_461 = arith.mulf %get3A_459, %mul3A_460 : vector<16xf32>
        %swap3A_462 = arith.index_cast %add3A_453 : i32 to index
        %swap3A_463 = arith.constant 0 : index
        %swap3A_464 = tpu.vector_load %arg14[%swap3A_462, %swap3A_463] {strides = array<i32>} : memref<128x32xf32, #tpu.memory_space<vmem>>, vector<1x16xf32>,
        %swap3A_465 = vector.shape_cast %swap3A_464 : vector<1x16xf32> to vector<16xf32>
        %swap3A_466 = vector.shape_cast %mul3A_461 : vector<16xf32> to vector<1x16xf32>
        tpu.vector_store %arg14[%swap3A_462, %swap3A_463], %swap3A_466 {strides = array<i32>} : memref<128x32xf32, #tpu.memory_space<vmem>>, vector<1x16xf32>,
        %get3A_467 = arith.index_cast %add3A_453 : i32 to index
        %get3A_468 = arith.constant 16 : index
        %get3A_469 = tpu.vector_load %arg14[%get3A_467, %get3A_468] {strides = array<i32>} : memref<128x32xf32, #tpu.memory_space<vmem>>, vector<1x16xf32>,
        %get3A_470 = vector.shape_cast %get3A_469 : vector<1x16xf32> to vector<16xf32>
        %mul3A_471 = vector.broadcast %squeeze3A_455 : f32 to vector<16xf32>
        %mul3A_472 = arith.mulf %get3A_470, %mul3A_471 : vector<16xf32>
        %swap3A_473 = arith.index_cast %add3A_453 : i32 to index
        %swap3A_474 = arith.constant 16 : index
        %swap3A_475 = tpu.vector_load %arg14[%swap3A_473, %swap3A_474] {strides = array<i32>} : memref<128x32xf32, #tpu.memory_space<vmem>>, vector<1x16xf32>,
        %swap3A_476 = vector.shape_cast %swap3A_475 : vector<1x16xf32> to vector<16xf32>
        %swap3A_477 = vector.shape_cast %mul3A_472 : vector<16xf32> to vector<1x16xf32>
        tpu.vector_store %arg14[%swap3A_473, %swap3A_474], %swap3A_477 {strides = array<i32>} : memref<128x32xf32, #tpu.memory_space<vmem>>, vector<1x16xf32>,
        %mul3A_478 = arith.constant 16 : i32
        %mul3A_479 = arith.muli %scan3A_138, %mul3A_478 : i32
        %add3A_480 = arith.constant 12 : i32
        %add3A_481 = arith.addi %mul3A_479, %add3A_480 : i32
        %slice3A_482 = vector.extract_strided_slice %get3A_143 {offsets = [12], sizes = [1], strides = [1]} : vector<16xf32> to vector<1xf32>
        %squeeze3A_483 = vector.extract %slice3A_482[0] : f32 from vector<1xf32>
        %get3A_484 = arith.index_cast %add3A_481 : i32 to index
        %get3A_485 = arith.constant 0 : index
        %get3A_486 = tpu.vector_load %arg14[%get3A_484, %get3A_485] {strides = array<i32>} : memref<128x32xf32, #tpu.memory_space<vmem>>, vector<1x16xf32>,
        %get3A_487 = vector.shape_cast %get3A_486 : vector<1x16xf32> to vector<16xf32>
        %mul3A_488 = vector.broadcast %squeeze3A_483 : f32 to vector<16xf32>
        %mul3A_489 = arith.mulf %get3A_487, %mul3A_488 : vector<16xf32>
        %swap3A_490 = arith.index_cast %add3A_481 : i32 to index
        %swap3A_491 = arith.constant 0 : index
        %swap3A_492 = tpu.vector_load %arg14[%swap3A_490, %swap3A_491] {strides = array<i32>} : memref<128x32xf32, #tpu.memory_space<vmem>>, vector<1x16xf32>,
        %swap3A_493 = vector.shape_cast %swap3A_492 : vector<1x16xf32> to vector<16xf32>
        %swap3A_494 = vector.shape_cast %mul3A_489 : vector<16xf32> to vector<1x16xf32>
        tpu.vector_store %arg14[%swap3A_490, %swap3A_491], %swap3A_494 {strides = array<i32>} : memref<128x32xf32, #tpu.memory_space<vmem>>, vector<1x16xf32>,
        %get3A_495 = arith.index_cast %add3A_481 : i32 to index
        %get3A_496 = arith.constant 16 : index
        %get3A_497 = tpu.vector_load %arg14[%get3A_495, %get3A_496] {strides = array<i32>} : memref<128x32xf32, #tpu.memory_space<vmem>>, vector<1x16xf32>,
        %get3A_498 = vector.shape_cast %get3A_497 : vector<1x16xf32> to vector<16xf32>
        %mul3A_499 = vector.broadcast %squeeze3A_483 : f32 to vector<16xf32>
        %mul3A_500 = arith.mulf %get3A_498, %mul3A_499 : vector<16xf32>
        %swap3A_501 = arith.index_cast %add3A_481 : i32 to index
        %swap3A_502 = arith.constant 16 : index
        %swap3A_503 = tpu.vector_load %arg14[%swap3A_501, %swap3A_502] {strides = array<i32>} : memref<128x32xf32, #tpu.memory_space<vmem>>, vector<1x16xf32>,
        %swap3A_504 = vector.shape_cast %swap3A_503 : vector<1x16xf32> to vector<16xf32>
        %swap3A_505 = vector.shape_cast %mul3A_500 : vector<16xf32> to vector<1x16xf32>
        tpu.vector_store %arg14[%swap3A_501, %swap3A_502], %swap3A_505 {strides = array<i32>} : memref<128x32xf32, #tpu.memory_space<vmem>>, vector<1x16xf32>,
        %mul3A_506 = arith.constant 16 : i32
        %mul3A_507 = arith.muli %scan3A_138, %mul3A_506 : i32
        %add3A_508 = arith.constant 13 : i32
        %add3A_509 = arith.addi %mul3A_507, %add3A_508 : i32
        %slice3A_510 = vector.extract_strided_slice %get3A_143 {offsets = [13], sizes = [1], strides = [1]} : vector<16xf32> to vector<1xf32>
        %squeeze3A_511 = vector.extract %slice3A_510[0] : f32 from vector<1xf32>
        %get3A_512 = arith.index_cast %add3A_509 : i32 to index
        %get3A_513 = arith.constant 0 : index
        %get3A_514 = tpu.vector_load %arg14[%get3A_512, %get3A_513] {strides = array<i32>} : memref<128x32xf32, #tpu.memory_space<vmem>>, vector<1x16xf32>,
        %get3A_515 = vector.shape_cast %get3A_514 : vector<1x16xf32> to vector<16xf32>
        %mul3A_516 = vector.broadcast %squeeze3A_511 : f32 to vector<16xf32>
        %mul3A_517 = arith.mulf %get3A_515, %mul3A_516 : vector<16xf32>
        %swap3A_518 = arith.index_cast %add3A_509 : i32 to index
        %swap3A_519 = arith.constant 0 : index
        %swap3A_520 = tpu.vector_load %arg14[%swap3A_518, %swap3A_519] {strides = array<i32>} : memref<128x32xf32, #tpu.memory_space<vmem>>, vector<1x16xf32>,
        %swap3A_521 = vector.shape_cast %swap3A_520 : vector<1x16xf32> to vector<16xf32>
        %swap3A_522 = vector.shape_cast %mul3A_517 : vector<16xf32> to vector<1x16xf32>
        tpu.vector_store %arg14[%swap3A_518, %swap3A_519], %swap3A_522 {strides = array<i32>} : memref<128x32xf32, #tpu.memory_space<vmem>>, vector<1x16xf32>,
        %get3A_523 = arith.index_cast %add3A_509 : i32 to index
        %get3A_524 = arith.constant 16 : index
        %get3A_525 = tpu.vector_load %arg14[%get3A_523, %get3A_524] {strides = array<i32>} : memref<128x32xf32, #tpu.memory_space<vmem>>, vector<1x16xf32>,
        %get3A_526 = vector.shape_cast %get3A_525 : vector<1x16xf32> to vector<16xf32>
        %mul3A_527 = vector.broadcast %squeeze3A_511 : f32 to vector<16xf32>
        %mul3A_528 = arith.mulf %get3A_526, %mul3A_527 : vector<16xf32>
        %swap3A_529 = arith.index_cast %add3A_509 : i32 to index
        %swap3A_530 = arith.constant 16 : index
        %swap3A_531 = tpu.vector_load %arg14[%swap3A_529, %swap3A_530] {strides = array<i32>} : memref<128x32xf32, #tpu.memory_space<vmem>>, vector<1x16xf32>,
        %swap3A_532 = vector.shape_cast %swap3A_531 : vector<1x16xf32> to vector<16xf32>
        %swap3A_533 = vector.shape_cast %mul3A_528 : vector<16xf32> to vector<1x16xf32>
        tpu.vector_store %arg14[%swap3A_529, %swap3A_530], %swap3A_533 {strides = array<i32>} : memref<128x32xf32, #tpu.memory_space<vmem>>, vector<1x16xf32>,
        %mul3A_534 = arith.constant 16 : i32
        %mul3A_535 = arith.muli %scan3A_138, %mul3A_534 : i32
        %add3A_536 = arith.constant 14 : i32
        %add3A_537 = arith.addi %mul3A_535, %add3A_536 : i32
        %slice3A_538 = vector.extract_strided_slice %get3A_143 {offsets = [14], sizes = [1], strides = [1]} : vector<16xf32> to vector<1xf32>
        %squeeze3A_539 = vector.extract %slice3A_538[0] : f32 from vector<1xf32>
        %get3A_540 = arith.index_cast %add3A_537 : i32 to index
        %get3A_541 = arith.constant 0 : index
        %get3A_542 = tpu.vector_load %arg14[%get3A_540, %get3A_541] {strides = array<i32>} : memref<128x32xf32, #tpu.memory_space<vmem>>, vector<1x16xf32>,
        %get3A_543 = vector.shape_cast %get3A_542 : vector<1x16xf32> to vector<16xf32>
        %mul3A_544 = vector.broadcast %squeeze3A_539 : f32 to vector<16xf32>
        %mul3A_545 = arith.mulf %get3A_543, %mul3A_544 : vector<16xf32>
        %swap3A_546 = arith.index_cast %add3A_537 : i32 to index
        %swap3A_547 = arith.constant 0 : index
        %swap3A_548 = tpu.vector_load %arg14[%swap3A_546, %swap3A_547] {strides = array<i32>} : memref<128x32xf32, #tpu.memory_space<vmem>>, vector<1x16xf32>,
        %swap3A_549 = vector.shape_cast %swap3A_548 : vector<1x16xf32> to vector<16xf32>
        %swap3A_550 = vector.shape_cast %mul3A_545 : vector<16xf32> to vector<1x16xf32>
        tpu.vector_store %arg14[%swap3A_546, %swap3A_547], %swap3A_550 {strides = array<i32>} : memref<128x32xf32, #tpu.memory_space<vmem>>, vector<1x16xf32>,
        %get3A_551 = arith.index_cast %add3A_537 : i32 to index
        %get3A_552 = arith.constant 16 : index
        %get3A_553 = tpu.vector_load %arg14[%get3A_551, %get3A_552] {strides = array<i32>} : memref<128x32xf32, #tpu.memory_space<vmem>>, vector<1x16xf32>,
        %get3A_554 = vector.shape_cast %get3A_553 : vector<1x16xf32> to vector<16xf32>
        %mul3A_555 = vector.broadcast %squeeze3A_539 : f32 to vector<16xf32>
        %mul3A_556 = arith.mulf %get3A_554, %mul3A_555 : vector<16xf32>
        %swap3A_557 = arith.index_cast %add3A_537 : i32 to index
        %swap3A_558 = arith.constant 16 : index
        %swap3A_559 = tpu.vector_load %arg14[%swap3A_557, %swap3A_558] {strides = array<i32>} : memref<128x32xf32, #tpu.memory_space<vmem>>, vector<1x16xf32>,
        %swap3A_560 = vector.shape_cast %swap3A_559 : vector<1x16xf32> to vector<16xf32>
        %swap3A_561 = vector.shape_cast %mul3A_556 : vector<16xf32> to vector<1x16xf32>
        tpu.vector_store %arg14[%swap3A_557, %swap3A_558], %swap3A_561 {strides = array<i32>} : memref<128x32xf32, #tpu.memory_space<vmem>>, vector<1x16xf32>,
        %mul3A_562 = arith.constant 16 : i32
        %mul3A_563 = arith.muli %scan3A_138, %mul3A_562 : i32
        %add3A_564 = arith.constant 15 : i32
        %add3A_565 = arith.addi %mul3A_563, %add3A_564 : i32
        %slice3A_566 = vector.extract_strided_slice %get3A_143 {offsets = [15], sizes = [1], strides = [1]} : vector<16xf32> to vector<1xf32>
        %squeeze3A_567 = vector.extract %slice3A_566[0] : f32 from vector<1xf32>
        %get3A_568 = arith.index_cast %add3A_565 : i32 to index
        %get3A_569 = arith.constant 0 : index
        %get3A_570 = tpu.vector_load %arg14[%get3A_568, %get3A_569] {strides = array<i32>} : memref<128x32xf32, #tpu.memory_space<vmem>>, vector<1x16xf32>,
        %get3A_571 = vector.shape_cast %get3A_570 : vector<1x16xf32> to vector<16xf32>
        %mul3A_572 = vector.broadcast %squeeze3A_567 : f32 to vector<16xf32>
        %mul3A_573 = arith.mulf %get3A_571, %mul3A_572 : vector<16xf32>
        %swap3A_574 = arith.index_cast %add3A_565 : i32 to index
        %swap3A_575 = arith.constant 0 : index
        %swap3A_576 = tpu.vector_load %arg14[%swap3A_574, %swap3A_575] {strides = array<i32>} : memref<128x32xf32, #tpu.memory_space<vmem>>, vector<1x16xf32>,
        %swap3A_577 = vector.shape_cast %swap3A_576 : vector<1x16xf32> to vector<16xf32>
        %swap3A_578 = vector.shape_cast %mul3A_573 : vector<16xf32> to vector<1x16xf32>
        tpu.vector_store %arg14[%swap3A_574, %swap3A_575], %swap3A_578 {strides = array<i32>} : memref<128x32xf32, #tpu.memory_space<vmem>>, vector<1x16xf32>,
        %get3A_579 = arith.index_cast %add3A_565 : i32 to index
        %get3A_580 = arith.constant 16 : index
        %get3A_581 = tpu.vector_load %arg14[%get3A_579, %get3A_580] {strides = array<i32>} : memref<128x32xf32, #tpu.memory_space<vmem>>, vector<1x16xf32>,
        %get3A_582 = vector.shape_cast %get3A_581 : vector<1x16xf32> to vector<16xf32>
        %mul3A_583 = vector.broadcast %squeeze3A_567 : f32 to vector<16xf32>
        %mul3A_584 = arith.mulf %get3A_582, %mul3A_583 : vector<16xf32>
        %swap3A_585 = arith.index_cast %add3A_565 : i32 to index
        %swap3A_586 = arith.constant 16 : index
        %swap3A_587 = tpu.vector_load %arg14[%swap3A_585, %swap3A_586] {strides = array<i32>} : memref<128x32xf32, #tpu.memory_space<vmem>>, vector<1x16xf32>,
        %swap3A_588 = vector.shape_cast %swap3A_587 : vector<1x16xf32> to vector<16xf32>
        %swap3A_589 = vector.shape_cast %mul3A_584 : vector<16xf32> to vector<1x16xf32>
        tpu.vector_store %arg14[%swap3A_585, %swap3A_586], %swap3A_589 {strides = array<i32>} : memref<128x32xf32, #tpu.memory_space<vmem>>, vector<1x16xf32>,
      }
      %scan3A_137 = arith.constant 8 : i32
      "tpu.region"() ({
        %run_scoped3A = tpu.sem_alloc : memref<!tpu.dma_semaphore, #tpu.memory_space<semaphore_mem>>
        %dma_start3A_138 = arith.constant 0 : i32
        %dma_start3A_139 = arith.constant 0 : i32
        %dma_start3A_140 = tpu.memref_slice %arg10[%dma_start3A_138, %dma_start3A_139] : memref<50048x32xf32, #tpu.memory_space<vmem_shared>> -> memref<50048x32xf32, #tpu.memory_space<vmem_shared>>
        tpu.enqueue_indirect_dma source(%arg14 : memref<128x32xf32, #tpu.memory_space<vmem>>) target(%dma_start3A_140 : memref<50048x32xf32, #tpu.memory_space<vmem_shared>>) offsets(%arg12 : memref<128xi32, #tpu.memory_space<vmem>>) semaphore(%run_scoped3A : memref<!tpu.dma_semaphore, #tpu.memory_space<semaphore_mem>>) {add = true}
        %dma_wait3A_141 = arith.constant 0 : i32
        %dma_wait3A_142 = arith.constant 0 : i32
        %dma_wait3A_143 = tpu.memref_slice %arg10[%dma_wait3A_141, %dma_wait3A_142] : memref<50048x32xf32, #tpu.memory_space<vmem_shared>> -> memref<50048x32xf32, #tpu.memory_space<vmem_shared>>
        tpu.wait_indirect_dma semaphore(%run_scoped3A : memref<!tpu.dma_semaphore, #tpu.memory_space<semaphore_mem>>) src(%arg14 : memref<128x32xf32, #tpu.memory_space<vmem>>) dst(%dma_wait3A_143 : memref<50048x32xf32, #tpu.memory_space<vmem_shared>>)
        tpu.yield
      }) : () -> ()
    }
    %scan3A_27 = arith.constant 391 : i32
    %barrier3A_28 = arith.constant 0 : index
    tpu.barrier barrier_id(%barrier3A_28)
    %mul3A_29 = arith.constant 3128 : i32
    %mul3A_30 = arith.muli %arg1, %mul3A_29 : i32
    %mul3A_31 = arith.constant 3128 : i32
    %mul3A_32 = arith.muli %arg1, %mul3A_31 : i32
    %add3A_33 = arith.addi %mul3A_0, %mul3A_32 : i32
    "tpu.region"() ({
      %run_scoped3A = tpu.sem_alloc : memref<!tpu.dma_semaphore, #tpu.memory_space<semaphore_mem>>
      %dma_start3A = arith.constant 0 : i32
      %dma_start3A_54 = tpu.memref_slice %arg8[%add3A_33, %dma_start3A] : memref<100096x32xf32, #tpu.memory_space<hbm>> -> memref<3128x32xf32, #tpu.memory_space<hbm>>
      %dma_start3A_55 = arith.constant 0 : i32
      %dma_start3A_56 = tpu.memref_slice %arg10[%mul3A_30, %dma_start3A_55] : memref<50048x32xf32, #tpu.memory_space<vmem_shared>> -> memref<3128x32xf32, #tpu.memory_space<vmem_shared>>
      tpu.enqueue_dma source(%dma_start3A_56 : memref<3128x32xf32, #tpu.memory_space<vmem_shared>>) target(%dma_start3A_54 : memref<3128x32xf32, #tpu.memory_space<hbm>>) target_semaphore(%run_scoped3A : memref<!tpu.dma_semaphore, #tpu.memory_space<semaphore_mem>>)
      %dma_wait3A = arith.constant 0 : i32
      %dma_wait3A_57 = tpu.memref_slice %arg8[%add3A_33, %dma_wait3A] : memref<100096x32xf32, #tpu.memory_space<hbm>> -> memref<3128x32xf32, #tpu.memory_space<hbm>>
      %dma_wait3A_58 = arith.constant 0 : i32
      %dma_wait3A_59 = tpu.memref_slice %arg10[%mul3A_30, %dma_wait3A_58] : memref<50048x32xf32, #tpu.memory_space<vmem_shared>> -> memref<3128x32xf32, #tpu.memory_space<vmem_shared>>
      tpu.wait_dma2 semaphore(%run_scoped3A : memref<!tpu.dma_semaphore, #tpu.memory_space<semaphore_mem>>) src(%dma_wait3A_59 : memref<3128x32xf32, #tpu.memory_space<vmem_shared>>) dst(%dma_wait3A_57 : memref<3128x32xf32, #tpu.memory_space<hbm>>)
      tpu.yield
    }) : () -> ()
    %barrier3A_34 = arith.constant 0 : index
    tpu.barrier barrier_id(%barrier3A_34)
    %eq3A_35 = arith.constant 0 : i32
    %eq3A_36 = arith.cmpi eq, %arg1, %eq3A_35 : i32
    %convert_element_type3A_37 = arith.extui %eq3A_36 : i1 to i32
    %cond3A_38 = arith.constant 0 : i32
    %cond3A_39 = arith.cmpi ne, %convert_element_type3A_37, %cond3A_38 : i32
    scf.if %cond3A_39 {
      "tpu.region"() ({
        %run_scoped3A = tpu.sem_alloc : memref<!tpu.dma_semaphore, #tpu.memory_space<semaphore_mem>>
        tpu.enqueue_dma source(%arg6 : memref<50048x32xf32, #tpu.memory_space<hbm>>) target(%arg10 : memref<50048x32xf32, #tpu.memory_space<vmem_shared>>) target_semaphore(%run_scoped3A : memref<!tpu.dma_semaphore, #tpu.memory_space<semaphore_mem>>)
        tpu.wait_dma2 semaphore(%run_scoped3A : memref<!tpu.dma_semaphore, #tpu.memory_space<semaphore_mem>>) src(%arg6 : memref<50048x32xf32, #tpu.memory_space<hbm>>) dst(%arg10 : memref<50048x32xf32, #tpu.memory_space<vmem_shared>>)
        tpu.yield
      }) : () -> ()
    } else {
    }
    %barrier3A_40 = arith.constant 0 : index
    tpu.barrier barrier_id(%barrier3A_40)
    %scan3A_41 = arith.constant 0 : i32
    %scan3A_42 = arith.constant 0 : i32
    %scan3A_43 = arith.constant 391 : i32
    %scan3A_44 = arith.addi %scan3A_42, %scan3A_43 : i32
    %scan3A_45 = arith.constant 1 : i32
    scf.for %scan3A_54 = %scan3A_42 to %scan3A_44 step %scan3A_45  : i32 {
      %mul3A_55 = arith.constant 128 : i32
      %mul3A_56 = arith.muli %scan3A_54, %mul3A_55 : i32
      %add3A_57 = arith.addi %mul3A_2, %mul3A_56 : i32
      "tpu.region"() ({
        %run_scoped3A = tpu.sem_alloc : memref<!tpu.dma_semaphore, #tpu.memory_space<semaphore_mem>>
        %dma_start3A_138 = tpu.memref_slice %arg3[%add3A_57] : memref<800768xi32, #tpu.memory_space<hbm>> -> memref<128xi32, #tpu.memory_space<hbm>>
        %dma_start3A_139 = tpu.memref_slice %arg3[%add3A_57] : memref<800768xi32, #tpu.memory_space<hbm>> -> memref<128xi32, #tpu.memory_space<hbm>>
        tpu.enqueue_dma source(%dma_start3A_139 : memref<128xi32, #tpu.memory_space<hbm>>) target(%arg11 : memref<128xi32, #tpu.memory_space<vmem>>) target_semaphore(%run_scoped3A : memref<!tpu.dma_semaphore, #tpu.memory_space<semaphore_mem>>)
        %dma_wait3A_140 = tpu.memref_slice %arg3[%add3A_57] : memref<800768xi32, #tpu.memory_space<hbm>> -> memref<128xi32, #tpu.memory_space<hbm>>
        %dma_wait3A_141 = tpu.memref_slice %arg3[%add3A_57] : memref<800768xi32, #tpu.memory_space<hbm>> -> memref<128xi32, #tpu.memory_space<hbm>>
        tpu.wait_dma2 semaphore(%run_scoped3A : memref<!tpu.dma_semaphore, #tpu.memory_space<semaphore_mem>>) src(%dma_wait3A_141 : memref<128xi32, #tpu.memory_space<hbm>>) dst(%arg11 : memref<128xi32, #tpu.memory_space<vmem>>)
        tpu.yield
      }) : () -> ()
      "tpu.region"() ({
        %run_scoped3A = tpu.sem_alloc : memref<!tpu.dma_semaphore, #tpu.memory_space<semaphore_mem>>
        %dma_start3A_138 = tpu.memref_slice %arg4[%add3A_57] : memref<800768xi32, #tpu.memory_space<hbm>> -> memref<128xi32, #tpu.memory_space<hbm>>
        %dma_start3A_139 = tpu.memref_slice %arg4[%add3A_57] : memref<800768xi32, #tpu.memory_space<hbm>> -> memref<128xi32, #tpu.memory_space<hbm>>
        tpu.enqueue_dma source(%dma_start3A_139 : memref<128xi32, #tpu.memory_space<hbm>>) target(%arg12 : memref<128xi32, #tpu.memory_space<vmem>>) target_semaphore(%run_scoped3A : memref<!tpu.dma_semaphore, #tpu.memory_space<semaphore_mem>>)
        %dma_wait3A_140 = tpu.memref_slice %arg4[%add3A_57] : memref<800768xi32, #tpu.memory_space<hbm>> -> memref<128xi32, #tpu.memory_space<hbm>>
        %dma_wait3A_141 = tpu.memref_slice %arg4[%add3A_57] : memref<800768xi32, #tpu.memory_space<hbm>> -> memref<128xi32, #tpu.memory_space<hbm>>
        tpu.wait_dma2 semaphore(%run_scoped3A : memref<!tpu.dma_semaphore, #tpu.memory_space<semaphore_mem>>) src(%dma_wait3A_141 : memref<128xi32, #tpu.memory_space<hbm>>) dst(%arg12 : memref<128xi32, #tpu.memory_space<vmem>>)
        tpu.yield
      }) : () -> ()
      "tpu.region"() ({
        %run_scoped3A = tpu.sem_alloc : memref<!tpu.dma_semaphore, #tpu.memory_space<semaphore_mem>>
        %dma_start3A_138 = tpu.memref_slice %arg5[%add3A_57] : memref<800768xf32, #tpu.memory_space<hbm>> -> memref<128xf32, #tpu.memory_space<hbm>>
        %dma_start3A_139 = tpu.memref_slice %arg5[%add3A_57] : memref<800768xf32, #tpu.memory_space<hbm>> -> memref<128xf32, #tpu.memory_space<hbm>>
        tpu.enqueue_dma source(%dma_start3A_139 : memref<128xf32, #tpu.memory_space<hbm>>) target(%arg13 : memref<128xf32, #tpu.memory_space<vmem>>) target_semaphore(%run_scoped3A : memref<!tpu.dma_semaphore, #tpu.memory_space<semaphore_mem>>)
        %dma_wait3A_140 = tpu.memref_slice %arg5[%add3A_57] : memref<800768xf32, #tpu.memory_space<hbm>> -> memref<128xf32, #tpu.memory_space<hbm>>
        %dma_wait3A_141 = tpu.memref_slice %arg5[%add3A_57] : memref<800768xf32, #tpu.memory_space<hbm>> -> memref<128xf32, #tpu.memory_space<hbm>>
        tpu.wait_dma2 semaphore(%run_scoped3A : memref<!tpu.dma_semaphore, #tpu.memory_space<semaphore_mem>>) src(%dma_wait3A_141 : memref<128xf32, #tpu.memory_space<hbm>>) dst(%arg13 : memref<128xf32, #tpu.memory_space<vmem>>)
        tpu.yield
      }) : () -> ()
      %get3A = arith.constant 0 : index
      %get3A_58 = tpu.vector_load %arg11[%get3A] {strides = array<i32>} : memref<128xi32, #tpu.memory_space<vmem>>, vector<16xi32>,
      %get3A_59 = vector.shape_cast %get3A_58 : vector<16xi32> to vector<16xi32>
      %add3A_60 = vector.broadcast %mul3A_0 : i32 to vector<16xi32>
      %add3A_61 = arith.addi %get3A_59, %add3A_60 : vector<16xi32>
      %swap3A = arith.constant 0 : index
      %swap3A_62 = tpu.vector_load %arg11[%swap3A] {strides = array<i32>} : memref<128xi32, #tpu.memory_space<vmem>>, vector<16xi32>,
      %swap3A_63 = vector.shape_cast %swap3A_62 : vector<16xi32> to vector<16xi32>
      %swap3A_64 = vector.shape_cast %add3A_61 : vector<16xi32> to vector<16xi32>
      tpu.vector_store %arg11[%swap3A], %swap3A_64 {strides = array<i32>} : memref<128xi32, #tpu.memory_space<vmem>>, vector<16xi32>,
      %get3A_65 = arith.constant 16 : index
      %get3A_66 = tpu.vector_load %arg11[%get3A_65] {strides = array<i32>} : memref<128xi32, #tpu.memory_space<vmem>>, vector<16xi32>,
      %get3A_67 = vector.shape_cast %get3A_66 : vector<16xi32> to vector<16xi32>
      %add3A_68 = vector.broadcast %mul3A_0 : i32 to vector<16xi32>
      %add3A_69 = arith.addi %get3A_67, %add3A_68 : vector<16xi32>
      %swap3A_70 = arith.constant 16 : index
      %swap3A_71 = tpu.vector_load %arg11[%swap3A_70] {strides = array<i32>} : memref<128xi32, #tpu.memory_space<vmem>>, vector<16xi32>,
      %swap3A_72 = vector.shape_cast %swap3A_71 : vector<16xi32> to vector<16xi32>
      %swap3A_73 = vector.shape_cast %add3A_69 : vector<16xi32> to vector<16xi32>
      tpu.vector_store %arg11[%swap3A_70], %swap3A_73 {strides = array<i32>} : memref<128xi32, #tpu.memory_space<vmem>>, vector<16xi32>,
      %get3A_74 = arith.constant 32 : index
      %get3A_75 = tpu.vector_load %arg11[%get3A_74] {strides = array<i32>} : memref<128xi32, #tpu.memory_space<vmem>>, vector<16xi32>,
      %get3A_76 = vector.shape_cast %get3A_75 : vector<16xi32> to vector<16xi32>
      %add3A_77 = vector.broadcast %mul3A_0 : i32 to vector<16xi32>
      %add3A_78 = arith.addi %get3A_76, %add3A_77 : vector<16xi32>
      %swap3A_79 = arith.constant 32 : index
      %swap3A_80 = tpu.vector_load %arg11[%swap3A_79] {strides = array<i32>} : memref<128xi32, #tpu.memory_space<vmem>>, vector<16xi32>,
      %swap3A_81 = vector.shape_cast %swap3A_80 : vector<16xi32> to vector<16xi32>
      %swap3A_82 = vector.shape_cast %add3A_78 : vector<16xi32> to vector<16xi32>
      tpu.vector_store %arg11[%swap3A_79], %swap3A_82 {strides = array<i32>} : memref<128xi32, #tpu.memory_space<vmem>>, vector<16xi32>,
      %get3A_83 = arith.constant 48 : index
      %get3A_84 = tpu.vector_load %arg11[%get3A_83] {strides = array<i32>} : memref<128xi32, #tpu.memory_space<vmem>>, vector<16xi32>,
      %get3A_85 = vector.shape_cast %get3A_84 : vector<16xi32> to vector<16xi32>
      %add3A_86 = vector.broadcast %mul3A_0 : i32 to vector<16xi32>
      %add3A_87 = arith.addi %get3A_85, %add3A_86 : vector<16xi32>
      %swap3A_88 = arith.constant 48 : index
      %swap3A_89 = tpu.vector_load %arg11[%swap3A_88] {strides = array<i32>} : memref<128xi32, #tpu.memory_space<vmem>>, vector<16xi32>,
      %swap3A_90 = vector.shape_cast %swap3A_89 : vector<16xi32> to vector<16xi32>
      %swap3A_91 = vector.shape_cast %add3A_87 : vector<16xi32> to vector<16xi32>
      tpu.vector_store %arg11[%swap3A_88], %swap3A_91 {strides = array<i32>} : memref<128xi32, #tpu.memory_space<vmem>>, vector<16xi32>,
      %get3A_92 = arith.constant 64 : index
      %get3A_93 = tpu.vector_load %arg11[%get3A_92] {strides = array<i32>} : memref<128xi32, #tpu.memory_space<vmem>>, vector<16xi32>,
      %get3A_94 = vector.shape_cast %get3A_93 : vector<16xi32> to vector<16xi32>
      %add3A_95 = vector.broadcast %mul3A_0 : i32 to vector<16xi32>
      %add3A_96 = arith.addi %get3A_94, %add3A_95 : vector<16xi32>
      %swap3A_97 = arith.constant 64 : index
      %swap3A_98 = tpu.vector_load %arg11[%swap3A_97] {strides = array<i32>} : memref<128xi32, #tpu.memory_space<vmem>>, vector<16xi32>,
      %swap3A_99 = vector.shape_cast %swap3A_98 : vector<16xi32> to vector<16xi32>
      %swap3A_100 = vector.shape_cast %add3A_96 : vector<16xi32> to vector<16xi32>
      tpu.vector_store %arg11[%swap3A_97], %swap3A_100 {strides = array<i32>} : memref<128xi32, #tpu.memory_space<vmem>>, vector<16xi32>,
      %get3A_101 = arith.constant 80 : index
      %get3A_102 = tpu.vector_load %arg11[%get3A_101] {strides = array<i32>} : memref<128xi32, #tpu.memory_space<vmem>>, vector<16xi32>,
      %get3A_103 = vector.shape_cast %get3A_102 : vector<16xi32> to vector<16xi32>
      %add3A_104 = vector.broadcast %mul3A_0 : i32 to vector<16xi32>
      %add3A_105 = arith.addi %get3A_103, %add3A_104 : vector<16xi32>
      %swap3A_106 = arith.constant 80 : index
      %swap3A_107 = tpu.vector_load %arg11[%swap3A_106] {strides = array<i32>} : memref<128xi32, #tpu.memory_space<vmem>>, vector<16xi32>,
      %swap3A_108 = vector.shape_cast %swap3A_107 : vector<16xi32> to vector<16xi32>
      %swap3A_109 = vector.shape_cast %add3A_105 : vector<16xi32> to vector<16xi32>
      tpu.vector_store %arg11[%swap3A_106], %swap3A_109 {strides = array<i32>} : memref<128xi32, #tpu.memory_space<vmem>>, vector<16xi32>,
      %get3A_110 = arith.constant 96 : index
      %get3A_111 = tpu.vector_load %arg11[%get3A_110] {strides = array<i32>} : memref<128xi32, #tpu.memory_space<vmem>>, vector<16xi32>,
      %get3A_112 = vector.shape_cast %get3A_111 : vector<16xi32> to vector<16xi32>
      %add3A_113 = vector.broadcast %mul3A_0 : i32 to vector<16xi32>
      %add3A_114 = arith.addi %get3A_112, %add3A_113 : vector<16xi32>
      %swap3A_115 = arith.constant 96 : index
      %swap3A_116 = tpu.vector_load %arg11[%swap3A_115] {strides = array<i32>} : memref<128xi32, #tpu.memory_space<vmem>>, vector<16xi32>,
      %swap3A_117 = vector.shape_cast %swap3A_116 : vector<16xi32> to vector<16xi32>
      %swap3A_118 = vector.shape_cast %add3A_114 : vector<16xi32> to vector<16xi32>
      tpu.vector_store %arg11[%swap3A_115], %swap3A_118 {strides = array<i32>} : memref<128xi32, #tpu.memory_space<vmem>>, vector<16xi32>,
      %get3A_119 = arith.constant 112 : index
      %get3A_120 = tpu.vector_load %arg11[%get3A_119] {strides = array<i32>} : memref<128xi32, #tpu.memory_space<vmem>>, vector<16xi32>,
      %get3A_121 = vector.shape_cast %get3A_120 : vector<16xi32> to vector<16xi32>
      %add3A_122 = vector.broadcast %mul3A_0 : i32 to vector<16xi32>
      %add3A_123 = arith.addi %get3A_121, %add3A_122 : vector<16xi32>
      %swap3A_124 = arith.constant 112 : index
      %swap3A_125 = tpu.vector_load %arg11[%swap3A_124] {strides = array<i32>} : memref<128xi32, #tpu.memory_space<vmem>>, vector<16xi32>,
      %swap3A_126 = vector.shape_cast %swap3A_125 : vector<16xi32> to vector<16xi32>
      %swap3A_127 = vector.shape_cast %add3A_123 : vector<16xi32> to vector<16xi32>
      tpu.vector_store %arg11[%swap3A_124], %swap3A_127 {strides = array<i32>} : memref<128xi32, #tpu.memory_space<vmem>>, vector<16xi32>,
      %dma_start3A = arith.constant 0 : i32
      %dma_start3A_128 = arith.constant 0 : i32
      %dma_start3A_129 = tpu.memref_slice %arg8[%dma_start3A, %dma_start3A_128] : memref<100096x32xf32, #tpu.memory_space<hbm>> -> memref<100096x32xf32, #tpu.memory_space<hbm>>
      tpu.enqueue_indirect_dma source(%dma_start3A_129 : memref<100096x32xf32, #tpu.memory_space<hbm>>) target(%arg14 : memref<128x32xf32, #tpu.memory_space<vmem>>) offsets(%arg11 : memref<128xi32, #tpu.memory_space<vmem>>) semaphore(%arg15 : memref<!tpu.dma_semaphore, #tpu.memory_space<semaphore_mem>>)
      %dma_wait3A = arith.constant 0 : i32
      %dma_wait3A_130 = arith.constant 0 : i32
      %dma_wait3A_131 = tpu.memref_slice %arg8[%dma_wait3A, %dma_wait3A_130] : memref<100096x32xf32, #tpu.memory_space<hbm>> -> memref<100096x32xf32, #tpu.memory_space<hbm>>
      tpu.wait_indirect_dma semaphore(%arg15 : memref<!tpu.dma_semaphore, #tpu.memory_space<semaphore_mem>>) src(%dma_wait3A_131 : memref<100096x32xf32, #tpu.memory_space<hbm>>) dst(%arg14 : memref<128x32xf32, #tpu.memory_space<vmem>>)
      %scan3A_132 = arith.constant 0 : i32
      %scan3A_133 = arith.constant 0 : i32
      %scan3A_134 = arith.constant 8 : i32
      %scan3A_135 = arith.addi %scan3A_133, %scan3A_134 : i32
      %scan3A_136 = arith.constant 1 : i32
      scf.for %scan3A_138 = %scan3A_133 to %scan3A_135 step %scan3A_136  : i32 {
        %mul3A_139 = arith.constant 16 : i32
        %mul3A_140 = arith.muli %scan3A_138, %mul3A_139 : i32
        %get3A_141 = arith.index_cast %mul3A_140 : i32 to index
        %get3A_142 = tpu.vector_load %arg13[%get3A_141] {strides = array<i32>} : memref<128xf32, #tpu.memory_space<vmem>>, vector<16xf32>,
        %get3A_143 = vector.shape_cast %get3A_142 : vector<16xf32> to vector<16xf32>
        %mul3A_144 = arith.constant 16 : i32
        %mul3A_145 = arith.muli %scan3A_138, %mul3A_144 : i32
        %add3A_146 = arith.constant 0 : i32
        %add3A_147 = arith.addi %mul3A_145, %add3A_146 : i32
        %slice3A = vector.extract_strided_slice %get3A_143 {offsets = [0], sizes = [1], strides = [1]} : vector<16xf32> to vector<1xf32>
        %squeeze3A = vector.extract %slice3A[0] : f32 from vector<1xf32>
        %get3A_148 = arith.index_cast %add3A_147 : i32 to index
        %get3A_149 = arith.constant 0 : index
        %get3A_150 = tpu.vector_load %arg14[%get3A_148, %get3A_149] {strides = array<i32>} : memref<128x32xf32, #tpu.memory_space<vmem>>, vector<1x16xf32>,
        %get3A_151 = vector.shape_cast %get3A_150 : vector<1x16xf32> to vector<16xf32>
        %mul3A_152 = vector.broadcast %squeeze3A : f32 to vector<16xf32>
        %mul3A_153 = arith.mulf %get3A_151, %mul3A_152 : vector<16xf32>
        %swap3A_154 = arith.index_cast %add3A_147 : i32 to index
        %swap3A_155 = arith.constant 0 : index
        %swap3A_156 = tpu.vector_load %arg14[%swap3A_154, %swap3A_155] {strides = array<i32>} : memref<128x32xf32, #tpu.memory_space<vmem>>, vector<1x16xf32>,
        %swap3A_157 = vector.shape_cast %swap3A_156 : vector<1x16xf32> to vector<16xf32>
        %swap3A_158 = vector.shape_cast %mul3A_153 : vector<16xf32> to vector<1x16xf32>
        tpu.vector_store %arg14[%swap3A_154, %swap3A_155], %swap3A_158 {strides = array<i32>} : memref<128x32xf32, #tpu.memory_space<vmem>>, vector<1x16xf32>,
        %get3A_159 = arith.index_cast %add3A_147 : i32 to index
        %get3A_160 = arith.constant 16 : index
        %get3A_161 = tpu.vector_load %arg14[%get3A_159, %get3A_160] {strides = array<i32>} : memref<128x32xf32, #tpu.memory_space<vmem>>, vector<1x16xf32>,
        %get3A_162 = vector.shape_cast %get3A_161 : vector<1x16xf32> to vector<16xf32>
        %mul3A_163 = vector.broadcast %squeeze3A : f32 to vector<16xf32>
        %mul3A_164 = arith.mulf %get3A_162, %mul3A_163 : vector<16xf32>
        %swap3A_165 = arith.index_cast %add3A_147 : i32 to index
        %swap3A_166 = arith.constant 16 : index
        %swap3A_167 = tpu.vector_load %arg14[%swap3A_165, %swap3A_166] {strides = array<i32>} : memref<128x32xf32, #tpu.memory_space<vmem>>, vector<1x16xf32>,
        %swap3A_168 = vector.shape_cast %swap3A_167 : vector<1x16xf32> to vector<16xf32>
        %swap3A_169 = vector.shape_cast %mul3A_164 : vector<16xf32> to vector<1x16xf32>
        tpu.vector_store %arg14[%swap3A_165, %swap3A_166], %swap3A_169 {strides = array<i32>} : memref<128x32xf32, #tpu.memory_space<vmem>>, vector<1x16xf32>,
        %mul3A_170 = arith.constant 16 : i32
        %mul3A_171 = arith.muli %scan3A_138, %mul3A_170 : i32
        %add3A_172 = arith.constant 1 : i32
        %add3A_173 = arith.addi %mul3A_171, %add3A_172 : i32
        %slice3A_174 = vector.extract_strided_slice %get3A_143 {offsets = [1], sizes = [1], strides = [1]} : vector<16xf32> to vector<1xf32>
        %squeeze3A_175 = vector.extract %slice3A_174[0] : f32 from vector<1xf32>
        %get3A_176 = arith.index_cast %add3A_173 : i32 to index
        %get3A_177 = arith.constant 0 : index
        %get3A_178 = tpu.vector_load %arg14[%get3A_176, %get3A_177] {strides = array<i32>} : memref<128x32xf32, #tpu.memory_space<vmem>>, vector<1x16xf32>,
        %get3A_179 = vector.shape_cast %get3A_178 : vector<1x16xf32> to vector<16xf32>
        %mul3A_180 = vector.broadcast %squeeze3A_175 : f32 to vector<16xf32>
        %mul3A_181 = arith.mulf %get3A_179, %mul3A_180 : vector<16xf32>
        %swap3A_182 = arith.index_cast %add3A_173 : i32 to index
        %swap3A_183 = arith.constant 0 : index
        %swap3A_184 = tpu.vector_load %arg14[%swap3A_182, %swap3A_183] {strides = array<i32>} : memref<128x32xf32, #tpu.memory_space<vmem>>, vector<1x16xf32>,
        %swap3A_185 = vector.shape_cast %swap3A_184 : vector<1x16xf32> to vector<16xf32>
        %swap3A_186 = vector.shape_cast %mul3A_181 : vector<16xf32> to vector<1x16xf32>
        tpu.vector_store %arg14[%swap3A_182, %swap3A_183], %swap3A_186 {strides = array<i32>} : memref<128x32xf32, #tpu.memory_space<vmem>>, vector<1x16xf32>,
        %get3A_187 = arith.index_cast %add3A_173 : i32 to index
        %get3A_188 = arith.constant 16 : index
        %get3A_189 = tpu.vector_load %arg14[%get3A_187, %get3A_188] {strides = array<i32>} : memref<128x32xf32, #tpu.memory_space<vmem>>, vector<1x16xf32>,
        %get3A_190 = vector.shape_cast %get3A_189 : vector<1x16xf32> to vector<16xf32>
        %mul3A_191 = vector.broadcast %squeeze3A_175 : f32 to vector<16xf32>
        %mul3A_192 = arith.mulf %get3A_190, %mul3A_191 : vector<16xf32>
        %swap3A_193 = arith.index_cast %add3A_173 : i32 to index
        %swap3A_194 = arith.constant 16 : index
        %swap3A_195 = tpu.vector_load %arg14[%swap3A_193, %swap3A_194] {strides = array<i32>} : memref<128x32xf32, #tpu.memory_space<vmem>>, vector<1x16xf32>,
        %swap3A_196 = vector.shape_cast %swap3A_195 : vector<1x16xf32> to vector<16xf32>
        %swap3A_197 = vector.shape_cast %mul3A_192 : vector<16xf32> to vector<1x16xf32>
        tpu.vector_store %arg14[%swap3A_193, %swap3A_194], %swap3A_197 {strides = array<i32>} : memref<128x32xf32, #tpu.memory_space<vmem>>, vector<1x16xf32>,
        %mul3A_198 = arith.constant 16 : i32
        %mul3A_199 = arith.muli %scan3A_138, %mul3A_198 : i32
        %add3A_200 = arith.constant 2 : i32
        %add3A_201 = arith.addi %mul3A_199, %add3A_200 : i32
        %slice3A_202 = vector.extract_strided_slice %get3A_143 {offsets = [2], sizes = [1], strides = [1]} : vector<16xf32> to vector<1xf32>
        %squeeze3A_203 = vector.extract %slice3A_202[0] : f32 from vector<1xf32>
        %get3A_204 = arith.index_cast %add3A_201 : i32 to index
        %get3A_205 = arith.constant 0 : index
        %get3A_206 = tpu.vector_load %arg14[%get3A_204, %get3A_205] {strides = array<i32>} : memref<128x32xf32, #tpu.memory_space<vmem>>, vector<1x16xf32>,
        %get3A_207 = vector.shape_cast %get3A_206 : vector<1x16xf32> to vector<16xf32>
        %mul3A_208 = vector.broadcast %squeeze3A_203 : f32 to vector<16xf32>
        %mul3A_209 = arith.mulf %get3A_207, %mul3A_208 : vector<16xf32>
        %swap3A_210 = arith.index_cast %add3A_201 : i32 to index
        %swap3A_211 = arith.constant 0 : index
        %swap3A_212 = tpu.vector_load %arg14[%swap3A_210, %swap3A_211] {strides = array<i32>} : memref<128x32xf32, #tpu.memory_space<vmem>>, vector<1x16xf32>,
        %swap3A_213 = vector.shape_cast %swap3A_212 : vector<1x16xf32> to vector<16xf32>
        %swap3A_214 = vector.shape_cast %mul3A_209 : vector<16xf32> to vector<1x16xf32>
        tpu.vector_store %arg14[%swap3A_210, %swap3A_211], %swap3A_214 {strides = array<i32>} : memref<128x32xf32, #tpu.memory_space<vmem>>, vector<1x16xf32>,
        %get3A_215 = arith.index_cast %add3A_201 : i32 to index
        %get3A_216 = arith.constant 16 : index
        %get3A_217 = tpu.vector_load %arg14[%get3A_215, %get3A_216] {strides = array<i32>} : memref<128x32xf32, #tpu.memory_space<vmem>>, vector<1x16xf32>,
        %get3A_218 = vector.shape_cast %get3A_217 : vector<1x16xf32> to vector<16xf32>
        %mul3A_219 = vector.broadcast %squeeze3A_203 : f32 to vector<16xf32>
        %mul3A_220 = arith.mulf %get3A_218, %mul3A_219 : vector<16xf32>
        %swap3A_221 = arith.index_cast %add3A_201 : i32 to index
        %swap3A_222 = arith.constant 16 : index
        %swap3A_223 = tpu.vector_load %arg14[%swap3A_221, %swap3A_222] {strides = array<i32>} : memref<128x32xf32, #tpu.memory_space<vmem>>, vector<1x16xf32>,
        %swap3A_224 = vector.shape_cast %swap3A_223 : vector<1x16xf32> to vector<16xf32>
        %swap3A_225 = vector.shape_cast %mul3A_220 : vector<16xf32> to vector<1x16xf32>
        tpu.vector_store %arg14[%swap3A_221, %swap3A_222], %swap3A_225 {strides = array<i32>} : memref<128x32xf32, #tpu.memory_space<vmem>>, vector<1x16xf32>,
        %mul3A_226 = arith.constant 16 : i32
        %mul3A_227 = arith.muli %scan3A_138, %mul3A_226 : i32
        %add3A_228 = arith.constant 3 : i32
        %add3A_229 = arith.addi %mul3A_227, %add3A_228 : i32
        %slice3A_230 = vector.extract_strided_slice %get3A_143 {offsets = [3], sizes = [1], strides = [1]} : vector<16xf32> to vector<1xf32>
        %squeeze3A_231 = vector.extract %slice3A_230[0] : f32 from vector<1xf32>
        %get3A_232 = arith.index_cast %add3A_229 : i32 to index
        %get3A_233 = arith.constant 0 : index
        %get3A_234 = tpu.vector_load %arg14[%get3A_232, %get3A_233] {strides = array<i32>} : memref<128x32xf32, #tpu.memory_space<vmem>>, vector<1x16xf32>,
        %get3A_235 = vector.shape_cast %get3A_234 : vector<1x16xf32> to vector<16xf32>
        %mul3A_236 = vector.broadcast %squeeze3A_231 : f32 to vector<16xf32>
        %mul3A_237 = arith.mulf %get3A_235, %mul3A_236 : vector<16xf32>
        %swap3A_238 = arith.index_cast %add3A_229 : i32 to index
        %swap3A_239 = arith.constant 0 : index
        %swap3A_240 = tpu.vector_load %arg14[%swap3A_238, %swap3A_239] {strides = array<i32>} : memref<128x32xf32, #tpu.memory_space<vmem>>, vector<1x16xf32>,
        %swap3A_241 = vector.shape_cast %swap3A_240 : vector<1x16xf32> to vector<16xf32>
        %swap3A_242 = vector.shape_cast %mul3A_237 : vector<16xf32> to vector<1x16xf32>
        tpu.vector_store %arg14[%swap3A_238, %swap3A_239], %swap3A_242 {strides = array<i32>} : memref<128x32xf32, #tpu.memory_space<vmem>>, vector<1x16xf32>,
        %get3A_243 = arith.index_cast %add3A_229 : i32 to index
        %get3A_244 = arith.constant 16 : index
        %get3A_245 = tpu.vector_load %arg14[%get3A_243, %get3A_244] {strides = array<i32>} : memref<128x32xf32, #tpu.memory_space<vmem>>, vector<1x16xf32>,
        %get3A_246 = vector.shape_cast %get3A_245 : vector<1x16xf32> to vector<16xf32>
        %mul3A_247 = vector.broadcast %squeeze3A_231 : f32 to vector<16xf32>
        %mul3A_248 = arith.mulf %get3A_246, %mul3A_247 : vector<16xf32>
        %swap3A_249 = arith.index_cast %add3A_229 : i32 to index
        %swap3A_250 = arith.constant 16 : index
        %swap3A_251 = tpu.vector_load %arg14[%swap3A_249, %swap3A_250] {strides = array<i32>} : memref<128x32xf32, #tpu.memory_space<vmem>>, vector<1x16xf32>,
        %swap3A_252 = vector.shape_cast %swap3A_251 : vector<1x16xf32> to vector<16xf32>
        %swap3A_253 = vector.shape_cast %mul3A_248 : vector<16xf32> to vector<1x16xf32>
        tpu.vector_store %arg14[%swap3A_249, %swap3A_250], %swap3A_253 {strides = array<i32>} : memref<128x32xf32, #tpu.memory_space<vmem>>, vector<1x16xf32>,
        %mul3A_254 = arith.constant 16 : i32
        %mul3A_255 = arith.muli %scan3A_138, %mul3A_254 : i32
        %add3A_256 = arith.constant 4 : i32
        %add3A_257 = arith.addi %mul3A_255, %add3A_256 : i32
        %slice3A_258 = vector.extract_strided_slice %get3A_143 {offsets = [4], sizes = [1], strides = [1]} : vector<16xf32> to vector<1xf32>
        %squeeze3A_259 = vector.extract %slice3A_258[0] : f32 from vector<1xf32>
        %get3A_260 = arith.index_cast %add3A_257 : i32 to index
        %get3A_261 = arith.constant 0 : index
        %get3A_262 = tpu.vector_load %arg14[%get3A_260, %get3A_261] {strides = array<i32>} : memref<128x32xf32, #tpu.memory_space<vmem>>, vector<1x16xf32>,
        %get3A_263 = vector.shape_cast %get3A_262 : vector<1x16xf32> to vector<16xf32>
        %mul3A_264 = vector.broadcast %squeeze3A_259 : f32 to vector<16xf32>
        %mul3A_265 = arith.mulf %get3A_263, %mul3A_264 : vector<16xf32>
        %swap3A_266 = arith.index_cast %add3A_257 : i32 to index
        %swap3A_267 = arith.constant 0 : index
        %swap3A_268 = tpu.vector_load %arg14[%swap3A_266, %swap3A_267] {strides = array<i32>} : memref<128x32xf32, #tpu.memory_space<vmem>>, vector<1x16xf32>,
        %swap3A_269 = vector.shape_cast %swap3A_268 : vector<1x16xf32> to vector<16xf32>
        %swap3A_270 = vector.shape_cast %mul3A_265 : vector<16xf32> to vector<1x16xf32>
        tpu.vector_store %arg14[%swap3A_266, %swap3A_267], %swap3A_270 {strides = array<i32>} : memref<128x32xf32, #tpu.memory_space<vmem>>, vector<1x16xf32>,
        %get3A_271 = arith.index_cast %add3A_257 : i32 to index
        %get3A_272 = arith.constant 16 : index
        %get3A_273 = tpu.vector_load %arg14[%get3A_271, %get3A_272] {strides = array<i32>} : memref<128x32xf32, #tpu.memory_space<vmem>>, vector<1x16xf32>,
        %get3A_274 = vector.shape_cast %get3A_273 : vector<1x16xf32> to vector<16xf32>
        %mul3A_275 = vector.broadcast %squeeze3A_259 : f32 to vector<16xf32>
        %mul3A_276 = arith.mulf %get3A_274, %mul3A_275 : vector<16xf32>
        %swap3A_277 = arith.index_cast %add3A_257 : i32 to index
        %swap3A_278 = arith.constant 16 : index
        %swap3A_279 = tpu.vector_load %arg14[%swap3A_277, %swap3A_278] {strides = array<i32>} : memref<128x32xf32, #tpu.memory_space<vmem>>, vector<1x16xf32>,
        %swap3A_280 = vector.shape_cast %swap3A_279 : vector<1x16xf32> to vector<16xf32>
        %swap3A_281 = vector.shape_cast %mul3A_276 : vector<16xf32> to vector<1x16xf32>
        tpu.vector_store %arg14[%swap3A_277, %swap3A_278], %swap3A_281 {strides = array<i32>} : memref<128x32xf32, #tpu.memory_space<vmem>>, vector<1x16xf32>,
        %mul3A_282 = arith.constant 16 : i32
        %mul3A_283 = arith.muli %scan3A_138, %mul3A_282 : i32
        %add3A_284 = arith.constant 5 : i32
        %add3A_285 = arith.addi %mul3A_283, %add3A_284 : i32
        %slice3A_286 = vector.extract_strided_slice %get3A_143 {offsets = [5], sizes = [1], strides = [1]} : vector<16xf32> to vector<1xf32>
        %squeeze3A_287 = vector.extract %slice3A_286[0] : f32 from vector<1xf32>
        %get3A_288 = arith.index_cast %add3A_285 : i32 to index
        %get3A_289 = arith.constant 0 : index
        %get3A_290 = tpu.vector_load %arg14[%get3A_288, %get3A_289] {strides = array<i32>} : memref<128x32xf32, #tpu.memory_space<vmem>>, vector<1x16xf32>,
        %get3A_291 = vector.shape_cast %get3A_290 : vector<1x16xf32> to vector<16xf32>
        %mul3A_292 = vector.broadcast %squeeze3A_287 : f32 to vector<16xf32>
        %mul3A_293 = arith.mulf %get3A_291, %mul3A_292 : vector<16xf32>
        %swap3A_294 = arith.index_cast %add3A_285 : i32 to index
        %swap3A_295 = arith.constant 0 : index
        %swap3A_296 = tpu.vector_load %arg14[%swap3A_294, %swap3A_295] {strides = array<i32>} : memref<128x32xf32, #tpu.memory_space<vmem>>, vector<1x16xf32>,
        %swap3A_297 = vector.shape_cast %swap3A_296 : vector<1x16xf32> to vector<16xf32>
        %swap3A_298 = vector.shape_cast %mul3A_293 : vector<16xf32> to vector<1x16xf32>
        tpu.vector_store %arg14[%swap3A_294, %swap3A_295], %swap3A_298 {strides = array<i32>} : memref<128x32xf32, #tpu.memory_space<vmem>>, vector<1x16xf32>,
        %get3A_299 = arith.index_cast %add3A_285 : i32 to index
        %get3A_300 = arith.constant 16 : index
        %get3A_301 = tpu.vector_load %arg14[%get3A_299, %get3A_300] {strides = array<i32>} : memref<128x32xf32, #tpu.memory_space<vmem>>, vector<1x16xf32>,
        %get3A_302 = vector.shape_cast %get3A_301 : vector<1x16xf32> to vector<16xf32>
        %mul3A_303 = vector.broadcast %squeeze3A_287 : f32 to vector<16xf32>
        %mul3A_304 = arith.mulf %get3A_302, %mul3A_303 : vector<16xf32>
        %swap3A_305 = arith.index_cast %add3A_285 : i32 to index
        %swap3A_306 = arith.constant 16 : index
        %swap3A_307 = tpu.vector_load %arg14[%swap3A_305, %swap3A_306] {strides = array<i32>} : memref<128x32xf32, #tpu.memory_space<vmem>>, vector<1x16xf32>,
        %swap3A_308 = vector.shape_cast %swap3A_307 : vector<1x16xf32> to vector<16xf32>
        %swap3A_309 = vector.shape_cast %mul3A_304 : vector<16xf32> to vector<1x16xf32>
        tpu.vector_store %arg14[%swap3A_305, %swap3A_306], %swap3A_309 {strides = array<i32>} : memref<128x32xf32, #tpu.memory_space<vmem>>, vector<1x16xf32>,
        %mul3A_310 = arith.constant 16 : i32
        %mul3A_311 = arith.muli %scan3A_138, %mul3A_310 : i32
        %add3A_312 = arith.constant 6 : i32
        %add3A_313 = arith.addi %mul3A_311, %add3A_312 : i32
        %slice3A_314 = vector.extract_strided_slice %get3A_143 {offsets = [6], sizes = [1], strides = [1]} : vector<16xf32> to vector<1xf32>
        %squeeze3A_315 = vector.extract %slice3A_314[0] : f32 from vector<1xf32>
        %get3A_316 = arith.index_cast %add3A_313 : i32 to index
        %get3A_317 = arith.constant 0 : index
        %get3A_318 = tpu.vector_load %arg14[%get3A_316, %get3A_317] {strides = array<i32>} : memref<128x32xf32, #tpu.memory_space<vmem>>, vector<1x16xf32>,
        %get3A_319 = vector.shape_cast %get3A_318 : vector<1x16xf32> to vector<16xf32>
        %mul3A_320 = vector.broadcast %squeeze3A_315 : f32 to vector<16xf32>
        %mul3A_321 = arith.mulf %get3A_319, %mul3A_320 : vector<16xf32>
        %swap3A_322 = arith.index_cast %add3A_313 : i32 to index
        %swap3A_323 = arith.constant 0 : index
        %swap3A_324 = tpu.vector_load %arg14[%swap3A_322, %swap3A_323] {strides = array<i32>} : memref<128x32xf32, #tpu.memory_space<vmem>>, vector<1x16xf32>,
        %swap3A_325 = vector.shape_cast %swap3A_324 : vector<1x16xf32> to vector<16xf32>
        %swap3A_326 = vector.shape_cast %mul3A_321 : vector<16xf32> to vector<1x16xf32>
        tpu.vector_store %arg14[%swap3A_322, %swap3A_323], %swap3A_326 {strides = array<i32>} : memref<128x32xf32, #tpu.memory_space<vmem>>, vector<1x16xf32>,
        %get3A_327 = arith.index_cast %add3A_313 : i32 to index
        %get3A_328 = arith.constant 16 : index
        %get3A_329 = tpu.vector_load %arg14[%get3A_327, %get3A_328] {strides = array<i32>} : memref<128x32xf32, #tpu.memory_space<vmem>>, vector<1x16xf32>,
        %get3A_330 = vector.shape_cast %get3A_329 : vector<1x16xf32> to vector<16xf32>
        %mul3A_331 = vector.broadcast %squeeze3A_315 : f32 to vector<16xf32>
        %mul3A_332 = arith.mulf %get3A_330, %mul3A_331 : vector<16xf32>
        %swap3A_333 = arith.index_cast %add3A_313 : i32 to index
        %swap3A_334 = arith.constant 16 : index
        %swap3A_335 = tpu.vector_load %arg14[%swap3A_333, %swap3A_334] {strides = array<i32>} : memref<128x32xf32, #tpu.memory_space<vmem>>, vector<1x16xf32>,
        %swap3A_336 = vector.shape_cast %swap3A_335 : vector<1x16xf32> to vector<16xf32>
        %swap3A_337 = vector.shape_cast %mul3A_332 : vector<16xf32> to vector<1x16xf32>
        tpu.vector_store %arg14[%swap3A_333, %swap3A_334], %swap3A_337 {strides = array<i32>} : memref<128x32xf32, #tpu.memory_space<vmem>>, vector<1x16xf32>,
        %mul3A_338 = arith.constant 16 : i32
        %mul3A_339 = arith.muli %scan3A_138, %mul3A_338 : i32
        %add3A_340 = arith.constant 7 : i32
        %add3A_341 = arith.addi %mul3A_339, %add3A_340 : i32
        %slice3A_342 = vector.extract_strided_slice %get3A_143 {offsets = [7], sizes = [1], strides = [1]} : vector<16xf32> to vector<1xf32>
        %squeeze3A_343 = vector.extract %slice3A_342[0] : f32 from vector<1xf32>
        %get3A_344 = arith.index_cast %add3A_341 : i32 to index
        %get3A_345 = arith.constant 0 : index
        %get3A_346 = tpu.vector_load %arg14[%get3A_344, %get3A_345] {strides = array<i32>} : memref<128x32xf32, #tpu.memory_space<vmem>>, vector<1x16xf32>,
        %get3A_347 = vector.shape_cast %get3A_346 : vector<1x16xf32> to vector<16xf32>
        %mul3A_348 = vector.broadcast %squeeze3A_343 : f32 to vector<16xf32>
        %mul3A_349 = arith.mulf %get3A_347, %mul3A_348 : vector<16xf32>
        %swap3A_350 = arith.index_cast %add3A_341 : i32 to index
        %swap3A_351 = arith.constant 0 : index
        %swap3A_352 = tpu.vector_load %arg14[%swap3A_350, %swap3A_351] {strides = array<i32>} : memref<128x32xf32, #tpu.memory_space<vmem>>, vector<1x16xf32>,
        %swap3A_353 = vector.shape_cast %swap3A_352 : vector<1x16xf32> to vector<16xf32>
        %swap3A_354 = vector.shape_cast %mul3A_349 : vector<16xf32> to vector<1x16xf32>
        tpu.vector_store %arg14[%swap3A_350, %swap3A_351], %swap3A_354 {strides = array<i32>} : memref<128x32xf32, #tpu.memory_space<vmem>>, vector<1x16xf32>,
        %get3A_355 = arith.index_cast %add3A_341 : i32 to index
        %get3A_356 = arith.constant 16 : index
        %get3A_357 = tpu.vector_load %arg14[%get3A_355, %get3A_356] {strides = array<i32>} : memref<128x32xf32, #tpu.memory_space<vmem>>, vector<1x16xf32>,
        %get3A_358 = vector.shape_cast %get3A_357 : vector<1x16xf32> to vector<16xf32>
        %mul3A_359 = vector.broadcast %squeeze3A_343 : f32 to vector<16xf32>
        %mul3A_360 = arith.mulf %get3A_358, %mul3A_359 : vector<16xf32>
        %swap3A_361 = arith.index_cast %add3A_341 : i32 to index
        %swap3A_362 = arith.constant 16 : index
        %swap3A_363 = tpu.vector_load %arg14[%swap3A_361, %swap3A_362] {strides = array<i32>} : memref<128x32xf32, #tpu.memory_space<vmem>>, vector<1x16xf32>,
        %swap3A_364 = vector.shape_cast %swap3A_363 : vector<1x16xf32> to vector<16xf32>
        %swap3A_365 = vector.shape_cast %mul3A_360 : vector<16xf32> to vector<1x16xf32>
        tpu.vector_store %arg14[%swap3A_361, %swap3A_362], %swap3A_365 {strides = array<i32>} : memref<128x32xf32, #tpu.memory_space<vmem>>, vector<1x16xf32>,
        %mul3A_366 = arith.constant 16 : i32
        %mul3A_367 = arith.muli %scan3A_138, %mul3A_366 : i32
        %add3A_368 = arith.constant 8 : i32
        %add3A_369 = arith.addi %mul3A_367, %add3A_368 : i32
        %slice3A_370 = vector.extract_strided_slice %get3A_143 {offsets = [8], sizes = [1], strides = [1]} : vector<16xf32> to vector<1xf32>
        %squeeze3A_371 = vector.extract %slice3A_370[0] : f32 from vector<1xf32>
        %get3A_372 = arith.index_cast %add3A_369 : i32 to index
        %get3A_373 = arith.constant 0 : index
        %get3A_374 = tpu.vector_load %arg14[%get3A_372, %get3A_373] {strides = array<i32>} : memref<128x32xf32, #tpu.memory_space<vmem>>, vector<1x16xf32>,
        %get3A_375 = vector.shape_cast %get3A_374 : vector<1x16xf32> to vector<16xf32>
        %mul3A_376 = vector.broadcast %squeeze3A_371 : f32 to vector<16xf32>
        %mul3A_377 = arith.mulf %get3A_375, %mul3A_376 : vector<16xf32>
        %swap3A_378 = arith.index_cast %add3A_369 : i32 to index
        %swap3A_379 = arith.constant 0 : index
        %swap3A_380 = tpu.vector_load %arg14[%swap3A_378, %swap3A_379] {strides = array<i32>} : memref<128x32xf32, #tpu.memory_space<vmem>>, vector<1x16xf32>,
        %swap3A_381 = vector.shape_cast %swap3A_380 : vector<1x16xf32> to vector<16xf32>
        %swap3A_382 = vector.shape_cast %mul3A_377 : vector<16xf32> to vector<1x16xf32>
        tpu.vector_store %arg14[%swap3A_378, %swap3A_379], %swap3A_382 {strides = array<i32>} : memref<128x32xf32, #tpu.memory_space<vmem>>, vector<1x16xf32>,
        %get3A_383 = arith.index_cast %add3A_369 : i32 to index
        %get3A_384 = arith.constant 16 : index
        %get3A_385 = tpu.vector_load %arg14[%get3A_383, %get3A_384] {strides = array<i32>} : memref<128x32xf32, #tpu.memory_space<vmem>>, vector<1x16xf32>,
        %get3A_386 = vector.shape_cast %get3A_385 : vector<1x16xf32> to vector<16xf32>
        %mul3A_387 = vector.broadcast %squeeze3A_371 : f32 to vector<16xf32>
        %mul3A_388 = arith.mulf %get3A_386, %mul3A_387 : vector<16xf32>
        %swap3A_389 = arith.index_cast %add3A_369 : i32 to index
        %swap3A_390 = arith.constant 16 : index
        %swap3A_391 = tpu.vector_load %arg14[%swap3A_389, %swap3A_390] {strides = array<i32>} : memref<128x32xf32, #tpu.memory_space<vmem>>, vector<1x16xf32>,
        %swap3A_392 = vector.shape_cast %swap3A_391 : vector<1x16xf32> to vector<16xf32>
        %swap3A_393 = vector.shape_cast %mul3A_388 : vector<16xf32> to vector<1x16xf32>
        tpu.vector_store %arg14[%swap3A_389, %swap3A_390], %swap3A_393 {strides = array<i32>} : memref<128x32xf32, #tpu.memory_space<vmem>>, vector<1x16xf32>,
        %mul3A_394 = arith.constant 16 : i32
        %mul3A_395 = arith.muli %scan3A_138, %mul3A_394 : i32
        %add3A_396 = arith.constant 9 : i32
        %add3A_397 = arith.addi %mul3A_395, %add3A_396 : i32
        %slice3A_398 = vector.extract_strided_slice %get3A_143 {offsets = [9], sizes = [1], strides = [1]} : vector<16xf32> to vector<1xf32>
        %squeeze3A_399 = vector.extract %slice3A_398[0] : f32 from vector<1xf32>
        %get3A_400 = arith.index_cast %add3A_397 : i32 to index
        %get3A_401 = arith.constant 0 : index
        %get3A_402 = tpu.vector_load %arg14[%get3A_400, %get3A_401] {strides = array<i32>} : memref<128x32xf32, #tpu.memory_space<vmem>>, vector<1x16xf32>,
        %get3A_403 = vector.shape_cast %get3A_402 : vector<1x16xf32> to vector<16xf32>
        %mul3A_404 = vector.broadcast %squeeze3A_399 : f32 to vector<16xf32>
        %mul3A_405 = arith.mulf %get3A_403, %mul3A_404 : vector<16xf32>
        %swap3A_406 = arith.index_cast %add3A_397 : i32 to index
        %swap3A_407 = arith.constant 0 : index
        %swap3A_408 = tpu.vector_load %arg14[%swap3A_406, %swap3A_407] {strides = array<i32>} : memref<128x32xf32, #tpu.memory_space<vmem>>, vector<1x16xf32>,
        %swap3A_409 = vector.shape_cast %swap3A_408 : vector<1x16xf32> to vector<16xf32>
        %swap3A_410 = vector.shape_cast %mul3A_405 : vector<16xf32> to vector<1x16xf32>
        tpu.vector_store %arg14[%swap3A_406, %swap3A_407], %swap3A_410 {strides = array<i32>} : memref<128x32xf32, #tpu.memory_space<vmem>>, vector<1x16xf32>,
        %get3A_411 = arith.index_cast %add3A_397 : i32 to index
        %get3A_412 = arith.constant 16 : index
        %get3A_413 = tpu.vector_load %arg14[%get3A_411, %get3A_412] {strides = array<i32>} : memref<128x32xf32, #tpu.memory_space<vmem>>, vector<1x16xf32>,
        %get3A_414 = vector.shape_cast %get3A_413 : vector<1x16xf32> to vector<16xf32>
        %mul3A_415 = vector.broadcast %squeeze3A_399 : f32 to vector<16xf32>
        %mul3A_416 = arith.mulf %get3A_414, %mul3A_415 : vector<16xf32>
        %swap3A_417 = arith.index_cast %add3A_397 : i32 to index
        %swap3A_418 = arith.constant 16 : index
        %swap3A_419 = tpu.vector_load %arg14[%swap3A_417, %swap3A_418] {strides = array<i32>} : memref<128x32xf32, #tpu.memory_space<vmem>>, vector<1x16xf32>,
        %swap3A_420 = vector.shape_cast %swap3A_419 : vector<1x16xf32> to vector<16xf32>
        %swap3A_421 = vector.shape_cast %mul3A_416 : vector<16xf32> to vector<1x16xf32>
        tpu.vector_store %arg14[%swap3A_417, %swap3A_418], %swap3A_421 {strides = array<i32>} : memref<128x32xf32, #tpu.memory_space<vmem>>, vector<1x16xf32>,
        %mul3A_422 = arith.constant 16 : i32
        %mul3A_423 = arith.muli %scan3A_138, %mul3A_422 : i32
        %add3A_424 = arith.constant 10 : i32
        %add3A_425 = arith.addi %mul3A_423, %add3A_424 : i32
        %slice3A_426 = vector.extract_strided_slice %get3A_143 {offsets = [10], sizes = [1], strides = [1]} : vector<16xf32> to vector<1xf32>
        %squeeze3A_427 = vector.extract %slice3A_426[0] : f32 from vector<1xf32>
        %get3A_428 = arith.index_cast %add3A_425 : i32 to index
        %get3A_429 = arith.constant 0 : index
        %get3A_430 = tpu.vector_load %arg14[%get3A_428, %get3A_429] {strides = array<i32>} : memref<128x32xf32, #tpu.memory_space<vmem>>, vector<1x16xf32>,
        %get3A_431 = vector.shape_cast %get3A_430 : vector<1x16xf32> to vector<16xf32>
        %mul3A_432 = vector.broadcast %squeeze3A_427 : f32 to vector<16xf32>
        %mul3A_433 = arith.mulf %get3A_431, %mul3A_432 : vector<16xf32>
        %swap3A_434 = arith.index_cast %add3A_425 : i32 to index
        %swap3A_435 = arith.constant 0 : index
        %swap3A_436 = tpu.vector_load %arg14[%swap3A_434, %swap3A_435] {strides = array<i32>} : memref<128x32xf32, #tpu.memory_space<vmem>>, vector<1x16xf32>,
        %swap3A_437 = vector.shape_cast %swap3A_436 : vector<1x16xf32> to vector<16xf32>
        %swap3A_438 = vector.shape_cast %mul3A_433 : vector<16xf32> to vector<1x16xf32>
        tpu.vector_store %arg14[%swap3A_434, %swap3A_435], %swap3A_438 {strides = array<i32>} : memref<128x32xf32, #tpu.memory_space<vmem>>, vector<1x16xf32>,
        %get3A_439 = arith.index_cast %add3A_425 : i32 to index
        %get3A_440 = arith.constant 16 : index
        %get3A_441 = tpu.vector_load %arg14[%get3A_439, %get3A_440] {strides = array<i32>} : memref<128x32xf32, #tpu.memory_space<vmem>>, vector<1x16xf32>,
        %get3A_442 = vector.shape_cast %get3A_441 : vector<1x16xf32> to vector<16xf32>
        %mul3A_443 = vector.broadcast %squeeze3A_427 : f32 to vector<16xf32>
        %mul3A_444 = arith.mulf %get3A_442, %mul3A_443 : vector<16xf32>
        %swap3A_445 = arith.index_cast %add3A_425 : i32 to index
        %swap3A_446 = arith.constant 16 : index
        %swap3A_447 = tpu.vector_load %arg14[%swap3A_445, %swap3A_446] {strides = array<i32>} : memref<128x32xf32, #tpu.memory_space<vmem>>, vector<1x16xf32>,
        %swap3A_448 = vector.shape_cast %swap3A_447 : vector<1x16xf32> to vector<16xf32>
        %swap3A_449 = vector.shape_cast %mul3A_444 : vector<16xf32> to vector<1x16xf32>
        tpu.vector_store %arg14[%swap3A_445, %swap3A_446], %swap3A_449 {strides = array<i32>} : memref<128x32xf32, #tpu.memory_space<vmem>>, vector<1x16xf32>,
        %mul3A_450 = arith.constant 16 : i32
        %mul3A_451 = arith.muli %scan3A_138, %mul3A_450 : i32
        %add3A_452 = arith.constant 11 : i32
        %add3A_453 = arith.addi %mul3A_451, %add3A_452 : i32
        %slice3A_454 = vector.extract_strided_slice %get3A_143 {offsets = [11], sizes = [1], strides = [1]} : vector<16xf32> to vector<1xf32>
        %squeeze3A_455 = vector.extract %slice3A_454[0] : f32 from vector<1xf32>
        %get3A_456 = arith.index_cast %add3A_453 : i32 to index
        %get3A_457 = arith.constant 0 : index
        %get3A_458 = tpu.vector_load %arg14[%get3A_456, %get3A_457] {strides = array<i32>} : memref<128x32xf32, #tpu.memory_space<vmem>>, vector<1x16xf32>,
        %get3A_459 = vector.shape_cast %get3A_458 : vector<1x16xf32> to vector<16xf32>
        %mul3A_460 = vector.broadcast %squeeze3A_455 : f32 to vector<16xf32>
        %mul3A_461 = arith.mulf %get3A_459, %mul3A_460 : vector<16xf32>
        %swap3A_462 = arith.index_cast %add3A_453 : i32 to index
        %swap3A_463 = arith.constant 0 : index
        %swap3A_464 = tpu.vector_load %arg14[%swap3A_462, %swap3A_463] {strides = array<i32>} : memref<128x32xf32, #tpu.memory_space<vmem>>, vector<1x16xf32>,
        %swap3A_465 = vector.shape_cast %swap3A_464 : vector<1x16xf32> to vector<16xf32>
        %swap3A_466 = vector.shape_cast %mul3A_461 : vector<16xf32> to vector<1x16xf32>
        tpu.vector_store %arg14[%swap3A_462, %swap3A_463], %swap3A_466 {strides = array<i32>} : memref<128x32xf32, #tpu.memory_space<vmem>>, vector<1x16xf32>,
        %get3A_467 = arith.index_cast %add3A_453 : i32 to index
        %get3A_468 = arith.constant 16 : index
        %get3A_469 = tpu.vector_load %arg14[%get3A_467, %get3A_468] {strides = array<i32>} : memref<128x32xf32, #tpu.memory_space<vmem>>, vector<1x16xf32>,
        %get3A_470 = vector.shape_cast %get3A_469 : vector<1x16xf32> to vector<16xf32>
        %mul3A_471 = vector.broadcast %squeeze3A_455 : f32 to vector<16xf32>
        %mul3A_472 = arith.mulf %get3A_470, %mul3A_471 : vector<16xf32>
        %swap3A_473 = arith.index_cast %add3A_453 : i32 to index
        %swap3A_474 = arith.constant 16 : index
        %swap3A_475 = tpu.vector_load %arg14[%swap3A_473, %swap3A_474] {strides = array<i32>} : memref<128x32xf32, #tpu.memory_space<vmem>>, vector<1x16xf32>,
        %swap3A_476 = vector.shape_cast %swap3A_475 : vector<1x16xf32> to vector<16xf32>
        %swap3A_477 = vector.shape_cast %mul3A_472 : vector<16xf32> to vector<1x16xf32>
        tpu.vector_store %arg14[%swap3A_473, %swap3A_474], %swap3A_477 {strides = array<i32>} : memref<128x32xf32, #tpu.memory_space<vmem>>, vector<1x16xf32>,
        %mul3A_478 = arith.constant 16 : i32
        %mul3A_479 = arith.muli %scan3A_138, %mul3A_478 : i32
        %add3A_480 = arith.constant 12 : i32
        %add3A_481 = arith.addi %mul3A_479, %add3A_480 : i32
        %slice3A_482 = vector.extract_strided_slice %get3A_143 {offsets = [12], sizes = [1], strides = [1]} : vector<16xf32> to vector<1xf32>
        %squeeze3A_483 = vector.extract %slice3A_482[0] : f32 from vector<1xf32>
        %get3A_484 = arith.index_cast %add3A_481 : i32 to index
        %get3A_485 = arith.constant 0 : index
        %get3A_486 = tpu.vector_load %arg14[%get3A_484, %get3A_485] {strides = array<i32>} : memref<128x32xf32, #tpu.memory_space<vmem>>, vector<1x16xf32>,
        %get3A_487 = vector.shape_cast %get3A_486 : vector<1x16xf32> to vector<16xf32>
        %mul3A_488 = vector.broadcast %squeeze3A_483 : f32 to vector<16xf32>
        %mul3A_489 = arith.mulf %get3A_487, %mul3A_488 : vector<16xf32>
        %swap3A_490 = arith.index_cast %add3A_481 : i32 to index
        %swap3A_491 = arith.constant 0 : index
        %swap3A_492 = tpu.vector_load %arg14[%swap3A_490, %swap3A_491] {strides = array<i32>} : memref<128x32xf32, #tpu.memory_space<vmem>>, vector<1x16xf32>,
        %swap3A_493 = vector.shape_cast %swap3A_492 : vector<1x16xf32> to vector<16xf32>
        %swap3A_494 = vector.shape_cast %mul3A_489 : vector<16xf32> to vector<1x16xf32>
        tpu.vector_store %arg14[%swap3A_490, %swap3A_491], %swap3A_494 {strides = array<i32>} : memref<128x32xf32, #tpu.memory_space<vmem>>, vector<1x16xf32>,
        %get3A_495 = arith.index_cast %add3A_481 : i32 to index
        %get3A_496 = arith.constant 16 : index
        %get3A_497 = tpu.vector_load %arg14[%get3A_495, %get3A_496] {strides = array<i32>} : memref<128x32xf32, #tpu.memory_space<vmem>>, vector<1x16xf32>,
        %get3A_498 = vector.shape_cast %get3A_497 : vector<1x16xf32> to vector<16xf32>
        %mul3A_499 = vector.broadcast %squeeze3A_483 : f32 to vector<16xf32>
        %mul3A_500 = arith.mulf %get3A_498, %mul3A_499 : vector<16xf32>
        %swap3A_501 = arith.index_cast %add3A_481 : i32 to index
        %swap3A_502 = arith.constant 16 : index
        %swap3A_503 = tpu.vector_load %arg14[%swap3A_501, %swap3A_502] {strides = array<i32>} : memref<128x32xf32, #tpu.memory_space<vmem>>, vector<1x16xf32>,
        %swap3A_504 = vector.shape_cast %swap3A_503 : vector<1x16xf32> to vector<16xf32>
        %swap3A_505 = vector.shape_cast %mul3A_500 : vector<16xf32> to vector<1x16xf32>
        tpu.vector_store %arg14[%swap3A_501, %swap3A_502], %swap3A_505 {strides = array<i32>} : memref<128x32xf32, #tpu.memory_space<vmem>>, vector<1x16xf32>,
        %mul3A_506 = arith.constant 16 : i32
        %mul3A_507 = arith.muli %scan3A_138, %mul3A_506 : i32
        %add3A_508 = arith.constant 13 : i32
        %add3A_509 = arith.addi %mul3A_507, %add3A_508 : i32
        %slice3A_510 = vector.extract_strided_slice %get3A_143 {offsets = [13], sizes = [1], strides = [1]} : vector<16xf32> to vector<1xf32>
        %squeeze3A_511 = vector.extract %slice3A_510[0] : f32 from vector<1xf32>
        %get3A_512 = arith.index_cast %add3A_509 : i32 to index
        %get3A_513 = arith.constant 0 : index
        %get3A_514 = tpu.vector_load %arg14[%get3A_512, %get3A_513] {strides = array<i32>} : memref<128x32xf32, #tpu.memory_space<vmem>>, vector<1x16xf32>,
        %get3A_515 = vector.shape_cast %get3A_514 : vector<1x16xf32> to vector<16xf32>
        %mul3A_516 = vector.broadcast %squeeze3A_511 : f32 to vector<16xf32>
        %mul3A_517 = arith.mulf %get3A_515, %mul3A_516 : vector<16xf32>
        %swap3A_518 = arith.index_cast %add3A_509 : i32 to index
        %swap3A_519 = arith.constant 0 : index
        %swap3A_520 = tpu.vector_load %arg14[%swap3A_518, %swap3A_519] {strides = array<i32>} : memref<128x32xf32, #tpu.memory_space<vmem>>, vector<1x16xf32>,
        %swap3A_521 = vector.shape_cast %swap3A_520 : vector<1x16xf32> to vector<16xf32>
        %swap3A_522 = vector.shape_cast %mul3A_517 : vector<16xf32> to vector<1x16xf32>
        tpu.vector_store %arg14[%swap3A_518, %swap3A_519], %swap3A_522 {strides = array<i32>} : memref<128x32xf32, #tpu.memory_space<vmem>>, vector<1x16xf32>,
        %get3A_523 = arith.index_cast %add3A_509 : i32 to index
        %get3A_524 = arith.constant 16 : index
        %get3A_525 = tpu.vector_load %arg14[%get3A_523, %get3A_524] {strides = array<i32>} : memref<128x32xf32, #tpu.memory_space<vmem>>, vector<1x16xf32>,
        %get3A_526 = vector.shape_cast %get3A_525 : vector<1x16xf32> to vector<16xf32>
        %mul3A_527 = vector.broadcast %squeeze3A_511 : f32 to vector<16xf32>
        %mul3A_528 = arith.mulf %get3A_526, %mul3A_527 : vector<16xf32>
        %swap3A_529 = arith.index_cast %add3A_509 : i32 to index
        %swap3A_530 = arith.constant 16 : index
        %swap3A_531 = tpu.vector_load %arg14[%swap3A_529, %swap3A_530] {strides = array<i32>} : memref<128x32xf32, #tpu.memory_space<vmem>>, vector<1x16xf32>,
        %swap3A_532 = vector.shape_cast %swap3A_531 : vector<1x16xf32> to vector<16xf32>
        %swap3A_533 = vector.shape_cast %mul3A_528 : vector<16xf32> to vector<1x16xf32>
        tpu.vector_store %arg14[%swap3A_529, %swap3A_530], %swap3A_533 {strides = array<i32>} : memref<128x32xf32, #tpu.memory_space<vmem>>, vector<1x16xf32>,
        %mul3A_534 = arith.constant 16 : i32
        %mul3A_535 = arith.muli %scan3A_138, %mul3A_534 : i32
        %add3A_536 = arith.constant 14 : i32
        %add3A_537 = arith.addi %mul3A_535, %add3A_536 : i32
        %slice3A_538 = vector.extract_strided_slice %get3A_143 {offsets = [14], sizes = [1], strides = [1]} : vector<16xf32> to vector<1xf32>
        %squeeze3A_539 = vector.extract %slice3A_538[0] : f32 from vector<1xf32>
        %get3A_540 = arith.index_cast %add3A_537 : i32 to index
        %get3A_541 = arith.constant 0 : index
        %get3A_542 = tpu.vector_load %arg14[%get3A_540, %get3A_541] {strides = array<i32>} : memref<128x32xf32, #tpu.memory_space<vmem>>, vector<1x16xf32>,
        %get3A_543 = vector.shape_cast %get3A_542 : vector<1x16xf32> to vector<16xf32>
        %mul3A_544 = vector.broadcast %squeeze3A_539 : f32 to vector<16xf32>
        %mul3A_545 = arith.mulf %get3A_543, %mul3A_544 : vector<16xf32>
        %swap3A_546 = arith.index_cast %add3A_537 : i32 to index
        %swap3A_547 = arith.constant 0 : index
        %swap3A_548 = tpu.vector_load %arg14[%swap3A_546, %swap3A_547] {strides = array<i32>} : memref<128x32xf32, #tpu.memory_space<vmem>>, vector<1x16xf32>,
        %swap3A_549 = vector.shape_cast %swap3A_548 : vector<1x16xf32> to vector<16xf32>
        %swap3A_550 = vector.shape_cast %mul3A_545 : vector<16xf32> to vector<1x16xf32>
        tpu.vector_store %arg14[%swap3A_546, %swap3A_547], %swap3A_550 {strides = array<i32>} : memref<128x32xf32, #tpu.memory_space<vmem>>, vector<1x16xf32>,
        %get3A_551 = arith.index_cast %add3A_537 : i32 to index
        %get3A_552 = arith.constant 16 : index
        %get3A_553 = tpu.vector_load %arg14[%get3A_551, %get3A_552] {strides = array<i32>} : memref<128x32xf32, #tpu.memory_space<vmem>>, vector<1x16xf32>,
        %get3A_554 = vector.shape_cast %get3A_553 : vector<1x16xf32> to vector<16xf32>
        %mul3A_555 = vector.broadcast %squeeze3A_539 : f32 to vector<16xf32>
        %mul3A_556 = arith.mulf %get3A_554, %mul3A_555 : vector<16xf32>
        %swap3A_557 = arith.index_cast %add3A_537 : i32 to index
        %swap3A_558 = arith.constant 16 : index
        %swap3A_559 = tpu.vector_load %arg14[%swap3A_557, %swap3A_558] {strides = array<i32>} : memref<128x32xf32, #tpu.memory_space<vmem>>, vector<1x16xf32>,
        %swap3A_560 = vector.shape_cast %swap3A_559 : vector<1x16xf32> to vector<16xf32>
        %swap3A_561 = vector.shape_cast %mul3A_556 : vector<16xf32> to vector<1x16xf32>
        tpu.vector_store %arg14[%swap3A_557, %swap3A_558], %swap3A_561 {strides = array<i32>} : memref<128x32xf32, #tpu.memory_space<vmem>>, vector<1x16xf32>,
        %mul3A_562 = arith.constant 16 : i32
        %mul3A_563 = arith.muli %scan3A_138, %mul3A_562 : i32
        %add3A_564 = arith.constant 15 : i32
        %add3A_565 = arith.addi %mul3A_563, %add3A_564 : i32
        %slice3A_566 = vector.extract_strided_slice %get3A_143 {offsets = [15], sizes = [1], strides = [1]} : vector<16xf32> to vector<1xf32>
        %squeeze3A_567 = vector.extract %slice3A_566[0] : f32 from vector<1xf32>
        %get3A_568 = arith.index_cast %add3A_565 : i32 to index
        %get3A_569 = arith.constant 0 : index
        %get3A_570 = tpu.vector_load %arg14[%get3A_568, %get3A_569] {strides = array<i32>} : memref<128x32xf32, #tpu.memory_space<vmem>>, vector<1x16xf32>,
        %get3A_571 = vector.shape_cast %get3A_570 : vector<1x16xf32> to vector<16xf32>
        %mul3A_572 = vector.broadcast %squeeze3A_567 : f32 to vector<16xf32>
        %mul3A_573 = arith.mulf %get3A_571, %mul3A_572 : vector<16xf32>
        %swap3A_574 = arith.index_cast %add3A_565 : i32 to index
        %swap3A_575 = arith.constant 0 : index
        %swap3A_576 = tpu.vector_load %arg14[%swap3A_574, %swap3A_575] {strides = array<i32>} : memref<128x32xf32, #tpu.memory_space<vmem>>, vector<1x16xf32>,
        %swap3A_577 = vector.shape_cast %swap3A_576 : vector<1x16xf32> to vector<16xf32>
        %swap3A_578 = vector.shape_cast %mul3A_573 : vector<16xf32> to vector<1x16xf32>
        tpu.vector_store %arg14[%swap3A_574, %swap3A_575], %swap3A_578 {strides = array<i32>} : memref<128x32xf32, #tpu.memory_space<vmem>>, vector<1x16xf32>,
        %get3A_579 = arith.index_cast %add3A_565 : i32 to index
        %get3A_580 = arith.constant 16 : index
        %get3A_581 = tpu.vector_load %arg14[%get3A_579, %get3A_580] {strides = array<i32>} : memref<128x32xf32, #tpu.memory_space<vmem>>, vector<1x16xf32>,
        %get3A_582 = vector.shape_cast %get3A_581 : vector<1x16xf32> to vector<16xf32>
        %mul3A_583 = vector.broadcast %squeeze3A_567 : f32 to vector<16xf32>
        %mul3A_584 = arith.mulf %get3A_582, %mul3A_583 : vector<16xf32>
        %swap3A_585 = arith.index_cast %add3A_565 : i32 to index
        %swap3A_586 = arith.constant 16 : index
        %swap3A_587 = tpu.vector_load %arg14[%swap3A_585, %swap3A_586] {strides = array<i32>} : memref<128x32xf32, #tpu.memory_space<vmem>>, vector<1x16xf32>,
        %swap3A_588 = vector.shape_cast %swap3A_587 : vector<1x16xf32> to vector<16xf32>
        %swap3A_589 = vector.shape_cast %mul3A_584 : vector<16xf32> to vector<1x16xf32>
        tpu.vector_store %arg14[%swap3A_585, %swap3A_586], %swap3A_589 {strides = array<i32>} : memref<128x32xf32, #tpu.memory_space<vmem>>, vector<1x16xf32>,
      }
      %scan3A_137 = arith.constant 8 : i32
      "tpu.region"() ({
        %run_scoped3A = tpu.sem_alloc : memref<!tpu.dma_semaphore, #tpu.memory_space<semaphore_mem>>
        %dma_start3A_138 = arith.constant 0 : i32
        %dma_start3A_139 = arith.constant 0 : i32
        %dma_start3A_140 = tpu.memref_slice %arg10[%dma_start3A_138, %dma_start3A_139] : memref<50048x32xf32, #tpu.memory_space<vmem_shared>> -> memref<50048x32xf32, #tpu.memory_space<vmem_shared>>
        tpu.enqueue_indirect_dma source(%arg14 : memref<128x32xf32, #tpu.memory_space<vmem>>) target(%dma_start3A_140 : memref<50048x32xf32, #tpu.memory_space<vmem_shared>>) offsets(%arg12 : memref<128xi32, #tpu.memory_space<vmem>>) semaphore(%run_scoped3A : memref<!tpu.dma_semaphore, #tpu.memory_space<semaphore_mem>>) {add = true}
        %dma_wait3A_141 = arith.constant 0 : i32
        %dma_wait3A_142 = arith.constant 0 : i32
        %dma_wait3A_143 = tpu.memref_slice %arg10[%dma_wait3A_141, %dma_wait3A_142] : memref<50048x32xf32, #tpu.memory_space<vmem_shared>> -> memref<50048x32xf32, #tpu.memory_space<vmem_shared>>
        tpu.wait_indirect_dma semaphore(%run_scoped3A : memref<!tpu.dma_semaphore, #tpu.memory_space<semaphore_mem>>) src(%arg14 : memref<128x32xf32, #tpu.memory_space<vmem>>) dst(%dma_wait3A_143 : memref<50048x32xf32, #tpu.memory_space<vmem_shared>>)
        tpu.yield
      }) : () -> ()
    }
    %scan3A_46 = arith.constant 391 : i32
    %barrier3A_47 = arith.constant 0 : index
    tpu.barrier barrier_id(%barrier3A_47)
    %mul3A_48 = arith.constant 3128 : i32
    %mul3A_49 = arith.muli %arg1, %mul3A_48 : i32
    %mul3A_50 = arith.constant 3128 : i32
    %mul3A_51 = arith.muli %arg1, %mul3A_50 : i32
    %add3A_52 = arith.addi %mul3A_0, %mul3A_51 : i32
    "tpu.region"() ({
      %run_scoped3A = tpu.sem_alloc : memref<!tpu.dma_semaphore, #tpu.memory_space<semaphore_mem>>
      %dma_start3A = arith.constant 0 : i32
      %dma_start3A_54 = tpu.memref_slice %arg9[%add3A_52, %dma_start3A] : memref<100096x32xf32, #tpu.memory_space<hbm>> -> memref<3128x32xf32, #tpu.memory_space<hbm>>
      %dma_start3A_55 = arith.constant 0 : i32
      %dma_start3A_56 = tpu.memref_slice %arg10[%mul3A_49, %dma_start3A_55] : memref<50048x32xf32, #tpu.memory_space<vmem_shared>> -> memref<3128x32xf32, #tpu.memory_space<vmem_shared>>
      tpu.enqueue_dma source(%dma_start3A_56 : memref<3128x32xf32, #tpu.memory_space<vmem_shared>>) target(%dma_start3A_54 : memref<3128x32xf32, #tpu.memory_space<hbm>>) target_semaphore(%run_scoped3A : memref<!tpu.dma_semaphore, #tpu.memory_space<semaphore_mem>>)
      %dma_wait3A = arith.constant 0 : i32
      %dma_wait3A_57 = tpu.memref_slice %arg9[%add3A_52, %dma_wait3A] : memref<100096x32xf32, #tpu.memory_space<hbm>> -> memref<3128x32xf32, #tpu.memory_space<hbm>>
      %dma_wait3A_58 = arith.constant 0 : i32
      %dma_wait3A_59 = tpu.memref_slice %arg10[%mul3A_49, %dma_wait3A_58] : memref<50048x32xf32, #tpu.memory_space<vmem_shared>> -> memref<3128x32xf32, #tpu.memory_space<vmem_shared>>
      tpu.wait_dma2 semaphore(%run_scoped3A : memref<!tpu.dma_semaphore, #tpu.memory_space<semaphore_mem>>) src(%dma_wait3A_59 : memref<3128x32xf32, #tpu.memory_space<vmem_shared>>) dst(%dma_wait3A_57 : memref<3128x32xf32, #tpu.memory_space<hbm>>)
      tpu.yield
    }) : () -> ()
    %barrier3A_53 = arith.constant 0 : index
    tpu.barrier barrier_id(%barrier3A_53)
    return
  }
}

</mosaic_0001>

<sc_bundles>
// kernel: kernel.3.cloned.1.call-start
scs
__scs_entry_jumppad:
0x0: {  	(pc) =	sbr.rel $0x88, $3  }
0x1: {  	(tag) =	ssettag $0x0;
	lr =	simm.s32 $0x1  }
0x2: {  	[smem:$0x3F9D] =	sst lr;
	_ =	strace $0xD0000000  }
0x3: {  	_ = 	snop  }
0x4: {  	_ = 	snop  }
0x5: {  	_ = 	snop  }
0x6: {  	_ = 	snop  }
0x7: {  	_ = 	snop  }
__scs_overlays_trampoline_lowered:
0x8: {  	[smem:$0x3FAC] =	sst s0  }
0x9: {  	[smem:$0x3FAD] =	sst s1  }
0xa: {  	[smem:$0x3FAE] =	sst s2  }
0xb: {  	[smem:$0x3FAF] =	sst s3  }
0xc: {  	[smem:$0x3FB0] =	sst s4  }
0xd: {  	[smem:$0x3FB1] =	sst s5  }
0xe: {  	[smem:$0x3FB2] =	sst s6  }
0xf: {  	[smem:$0x3FB3] =	sst s7  }
0x10: {  	[smem:$0x3FB4] =	sst s8  }
0x11: {  	[smem:$0x3FB5] =	sst s9;
	s0 =	simm.s32 @!p0 $0x0  }
0x12: {  	s1 =	sld [smem:$0x3F9B];
	s0 =	simm.s32 @p0 $0x1  }
0x13: {  	[smem:$0x3FB6] =	sst s0;
	s0 =	simm.s32 @!p1 $0x0  }
0x14: {  	s2 =	sld [smem:$0x3F9A];
	s0 =	simm.s32 @p1 $0x1  }
0x15: {  	[smem:$0x3FB7] =	sst s0;
	s0 =	simm.s32 @!p2 $0x0  }
0x16: {  	s3 =	sld [smem:$0x3FDB];
	s0 =	simm.s32 @p2 $0x1  }
0x17: {  	s4 =	simm.s32 $0x1BF5;
	[smem:$0x3FB9] =	sst s0  }
0x18: {  	s0 =	sld [smem:$0x3F9C];
	_ =	swait.ge [sflag:s4], $0x0  }
0x19: {  	s7 =	sld [smem:$0x3F9D]  }
0x1a: {  	s8 =	sadd.s32 $0xFFFFE003, lr  }
0x1b: {  	s9 =	sadd.s32 $0xFFFFFEF7, lr;
	s5 =	simm.s32 $0xFFFFFFFF;
	p2 =	slt.u32 s8, $0xFFFFF086  }
0x1c: {  	p1 =	slt.u32 s9, $0xF7A;
	s5 =	simm.s32 @!p2 $0x0  }
0x1d: {  	s5 =	simm.s32 @p1 $0x1;
	p0 =	seq.s32 s7, s2  }
0x1e: {  	s7 =	smul.u32 @!p0 $0xF7A, s2;
	p2 =	seq.s32 @!p0 s5, $0x0  }
0x1f: {  	s9 =	smul.u32 $0xF7A, s1;
	s8 =	simm.s32 @!p0 $0x1BF5;
	p2 =	por !p2, p0  }
0x20: {  	[sflag:s8] =	ssyncset.s32 @!p0 $0xFFFFF086;
	s6 =	sadd.s32 @!p0 s3, s7;
	s7 =	simm.s32 @!p0 $0x108  }
0x21: {  	s3 =	sadd.s32 s3, s9;
	s6 =	sadd.s32 @!p0 $0x88, s6;
	s7 =	simm.s32 @p2 $0x1082  }
0x22: {  	[simem:s7], [sflag:s8] =	dma.local @!p0 [hbm:s6], $0xF7A  }
0x23: {  	s9 =	sor.u32 $0xD0000000, s2;
	s6 =	simm.s32 $0x108;
	_ =	swait.ge @!p0 [sflag:s8], $0x0  }
0x24: {  	s3 =	sadd.s32 $0x88, s3;
	s6 =	simm.s32 @!p1 $0x1082;
	[sflag:s4] =	ssyncset.s32 $0xFFFFF086  }
0x25: {  	[simem:s6], [sflag:s4] =	dma.local [hbm:s3], $0xF7A  }
0x26: {  	[smem:$0x3F9D] =	sst s1;
	(tag) =	ssettag s2;
	_ =	strace s9  }
0x27: {  	s1 =	sld [smem:$0x3FAD]  }
0x28: {  	s2 =	sld [smem:$0x3FAE]  }
0x29: {  	s4 =	sld [smem:$0x3FB0]  }
0x2a: {  	p0 =	seq.s32 s5, $0x0;
	s5 =	sld [smem:$0x3FB1]  }
0x2b: {  	s6 =	sld [smem:$0x3FB2]  }
0x2c: {  	s7 =	sld [smem:$0x3FB3]  }
0x2d: {  	s3 =	simm.s32 $0x108;
	s8 =	sld [smem:$0x3FB4]  }
0x2e: {  	s3 =	simm.s32 @!p0 $0x1082;
	s9 =	sld [smem:$0x3FB5]  }
0x2f: {  	lr =	sadd.s32 s0, s3;
	s0 =	sld [smem:$0x3FAC]  }
0x30: {  	s3 =	sld [smem:$0x3FAF]  }
0x31: {  	[smem:$0x3FB8] =	sst s10  }
0x32: {  	s10 =	sld [smem:$0x3FB6];
	_ =	sdelay $0x3  }
0x33: {  	p0 =	seq.s32 s10, $0x1;
	s10 =	sld [smem:$0x3FB8];
	_ =	sdelay $0x3  }
0x34: {  	[smem:$0x3FB8] =	sst s10  }
0x35: {  	s10 =	sld [smem:$0x3FB7];
	_ =	sdelay $0x3  }
0x36: {  	p1 =	seq.s32 s10, $0x1;
	s10 =	sld [smem:$0x3FB8];
	_ =	sdelay $0x3  }
0x37: {  	[smem:$0x3FB8] =	sst s10  }
0x38: {  	s10 =	sld [smem:$0x3FB9]  }
0x39: {  	_ = 	snop;
	(pc) =	sbr.ind lr, $3  }
0x3a: {  	_ = 	snop  }
0x3b: {  	_ = 	snop  }
0x3c: {  	p2 =	seq.s32 s10, $0x1;
	s10 =	sld [smem:$0x3FB8]  }
0x3d: {  	_ =	shalt  }
0x3e: {  	_ =	shalt  }
0x3f: {  	_ =	shalt  }
0x40: {  	_ =	shalt  }
0x41: {  	_ =	shalt  }
0x42: {  	_ =	shalt  }
0x43: {  	_ =	shalt  }
0x44: {  	_ =	shalt  }
0x45: {  	_ =	shalt  }
0x46: {  	_ =	shalt  }
0x47: {  	_ =	shalt  }
0x48: {  	_ =	shalt  }
0x49: {  	_ =	shalt  }
0x4a: {  	_ =	shalt  }
0x4b: {  	_ =	shalt  }
0x4c: {  	_ =	shalt  }
0x4d: {  	_ =	shalt  }
0x4e: {  	_ =	shalt  }
0x4f: {  	_ =	shalt  }
0x50: {  	_ =	shalt  }
0x51: {  	_ =	shalt  }
0x52: {  	_ =	shalt  }
0x53: {  	_ =	shalt  }
0x54: {  	_ =	shalt  }
0x55: {  	_ =	shalt  }
0x56: {  	_ =	shalt  }
0x57: {  	_ =	shalt  }
0x58: {  	_ =	shalt  }
0x59: {  	_ =	shalt  }
0x5a: {  	_ =	shalt  }
0x5b: {  	_ =	shalt  }
0x5c: {  	_ =	shalt  }
0x5d: {  	_ =	shalt  }
0x5e: {  	_ =	shalt  }
0x5f: {  	_ =	shalt  }
0x60: {  	_ =	shalt  }
0x61: {  	_ =	shalt  }
0x62: {  	_ =	shalt  }
0x63: {  	_ =	shalt  }
0x64: {  	_ =	shalt  }
0x65: {  	_ =	shalt  }
0x66: {  	_ =	shalt  }
0x67: {  	_ =	shalt  }
0x68: {  	_ =	shalt  }
0x69: {  	_ =	shalt  }
0x6a: {  	_ =	shalt  }
0x6b: {  	_ =	shalt  }
0x6c: {  	_ =	shalt  }
0x6d: {  	_ =	shalt  }
0x6e: {  	_ =	shalt  }
0x6f: {  	_ =	shalt  }
0x70: {  	_ =	shalt  }
0x71: {  	_ =	shalt  }
0x72: {  	_ =	shalt  }
0x73: {  	_ =	shalt  }
0x74: {  	_ =	shalt  }
0x75: {  	_ =	shalt  }
0x76: {  	_ =	shalt  }
0x77: {  	_ =	shalt  }
0x78: {  	_ =	shalt  }
0x79: {  	_ =	shalt  }
0x7a: {  	_ =	shalt  }
0x7b: {  	_ =	shalt  }
0x7c: {  	_ =	shalt  }
0x7d: {  	_ =	shalt  }
0x7e: {  	_ =	shalt  }
0x7f: {  	_ =	shalt  }
0x80: {  	_ =	shalt  }
0x81: {  	_ =	shalt  }
0x82: {  	_ =	shalt  }
0x83: {  	_ =	shalt  }
0x84: {  	_ =	shalt  }
0x85: {  	_ =	shalt  }
0x86: {  	_ =	shalt  }
0x87: {  	_ =	shalt  }
.Lfunc_end0:
.L_simem_size_0:
called_computation_lowered:
.L_overlay_start_0:
0x88: {  	s2 =	sld [smem:$0x3FD9]  }
0x89: {  	s3 =	sld [smem:$0x3FFE];
	_ =	sdelay $0x1  }
0x8a: {  	s1 =	srdreg.scid  }
0x8b: {  	s0 =	sand.u32 $0x1, s1  }
0x8c: {  	s14 =	sshll.u32 s0, $0xA;
	s2 =	sadd.s32 s3, s2  }
0x8d: {  	s2 =	sadd.s32 s2, s14  }
0x8e: {  	[smem:$0x3FC4] =	sst s2  }
0x8f: {  	_ = 	snop  }
0x90: {  	s2 =	sld [smem:$0x3FD0];
	_ =	sdelay $0x2  }
0x91: {  	s15 =	simm.s32 $0xA;
	s4 =	simm.s32 $0x10  }
0x92: {  	[smem:s4], [sflag:s15] =	dma.local [hbm:s2], $0x1  }
0x93: {  	_ =	swait.eq [sflag:s15], $0x1  }
0x94: {  	[sflag:s15] =	ssyncset.done $0x0  }
0x95: {  	s16 =	sld [smem:$0x10];
	[sflag:s15] =	ssyncadd.s32 $0xFFFFFFFF  }
0x96: {  	s17 =	sld [smem:$0x11];
	(tm) =	ssettm $0x1  }
0x97: {  	s18 =	sld [smem:$0x3FFB];
	_ =	sdelay $0x3  }
0x98: {  	_ =	strace s18  }
0x99: {  	s4 =	sld [smem:$0x3FFC];
	_ =	sdelay $0x3  }
0x9a: {  	_ =	strace s4  }
0x9b: {  	s4 =	sld [smem:$0x3FFD];
	_ =	sdelay $0x3  }
0x9c: {  	_ =	strace s4  }
0x9d: {  	_ =	strace $0x8FFFFFFF  }
0x9e: {  	s19 =	sld [smem:$0x3FDB];
	_ =	sdelay $0x1  }
0x9f: {  	s5 =	simm.s32 $_scs_section_size  }
0xa0: {  	s6 =	simm.s32 $_size__tile_overlayer_lowered;
	s7 =	simm.s32 $_tile_overlayer_lowered  }
0xa1: {  	s22 =	simm.s32 $0x1BFF;
	s21 =	sshll.u32 s7, $0x1;
	s4 =	sadd.s32 s5, s19  }
0xa2: {  	s8 =	simm.s32 $0x0;
	s20 =	sshll.u32 s6, $0x1;
	s6 =	sadd.s32 s21, s4  }
0xa3: {  	[timem:s8], [sflag:s22] =	dma.local [hbm:s6], s20  }
0xa4: {  	_ =	swait.ge [sflag:s22], s20  }
0xa5: {  	s5 =	ssub.s32 $0x0, s20;
	[sflag:s22] =	ssyncset.done $0x0  }
0xa6: {  	[sflag:s22] =	ssyncadd.s32 s5;
	_ =	sdelay $0x1  }
0xa7: {  	s23 =	simm.s32 $0x1B8B  }
0xa8: {  	_ =	swait.ge [sflag:s23], $0x1  }
0xa9: {  	[sflag:s23] =	ssyncset.done $0x0  }
0xaa: {  	s25 =	simm.s32 $0x1B8E;
	s24 =	sld [smem:$0x3FFE];
	[sflag:s23] =	ssyncadd.s32 $0xFFFFFFFF  }
0xab: {  	s26 =	simm.s32 $execute0_lowered;
	[smem:$0x3FD2] =	sst s25  }
0xac: {  	s6 =	sshll.u32 s26, $0x1;
	_ =	strace $0x80000046;
	[dreg:$0x1] =	wrdreg $0xFFFFFFFF  }
0xad: {  	s28 =	simm.s32 $_size_execute0_lowered;
	s4 =	sadd.s32 s4, s6;
	[dreg:$0x0] =	wrdreg $0x0  }
0xae: {  	s6 =	sshll.u32 s28, $0x1;
	[dreg:$0x2] =	wrdreg s4  }
0xaf: {  	[dreg:$0x3] =	wrdreg s6  }
0xb0: {  	[dreg:$0x4] =	wrdreg $0xC0  }
0xb1: {  	_ =	task [dreg:s8], $0x5FFFF  }
0xb2: {  	[dreg:$0x1] =	wrdreg $0xFFFFFFFF  }
0xb3: {  	[dreg:$0x0] =	wrdreg $0x60  }
0xb4: {  	[dreg:$0x2] =	wrdreg s24  }
0xb5: {  	[dreg:$0x3] =	wrdreg s16  }
0xb6: {  	[dreg:$0x4] =	wrdreg s17  }
0xb7: {  	[dreg:$0x5] =	wrdreg $0x0  }
0xb8: {  	[dreg:$0x6] =	wrdreg $0x9  }
0xb9: {  	_ =	task.clear_ibuf [dreg:s8], $0x7FFFF;
	_ =	strace $0x90000046  }
0xba: {  	s29 =	simm.s32 $0x9;
	_ =	strace $0x80000048  }
0xbb: {  	_ =	swait.ge [sflag:s29], $0x1  }
0xbc: {  	[sflag:s29] =	ssyncadd.s32 $0xFFFFFFFF  }
0xbd: {  	_ =	strace $0x90000048  }
0xbe: {  	_ =	sfence  }
0xbf: {  	s30 =	sld [smem:$0x0];
	_ =	sdelay $0x2  }
0xc0: {  	s31 =	sshll.u32 s1, $0xD;
	s1 =	sshrl.u32 s1, $0x2  }
0xc1: {  	s3 =	sand.u32 $0x4000, s31;
	s1 =	sadd.s32 s1, s30  }
0xc2: {  	s0 =	sor.u32 s3, s0;
	s1 =	sshll.u32 s1, $0x11  }
0xc3: {  	s0 =	sor.u32 s1, s0  }
0xc4: {  	s0 =	sadd.s32 $0x8F2B, s0  }
0xc5: {  	[sflag:s0] =	ssyncadd.remote.s32 $0x1  }
0xc6: {  	_ =	sfence.sel $0xFFFF  }
0xc7: {  	[dreg:$0x0] =	wrdreg $0xFFFFFFFF;
	(pc) =	sbr.abs _section_cstart, $3  }
0xc8: {  	[dreg:$0x1] =	wrdreg $0xFFFFFFFF  }
0xc9: {  	_ =	task.clear_ibuf [dreg:s8], $0x2FFFF;
	_ =	strace $0x9FFFFFFF  }
0xca: {  	(tm) =	ssettm $0x7FFFFFFF  }
0xcb: {  	_ =	shalt  }
tec
execute0_lowered:
.L_overlay_start_1:
0x0: {  	(tag) =	ssettag $0x1  }
0x1: {  	s0 =	rddreg [dreg:$0x0]  }
0x2: {  	s1 =	rddreg [dreg:$0x1]  }
0x3: {  	s2 =	rddreg [dreg:$0x2]  }
0x4: {  	s3 =	rddreg [dreg:$0x3]  }
0x5: {  	s4 =	simm.s32 $0x0;
	s5 =	srdreg.scid;
	s16 =	stileid.u32  }
0x6: {  	s18 =	simm.s32 $0x18700;
	s19 =	simm.s32 $0x2;
	s20 =	simm.s32 $0x18780  }
0x7: {  	s21 =	simm.s32 $0x18800;
	s23 =	simm.s32 $0x18880;
	s24 =	simm.s32 $0x1  }
0x8: {  	[smem:$0x7FF] =	sst s4;
	s5 =	sand.u32 $0x1, s5;
	s7 =	sadd.s32 $0x128E00, s0  }
0x9: {  	s6 =	sadd.s32 $0xC7200, s0;
	s10 =	smul.u32 $0xC38, s16;
	s8 =	sadd.s32 $0x141600, s0  }
0xa: {  	s9 =	sadd.s32 $0x21D600, s0;
	s12 =	smul.u32 $0x61C00, s16;
	p0 =	sne.s32 s16, $0x0  }
0xb: {  	_ =	strace $0x80000047;
	s22 =	smul.u32 $0xC380, s5;
	s5 =	ssub.s32 $0x2, s5  }
0xc: {  	s17 =	sshrl.u32 @!p0 s3, $0x3;
	s31 =	sshrl.u32 s5, $0x1;
	s13 =	sshrl.u32 s12, $0x2  }
0xd: {  	s11 =	sadd.s32 s10, s22;
	s10 =	sadd.s32 $0x1BBA00, s0;
	s5 =	ssub.s32 s5, s31  }
0xe: {  	s13 =	sadd.s32 s13, s3;
	v0 =	vmov s22;
	s22 =	simm.s32 $0x80;
	s14 =	sshll.u32 s11, $0x2  }
0xf: {  	s11 =	smul.u32 $0xC380, s16;
	s16 =	smax.u32 s5, $0x1;
	s0 =	sadd.s32 s14, s0  }
0x10: {  	s12 =	sadd.s32 s9, s14;
	s14 =	sadd.s32 s10, s14;
	s15 =	sadd.s32 $0x159E00, s0  }
.LBB2_1:
0x11: {  	s0 =	simm.s32 @!p0 $0x1C02  }
0x12: {  	[spmem:s17], [sflag:s0] =	dma.local @!p0 [hbm:s2], $0x30E00  }
0x13: {  	s0 =	simm.s32 @!p0 $0x2  }
0x14: {  	_ =	swait.ge @!p0 [sflag:s0], $0x30E00  }
0x15: {  	[sflag:s0] =	ssyncset.done @!p0 $0x0  }
0x16: {  	[sflag:s0] =	ssyncadd.s32 @!p0 $0xFFFCF200  }
0x17: {  	s25 =	simm.s32 $0x0;
	[bflag:$0x0] =	sbarrier.arrive $0xFFFF  }
.LBB2_2:
0x18: {  	s0 =	sshll.u32 s25, $0x7  }
0x19: {  	s0 =	sadd.s32 s11, s0  }
0x1a: {  	s0 =	sshrl.u32 s0, $0x3  }
0x1b: {  	s26 =	simm.s32 $0x0;
	s5 =	sadd.s32 s1, s0  }
0x1c: {  	[tilespmem:s18], [sflag:$0x2] =	stream.linear.gather [hbm4b:s5+s26], $0x80, $0x38;
	[tilespmem:$0x19880] =	vst v63  }
0x1d: {  	_ =	swait.ge [sflag:s19], $0x80  }
0x1e: {  	[sflag:s19] =	ssyncset.done $0x0  }
0x1f: {  	s30 =	sadd.s32 s7, s0;
	[sflag:s19] =	ssyncadd.s32 $0xFFFFFF80  }
0x20: {  	[tilespmem:s20], [sflag:$0x2] =	stream.linear.gather [hbm4b:s30+s26], $0x80, $0x38;
	[tilespmem:$0x19880] =	vst v63  }
0x21: {  	_ =	swait.ge [sflag:s19], $0x80  }
0x22: {  	[sflag:s19] =	ssyncset.done $0x0  }
0x23: {  	s0 =	sadd.s32 s8, s0;
	[sflag:s19] =	ssyncadd.s32 $0xFFFFFF80  }
0x24: {  	[tilespmem:s21], [sflag:$0x2] =	stream.linear.gather [hbm4b:s0+s26], $0x80, $0x38;
	[tilespmem:$0x19880] =	vst v63  }
0x25: {  	_ =	swait.ge [sflag:s19], $0x80  }
0x26: {  	[sflag:s19] =	ssyncset.done $0x0  }
0x27: {  	[sflag:s19] =	ssyncadd.s32 $0xFFFFFF80  }
0x28: {  	v1 =	vld [tilespmem:$0x18700]  }
0x29: {  	v2 =	vld [tilespmem:$0x18710]  }
0x2a: {  	v3 =	vld [tilespmem:$0x18720]  }
0x2b: {  	v4 =	vld [tilespmem:$0x18730]  }
0x2c: {  	v5 =	vld [tilespmem:$0x18740]  }
0x2d: {  	v6 =	vld [tilespmem:$0x18750];
	v1 =	vadd.s32 v0, v1  }
0x2e: {  	[tilespmem:$0x18700] =	vst v1;
	v1 =	vadd.s32 v0, v2;
	v2 =	vld [tilespmem:$0x18760]  }
0x2f: {  	[tilespmem:$0x18710] =	vst v1;
	v1 =	vadd.s32 v0, v3;
	v3 =	vld [tilespmem:$0x18770]  }
0x30: {  	[tilespmem:$0x18720] =	vst v1;
	v1 =	vadd.s32 v0, v4  }
0x31: {  	[tilespmem:$0x18730] =	vst v1;
	v1 =	vadd.s32 v0, v5  }
0x32: {  	[tilespmem:$0x18740] =	vst v1;
	v1 =	vadd.s32 v0, v6  }
0x33: {  	[tilespmem:$0x18750] =	vst v1;
	v1 =	vadd.s32 v0, v2  }
0x34: {  	[tilespmem:$0x18760] =	vst v1;
	v1 =	vadd.s32 v0, v3  }
0x35: {  	[tilespmem:$0x18770] =	vst v1  }
0x36: {  	[tilespmem:s23], [sflag:$0x1] =	stream.indirect.gather [hbm4b:s6+s22], $0x20, s18, s22, $0xb8;
	[tilespmem:$0x19880] =	vst v63  }
0x37: {  	_ =	swait.ge [sflag:s24], $0x1000  }
0x38: {  	[sflag:s24] =	ssyncset.done $0x0  }
0x39: {  	s26 =	simm.s32 $0x18980;
	[sflag:s24] =	ssyncadd.s32 $0xFFFFF000  }
0x3a: {  	v6 =	vld [tilespmem:s26+$0xFFFFFFA0]  }
0x3b: {  	v4 =	vld [tilespmem:s26+$0xFFFFFFF0]  }
0x3c: {  	v1 =	vld [tilespmem:s26+$0xFFFFFF60]  }
0x3d: {  	v7 =	vld [tilespmem:s26+$0xFFFFFFD0]  }
0x3e: {  	v8 =	vld [tilespmem:s26+$0x80]  }
0x3f: {  	v11 =	vld [tilespmem:s26+$0xFFFFFF10]  }
0x40: {  	v15 =	vld [tilespmem:s26+$0xE0]  }
0x41: {  	v10 =	vld [tilespmem:s26+$0xFFFFFF40]  }
0x42: {  	s31 =	simm.s32 $0x0;
	v2 =	vld [tilespmem:s26+$0xFFFFFF90]  }
0x43: {  	v3 =	vld [tilespmem:s31+$0x18800]  }
0x44: {  	v9 =	vld [tilespmem:s26+$0xFFFFFFC0]  }
0x45: {  	v12 =	vld [tilespmem:s26+$0xFFFFFF00]  }
0x46: {  	v13 =	vld [tilespmem:s26+$0xD0]  }
0x47: {  	v22 =	vld [tilespmem:s26+$0xC0]  }
0x48: {  	v20 =	vld [tilespmem:s26+$0x90];
	v18 =	vbroadcast v3, $0x0;
	v5 =	vbroadcast v3, $0xF  }
0x49: {  	v21 =	vld [tilespmem:s26+$0xFFFFFF50];
	v19 =	vbroadcast v3, $0x2;
	v17 =	vbroadcast v3, $0xE  }
0x4a: {  	v16 =	vld [tilespmem:s26+$0xB0];
	v14 =	vbroadcast v3, $0xC;
	v24 =	vmul.f32 v18, v12  }
0x4b: {  	s28 =	simm.s32 $0x40;
	s29 =	simm.s32 $0x18980;
	v12 =	vbroadcast v3, $0xD;
	v23 =	vmul.f32 v10, v19;
	v10 =	vld [tilespmem:s26+$0x60]  }
.LBB2_3:
0x4c: {  	p1 =	sne.s32 s28, $0x1C0  }
0x4d: {  	[tilespmem:s26+$0xFFFFFF00] =	vst v24;
	v24 =	vld [tilespmem:s26+$0xFFFFFFB0];
	v22 =	vmul.f32 v22, v17;
	v15 =	vmul.f32 v15, v5;
	s29 =	sadd.s32 $0x200, s29;
	s0 =	smov.u32 s28;
	s28 =	sadd.s32 $0x40, s28  }
0x4e: {  	[tilespmem:s26+$0xFFFFFF40] =	vst v23;
	v23 =	vbroadcast v3, $0xA;
	v20 =	vmul.f32 v20, v14;
	v25 =	vld [tilespmem:s26+$0xA0]  }
0x4f: {  	v11 =	vmul.f32 v11, v18;
	v18 =	vmul.f32 v21, v19;
	v19 =	vld [tilespmem:s26+$0x70];
	[tilespmem:s26+$0xE0] =	vst v15  }
0x50: {  	v15 =	vbroadcast v3, $0x5;
	v21 =	vld [tilespmem:s26+$0xFFFFFFE0];
	v16 =	vmul.f32 v16, v12;
	[tilespmem:s26+$0xC0] =	vst v22  }
0x51: {  	v13 =	vmul.f32 v13, v17;
	[tilespmem:s26+$0xFFFFFF10] =	vst v11;
	v11 =	vbroadcast v3, $0x6;
	v22 =	vld [tilespmem:s26+$0x40]  }
0x52: {  	v26 =	vbroadcast v3, $0xB;
	v6 =	vmul.f32 v6, v15;
	v17 =	vld [tilespmem:s26+$0xFFFFFF20];
	[tilespmem:s26+$0x90] =	vst v20  }
0x53: {  	v20 =	vbroadcast v3, $0x9;
	[tilespmem:s26+$0xFFFFFF50] =	vst v18;
	v18 =	vld [tilespmem:s26+$0x20];
	v12 =	vmul.f32 v25, v12  }
0x54: {  	v15 =	vmul.f32 v24, v15;
	v24 =	vld [tilespmem:s26+$0x50];
	v19 =	vmul.f32 v19, v26;
	[tilespmem:s26+$0xD0] =	vst v13  }
0x55: {  	v8 =	vmul.f32 v8, v14;
	v13 =	vbroadcast v3, $0x7;
	v25 =	vld [tilespmem:s26+$0x30];
	[tilespmem:s26+$0xA0] =	vst v12  }
0x56: {  	v9 =	vmul.f32 v9, v11;
	v12 =	vbroadcast v3, $0x3;
	v14 =	vld [tilespmem:s26+$0x0];
	[tilespmem:s26+$0x70] =	vst v19  }
0x57: {  	v10 =	vmul.f32 v10, v26;
	v7 =	vmul.f32 v7, v11;
	v11 =	vld [tilespmem:s26+$0x10];
	[tilespmem:s26+$0x80] =	vst v8  }
0x58: {  	v19 =	vbroadcast v3, $0x8;
	v22 =	vmul.f32 v22, v23;
	v8 =	vld [tilespmem:s26+$0xFFFFFF30];
	[tilespmem:s26+$0xB0] =	vst v16  }
0x59: {  	v16 =	vbroadcast v3, $0x1;
	v26 =	vld [tilespmem:s26+$0xFFFFFF70];
	[tilespmem:s26+$0xFFFFFFD0] =	vst v7;
	v23 =	vmul.f32 v24, v23  }
0x5a: {  	v4 =	vmul.f32 v4, v13;
	v7 =	vmul.f32 v21, v13;
	[tilespmem:s26+$0xFFFFFFC0] =	vst v9;
	v9 =	vld [tilespmem:s26+$0xF0]  }
0x5b: {  	v21 =	vmul.f32 v25, v20;
	v13 =	vld [tilespmem:s26+$0xFFFFFF80];
	[tilespmem:s26+$0xFFFFFFA0] =	vst v6;
	v14 =	vmul.f32 v14, v19  }
0x5c: {  	v6 =	vld [tilespmem:s29+$0xFFFFFFA0];
	[tilespmem:s26+$0xFFFFFFF0] =	vst v4;
	v19 =	vmul.f32 v11, v19;
	v11 =	vmul.f32 v18, v20  }
0x5d: {  	v4 =	vmul.f32 v17, v16;
	v16 =	vmul.f32 v8, v16;
	[tilespmem:s26+$0x60] =	vst v10  }
0x5e: {  	v1 =	vmul.f32 v1, v12;
	v8 =	vmul.f32 v26, v12;
	[tilespmem:s26+$0xFFFFFFB0] =	vst v15  }
0x5f: {  	v3 =	vbroadcast v3, $0x4;
	[tilespmem:s26+$0xFFFFFF20] =	vst v4;
	v4 =	vmul.f32 v9, v5  }
0x60: {  	[tilespmem:s26+$0xFFFFFF60] =	vst v1  }
0x61: {  	v5 =	vmul.f32 v13, v3;
	v1 =	vmul.f32 v2, v3;
	[tilespmem:s26+$0x40] =	vst v22  }
0x62: {  	[tilespmem:s26+$0xFFFFFFE0] =	vst v7  }
0x63: {  	[tilespmem:s26+$0xF0] =	vst v4  }
0x64: {  	[tilespmem:s26+$0xFFFFFF90] =	vst v1  }
0x65: {  	v4 =	vld [tilespmem:s29+$0xFFFFFFF0];
	[tilespmem:s26+$0xFFFFFF70] =	vst v8  }
0x66: {  	v1 =	vld [tilespmem:s29+$0xFFFFFF60];
	[tilespmem:s26+$0x20] =	vst v11  }
0x67: {  	v7 =	vld [tilespmem:s29+$0xFFFFFFD0];
	[tilespmem:s26+$0x30] =	vst v21  }
0x68: {  	v8 =	vld [tilespmem:s29+$0x80];
	[tilespmem:s26+$0xFFFFFF80] =	vst v5  }
0x69: {  	v11 =	vld [tilespmem:s29+$0xFFFFFF10];
	[tilespmem:s26+$0x50] =	vst v23  }
0x6a: {  	v15 =	vld [tilespmem:s29+$0xE0];
	[tilespmem:s26+$0x0] =	vst v14  }
0x6b: {  	v10 =	vld [tilespmem:s29+$0xFFFFFF40];
	[tilespmem:s26+$0xFFFFFF30] =	vst v16  }
0x6c: {  	s0 =	sshra.s32 s0, $0x2;
	v2 =	vld [tilespmem:s29+$0xFFFFFF90];
	[tilespmem:s26+$0x10] =	vst v19;
	s26 =	smov.u32 s29  }
0x6d: {  	v3 =	vld [tilespmem:s0+$0x18800]  }
0x6e: {  	v9 =	vld [tilespmem:s29+$0xFFFFFFC0]  }
0x6f: {  	v12 =	vld [tilespmem:s29+$0xFFFFFF00]  }
0x70: {  	v13 =	vld [tilespmem:s29+$0xD0]  }
.Ltmp0:
0x71: {  	v22 =	vld [tilespmem:s29+$0xC0];
	(pc) =	sbr.rel @p1 .LBB2_3-.Ltmp0, $4  }
0x72: {  	v18 =	vbroadcast v3, $0x0;
	v20 =	vld [tilespmem:s29+$0x90];
	v5 =	vbroadcast v3, $0xF  }
0x73: {  	v19 =	vbroadcast v3, $0x2;
	v17 =	vbroadcast v3, $0xE;
	v21 =	vld [tilespmem:s29+$0xFFFFFF50]  }
0x74: {  	v24 =	vmul.f32 v18, v12;
	v12 =	vbroadcast v3, $0xD;
	v16 =	vld [tilespmem:s29+$0xB0]  }
0x75: {  	v14 =	vbroadcast v3, $0xC;
	v23 =	vmul.f32 v10, v19;
	v10 =	vld [tilespmem:s29+$0x60]  }
0x76: {  	[tilespmem:s26+$0xFFFFFF00] =	vst v24;
	v15 =	vmul.f32 v15, v5  }
0x77: {  	v22 =	vmul.f32 v22, v17;
	[tilespmem:s26+$0xFFFFFF40] =	vst v23  }
0x78: {  	v11 =	vmul.f32 v11, v18;
	[tilespmem:s26+$0xE0] =	vst v15  }
0x79: {  	v35 =	vmul.f32 v13, v17;
	[tilespmem:s26+$0xC0] =	vst v22  }
0x7a: {  	v33 =	vmul.f32 v20, v14;
	[tilespmem:s26+$0xFFFFFF10] =	vst v11  }
0x7b: {  	v41 =	vbroadcast v3, $0x6;
	v8 =	vmul.f32 v8, v14;
	[tilespmem:s26+$0xD0] =	vst v35  }
0x7c: {  	v19 =	vmul.f32 v21, v19;
	[tilespmem:s26+$0x90] =	vst v33  }
0x7d: {  	v45 =	vbroadcast v3, $0x5;
	v7 =	vmul.f32 v7, v41;
	[tilespmem:s26+$0x80] =	vst v8  }
0x7e: {  	v47 =	vbroadcast v3, $0x7;
	v9 =	vmul.f32 v9, v41;
	[tilespmem:s26+$0xFFFFFF50] =	vst v19  }
0x7f: {  	v54 =	vbroadcast v3, $0x3;
	v6 =	vmul.f32 v6, v45;
	[tilespmem:s26+$0xFFFFFFD0] =	vst v7  }
0x80: {  	v31 =	vld [tilespmem:s26+$0xA0];
	v59 =	vbroadcast v3, $0x4;
	v4 =	vmul.f32 v4, v47;
	[tilespmem:s26+$0xFFFFFFC0] =	vst v9  }
0x81: {  	v32 =	vld [tilespmem:s26+$0x70];
	v1 =	vmul.f32 v1, v54;
	[tilespmem:s26+$0xFFFFFFA0] =	vst v6  }
0x82: {  	v34 =	vld [tilespmem:s26+$0xFFFFFFB0];
	v37 =	vbroadcast v3, $0xB;
	v2 =	vmul.f32 v2, v59;
	[tilespmem:s26+$0xFFFFFFF0] =	vst v4  }
0x83: {  	v36 =	vld [tilespmem:s26+$0xFFFFFF20];
	v43 =	vmul.f32 v16, v12;
	[tilespmem:s26+$0xFFFFFF60] =	vst v1  }
0x84: {  	v40 =	vld [tilespmem:s26+$0x40];
	v10 =	vmul.f32 v10, v37;
	[tilespmem:s26+$0xFFFFFF90] =	vst v2  }
0x85: {  	v38 =	vld [tilespmem:s26+$0xFFFFFFE0];
	v39 =	vmul.f32 v31, v12;
	[tilespmem:s26+$0xB0] =	vst v43  }
0x86: {  	v52 =	vbroadcast v3, $0x1;
	v55 =	vld [tilespmem:s26+$0xF0];
	v18 =	vmul.f32 v32, v37;
	[tilespmem:s26+$0x60] =	vst v10  }
0x87: {  	v49 =	vld [tilespmem:s26+$0xFFFFFF70];
	v56 =	vbroadcast v3, $0xA;
	v53 =	vmul.f32 v34, v45;
	[tilespmem:s26+$0xA0] =	vst v39  }
0x88: {  	v46 =	vld [tilespmem:s26+$0x30];
	v13 =	vmul.f32 v36, v52;
	[tilespmem:s26+$0x70] =	vst v18  }
0x89: {  	v50 =	vld [tilespmem:s26+$0xFFFFFF80];
	v58 =	vmul.f32 v40, v56;
	[tilespmem:s26+$0xFFFFFFB0] =	vst v53  }
0x8a: {  	v44 =	vld [tilespmem:s26+$0x20];
	v8 =	vmul.f32 v38, v47;
	[tilespmem:s26+$0xFFFFFF20] =	vst v13  }
0x8b: {  	v57 =	vld [tilespmem:s26+$0xFFFFFF30];
	v60 =	vbroadcast v3, $0x9;
	v1 =	vmul.f32 v55, v5;
	[tilespmem:s26+$0x40] =	vst v58  }
0x8c: {  	v42 =	vld [tilespmem:s26+$0x50];
	v61 =	vmul.f32 v49, v54;
	[tilespmem:s26+$0xFFFFFFE0] =	vst v8  }
0x8d: {  	v48 =	vld [tilespmem:s26+$0x0];
	v2 =	vmul.f32 v46, v60;
	[tilespmem:s26+$0xF0] =	vst v1  }
0x8e: {  	v51 =	vld [tilespmem:s26+$0x10];
	v62 =	vmul.f32 v50, v59;
	[tilespmem:s26+$0xFFFFFF70] =	vst v61  }
0x8f: {  	v1 =	vmul.f32 v44, v60;
	[tilespmem:s26+$0x30] =	vst v2  }
0x90: {  	v3 =	vbroadcast v3, $0x8;
	v63 =	vmul.f32 v57, v52;
	[tilespmem:s26+$0xFFFFFF80] =	vst v62  }
0x91: {  	[tilespmem:s26+$0x20] =	vst v1;
	v1 =	vmul.f32 v42, v56  }
0x92: {  	v2 =	vmul.f32 v48, v3;
	[tilespmem:s26+$0xFFFFFF30] =	vst v63  }
0x93: {  	s25 =	sadd.s32 $0x1, s25;
	[tilespmem:s26+$0x50] =	vst v1;
	v1 =	vmul.f32 v51, v3  }
0x94: {  	p1 =	sne.s32 s25, $0x187;
	[tilespmem:s26+$0x0] =	vst v2  }
.Ltmp1:
0x95: {  	[tilespmem:s26+$0x10] =	vst v1;
	(pc) =	sbr.rel @p1 .LBB2_2-.Ltmp1, $4  }
0x96: {  	[spmem:s3] =	stream.indirect.scatter.add.f32 [tilespmem:s23], [sflag:$0x2], $0x20, s20, s22, $0xb8;
	[tilespmem:$0x19880] =	vst v63  }
0x97: {  	_ =	swait.ge [sflag:s19], $0x1000  }
0x98: {  	[sflag:s19] =	ssyncset.done $0x0  }
0x99: {  	[sflag:s19] =	ssyncadd.s32 $0xFFFFF000  }
0x9a: {  	s0 =	stileid.u32  }
0x9b: {  	s0 =	sshll.u32 s0, $0x6  }
0x9c: {  	[bflag:$0x0] =	sbarrier.arrive $0xFFFF;
	s26 =	sshrl.u32 s13, $0x3;
	s25 =	sor.u32 $0x1C02, s0  }
0x9d: {  	[hbm:s12], [sflag:s25] =	dma.local [spmem:s26], $0x30E0  }
0x9e: {  	_ =	swait.ge [sflag:s19], $0x30E0  }
0x9f: {  	[sflag:s19] =	ssyncset.done $0x0  }
0xa0: {  	[sflag:s19] =	ssyncadd.s32 $0xFFFFCF20  }
0xa1: {  	s0 =	simm.s32 @!p0 $0x2;
	[bflag:$0x0] =	sbarrier.arrive $0xFFFF  }
0xa2: {  	[spmem:s17], [sflag:s25] =	dma.local @!p0 [hbm:s2], $0x30E00  }
0xa3: {  	_ =	swait.ge @!p0 [sflag:s0], $0x30E00  }
0xa4: {  	[sflag:s0] =	ssyncset.done @!p0 $0x0  }
0xa5: {  	[sflag:s0] =	ssyncadd.s32 @!p0 $0xFFFCF200  }
0xa6: {  	s28 =	simm.s32 $0x0;
	s29 =	simm.s32 $0x0;
	[bflag:$0x0] =	sbarrier.arrive $0xFFFF  }
.LBB2_6:
0xa7: {  	s0 =	sshll.u32 s29, $0x7  }
0xa8: {  	s0 =	sadd.s32 s11, s0  }
0xa9: {  	s0 =	sshrl.u32 s0, $0x3  }
0xaa: {  	s5 =	sadd.s32 s1, s0  }
0xab: {  	[tilespmem:s18], [sflag:$0x2] =	stream.linear.gather [hbm4b:s5+s28], $0x80, $0x38;
	[tilespmem:$0x19880] =	vst v63  }
0xac: {  	_ =	swait.ge [sflag:s19], $0x80  }
0xad: {  	[sflag:s19] =	ssyncset.done $0x0  }
0xae: {  	s5 =	sadd.s32 s7, s0;
	[sflag:s19] =	ssyncadd.s32 $0xFFFFFF80  }
0xaf: {  	[tilespmem:s20], [sflag:$0x2] =	stream.linear.gather [hbm4b:s5+s28], $0x80, $0x38;
	[tilespmem:$0x19880] =	vst v63  }
0xb0: {  	_ =	swait.ge [sflag:s19], $0x80  }
0xb1: {  	[sflag:s19] =	ssyncset.done $0x0  }
0xb2: {  	s0 =	sadd.s32 s8, s0;
	[sflag:s19] =	ssyncadd.s32 $0xFFFFFF80  }
0xb3: {  	[tilespmem:s21], [sflag:$0x2] =	stream.linear.gather [hbm4b:s0+s28], $0x80, $0x38;
	[tilespmem:$0x19880] =	vst v63  }
0xb4: {  	_ =	swait.ge [sflag:s19], $0x80  }
0xb5: {  	[sflag:s19] =	ssyncset.done $0x0  }
0xb6: {  	[sflag:s19] =	ssyncadd.s32 $0xFFFFFF80  }
0xb7: {  	v1 =	vld [tilespmem:$0x18700]  }
0xb8: {  	v2 =	vld [tilespmem:$0x18710]  }
0xb9: {  	v3 =	vld [tilespmem:$0x18720]  }
0xba: {  	v4 =	vld [tilespmem:$0x18730]  }
0xbb: {  	v5 =	vld [tilespmem:$0x18740]  }
0xbc: {  	v6 =	vld [tilespmem:$0x18750];
	v1 =	vadd.s32 v0, v1  }
0xbd: {  	[tilespmem:$0x18700] =	vst v1;
	v1 =	vadd.s32 v0, v2;
	v2 =	vld [tilespmem:$0x18760]  }
0xbe: {  	[tilespmem:$0x18710] =	vst v1;
	v1 =	vadd.s32 v0, v3;
	v3 =	vld [tilespmem:$0x18770]  }
0xbf: {  	[tilespmem:$0x18720] =	vst v1;
	v1 =	vadd.s32 v0, v4  }
0xc0: {  	[tilespmem:$0x18730] =	vst v1;
	v1 =	vadd.s32 v0, v5  }
0xc1: {  	[tilespmem:$0x18740] =	vst v1;
	v1 =	vadd.s32 v0, v6  }
0xc2: {  	[tilespmem:$0x18750] =	vst v1;
	v1 =	vadd.s32 v0, v2  }
0xc3: {  	[tilespmem:$0x18760] =	vst v1;
	v1 =	vadd.s32 v0, v3  }
0xc4: {  	[tilespmem:$0x18770] =	vst v1  }
0xc5: {  	[tilespmem:s23], [sflag:$0x1] =	stream.indirect.gather [hbm4b:s9+s22], $0x20, s18, s22, $0xb8;
	[tilespmem:$0x19880] =	vst v63  }
0xc6: {  	_ =	swait.ge [sflag:s24], $0x1000  }
0xc7: {  	[sflag:s24] =	ssyncset.done $0x0  }
0xc8: {  	s30 =	simm.s32 $0x18980;
	[sflag:s24] =	ssyncadd.s32 $0xFFFFF000  }
0xc9: {  	v6 =	vld [tilespmem:s30+$0xFFFFFFA0]  }
0xca: {  	v4 =	vld [tilespmem:s30+$0xFFFFFFF0]  }
0xcb: {  	v1 =	vld [tilespmem:s30+$0xFFFFFF60]  }
0xcc: {  	v7 =	vld [tilespmem:s30+$0xFFFFFFD0]  }
0xcd: {  	v8 =	vld [tilespmem:s30+$0x80]  }
0xce: {  	v11 =	vld [tilespmem:s30+$0xFFFFFF10]  }
0xcf: {  	v15 =	vld [tilespmem:s30+$0xE0]  }
0xd0: {  	v10 =	vld [tilespmem:s30+$0xFFFFFF40]  }
0xd1: {  	s5 =	simm.s32 $0x0;
	v2 =	vld [tilespmem:s30+$0xFFFFFF90]  }
0xd2: {  	v3 =	vld [tilespmem:s5+$0x18800]  }
0xd3: {  	v9 =	vld [tilespmem:s30+$0xFFFFFFC0]  }
0xd4: {  	v12 =	vld [tilespmem:s30+$0xFFFFFF00]  }
0xd5: {  	v13 =	vld [tilespmem:s30+$0xD0]  }
0xd6: {  	v22 =	vld [tilespmem:s30+$0xC0]  }
0xd7: {  	v20 =	vld [tilespmem:s30+$0x90];
	v18 =	vbroadcast v3, $0x0;
	v5 =	vbroadcast v3, $0xF  }
0xd8: {  	v21 =	vld [tilespmem:s30+$0xFFFFFF50];
	v19 =	vbroadcast v3, $0x2;
	v17 =	vbroadcast v3, $0xE  }
0xd9: {  	v16 =	vld [tilespmem:s30+$0xB0];
	v14 =	vbroadcast v3, $0xC;
	v24 =	vmul.f32 v18, v12  }
0xda: {  	s31 =	simm.s32 $0x40;
	s0 =	simm.s32 $0x18980;
	v12 =	vbroadcast v3, $0xD;
	v23 =	vmul.f32 v10, v19;
	v10 =	vld [tilespmem:s30+$0x60]  }
.LBB2_7:
0xdb: {  	p1 =	sne.s32 s31, $0x1C0  }
0xdc: {  	[tilespmem:s30+$0xFFFFFF00] =	vst v24;
	v24 =	vld [tilespmem:s30+$0xFFFFFFB0];
	v22 =	vmul.f32 v22, v17;
	v15 =	vmul.f32 v15, v5;
	s0 =	sadd.s32 $0x200, s0;
	s5 =	smov.u32 s31;
	s31 =	sadd.s32 $0x40, s31  }
0xdd: {  	[tilespmem:s30+$0xFFFFFF40] =	vst v23;
	v23 =	vbroadcast v3, $0xA;
	v20 =	vmul.f32 v20, v14;
	v25 =	vld [tilespmem:s30+$0xA0]  }
0xde: {  	v11 =	vmul.f32 v11, v18;
	v18 =	vmul.f32 v21, v19;
	v19 =	vld [tilespmem:s30+$0x70];
	[tilespmem:s30+$0xE0] =	vst v15  }
0xdf: {  	v15 =	vbroadcast v3, $0x5;
	v21 =	vld [tilespmem:s30+$0xFFFFFFE0];
	v16 =	vmul.f32 v16, v12;
	[tilespmem:s30+$0xC0] =	vst v22  }
0xe0: {  	v13 =	vmul.f32 v13, v17;
	[tilespmem:s30+$0xFFFFFF10] =	vst v11;
	v11 =	vbroadcast v3, $0x6;
	v22 =	vld [tilespmem:s30+$0x40]  }
0xe1: {  	v26 =	vbroadcast v3, $0xB;
	v6 =	vmul.f32 v6, v15;
	v17 =	vld [tilespmem:s30+$0xFFFFFF20];
	[tilespmem:s30+$0x90] =	vst v20  }
0xe2: {  	v20 =	vbroadcast v3, $0x9;
	[tilespmem:s30+$0xFFFFFF50] =	vst v18;
	v18 =	vld [tilespmem:s30+$0x20];
	v12 =	vmul.f32 v25, v12  }
0xe3: {  	v15 =	vmul.f32 v24, v15;
	v24 =	vld [tilespmem:s30+$0x50];
	v19 =	vmul.f32 v19, v26;
	[tilespmem:s30+$0xD0] =	vst v13  }
0xe4: {  	v8 =	vmul.f32 v8, v14;
	v13 =	vbroadcast v3, $0x7;
	v25 =	vld [tilespmem:s30+$0x30];
	[tilespmem:s30+$0xA0] =	vst v12  }
0xe5: {  	v9 =	vmul.f32 v9, v11;
	v12 =	vbroadcast v3, $0x3;
	v14 =	vld [tilespmem:s30+$0x0];
	[tilespmem:s30+$0x70] =	vst v19  }
0xe6: {  	v10 =	vmul.f32 v10, v26;
	v7 =	vmul.f32 v7, v11;
	v11 =	vld [tilespmem:s30+$0x10];
	[tilespmem:s30+$0x80] =	vst v8  }
0xe7: {  	v19 =	vbroadcast v3, $0x8;
	v22 =	vmul.f32 v22, v23;
	v8 =	vld [tilespmem:s30+$0xFFFFFF30];
	[tilespmem:s30+$0xB0] =	vst v16  }
0xe8: {  	v16 =	vbroadcast v3, $0x1;
	v26 =	vld [tilespmem:s30+$0xFFFFFF70];
	[tilespmem:s30+$0xFFFFFFD0] =	vst v7;
	v23 =	vmul.f32 v24, v23  }
0xe9: {  	v4 =	vmul.f32 v4, v13;
	v7 =	vmul.f32 v21, v13;
	[tilespmem:s30+$0xFFFFFFC0] =	vst v9;
	v9 =	vld [tilespmem:s30+$0xF0]  }
0xea: {  	v21 =	vmul.f32 v25, v20;
	v13 =	vld [tilespmem:s30+$0xFFFFFF80];
	[tilespmem:s30+$0xFFFFFFA0] =	vst v6;
	v14 =	vmul.f32 v14, v19  }
0xeb: {  	v6 =	vld [tilespmem:s0+$0xFFFFFFA0];
	[tilespmem:s30+$0xFFFFFFF0] =	vst v4;
	v19 =	vmul.f32 v11, v19;
	v11 =	vmul.f32 v18, v20  }
0xec: {  	v4 =	vmul.f32 v17, v16;
	v16 =	vmul.f32 v8, v16;
	[tilespmem:s30+$0x60] =	vst v10  }
0xed: {  	v1 =	vmul.f32 v1, v12;
	v8 =	vmul.f32 v26, v12;
	[tilespmem:s30+$0xFFFFFFB0] =	vst v15  }
0xee: {  	v3 =	vbroadcast v3, $0x4;
	[tilespmem:s30+$0xFFFFFF20] =	vst v4;
	v4 =	vmul.f32 v9, v5  }
0xef: {  	[tilespmem:s30+$0xFFFFFF60] =	vst v1  }
0xf0: {  	v5 =	vmul.f32 v13, v3;
	v1 =	vmul.f32 v2, v3;
	[tilespmem:s30+$0x40] =	vst v22  }
0xf1: {  	[tilespmem:s30+$0xFFFFFFE0] =	vst v7  }
0xf2: {  	[tilespmem:s30+$0xF0] =	vst v4  }
0xf3: {  	[tilespmem:s30+$0xFFFFFF90] =	vst v1  }
0xf4: {  	v4 =	vld [tilespmem:s0+$0xFFFFFFF0];
	[tilespmem:s30+$0xFFFFFF70] =	vst v8  }
0xf5: {  	v1 =	vld [tilespmem:s0+$0xFFFFFF60];
	[tilespmem:s30+$0x20] =	vst v11  }
0xf6: {  	v7 =	vld [tilespmem:s0+$0xFFFFFFD0];
	[tilespmem:s30+$0x30] =	vst v21  }
0xf7: {  	v8 =	vld [tilespmem:s0+$0x80];
	[tilespmem:s30+$0xFFFFFF80] =	vst v5  }
0xf8: {  	v11 =	vld [tilespmem:s0+$0xFFFFFF10];
	[tilespmem:s30+$0x50] =	vst v23  }
0xf9: {  	v15 =	vld [tilespmem:s0+$0xE0];
	[tilespmem:s30+$0x0] =	vst v14  }
0xfa: {  	v10 =	vld [tilespmem:s0+$0xFFFFFF40];
	[tilespmem:s30+$0xFFFFFF30] =	vst v16  }
0xfb: {  	s5 =	sshra.s32 s5, $0x2;
	v2 =	vld [tilespmem:s0+$0xFFFFFF90];
	[tilespmem:s30+$0x10] =	vst v19;
	s30 =	smov.u32 s0  }
0xfc: {  	v3 =	vld [tilespmem:s5+$0x18800]  }
0xfd: {  	v9 =	vld [tilespmem:s0+$0xFFFFFFC0]  }
0xfe: {  	v12 =	vld [tilespmem:s0+$0xFFFFFF00]  }
0xff: {  	v13 =	vld [tilespmem:s0+$0xD0]  }
.Ltmp2:
0x100: {  	v22 =	vld [tilespmem:s0+$0xC0];
	(pc) =	sbr.rel @p1 .LBB2_7-.Ltmp2, $4  }
0x101: {  	v18 =	vbroadcast v3, $0x0;
	v20 =	vld [tilespmem:s0+$0x90];
	v5 =	vbroadcast v3, $0xF  }
0x102: {  	v19 =	vbroadcast v3, $0x2;
	v17 =	vbroadcast v3, $0xE;
	v21 =	vld [tilespmem:s0+$0xFFFFFF50]  }
0x103: {  	v24 =	vmul.f32 v18, v12;
	v12 =	vbroadcast v3, $0xD;
	v16 =	vld [tilespmem:s0+$0xB0]  }
0x104: {  	v14 =	vbroadcast v3, $0xC;
	v23 =	vmul.f32 v10, v19;
	v10 =	vld [tilespmem:s0+$0x60]  }
0x105: {  	[tilespmem:s30+$0xFFFFFF00] =	vst v24;
	v15 =	vmul.f32 v15, v5  }
0x106: {  	v22 =	vmul.f32 v22, v17;
	[tilespmem:s30+$0xFFFFFF40] =	vst v23  }
0x107: {  	v11 =	vmul.f32 v11, v18;
	[tilespmem:s30+$0xE0] =	vst v15  }
0x108: {  	v35 =	vmul.f32 v13, v17;
	[tilespmem:s30+$0xC0] =	vst v22  }
0x109: {  	v33 =	vmul.f32 v20, v14;
	[tilespmem:s30+$0xFFFFFF10] =	vst v11  }
0x10a: {  	v41 =	vbroadcast v3, $0x6;
	v8 =	vmul.f32 v8, v14;
	[tilespmem:s30+$0xD0] =	vst v35  }
0x10b: {  	v19 =	vmul.f32 v21, v19;
	[tilespmem:s30+$0x90] =	vst v33  }
0x10c: {  	v45 =	vbroadcast v3, $0x5;
	v7 =	vmul.f32 v7, v41;
	[tilespmem:s30+$0x80] =	vst v8  }
0x10d: {  	v47 =	vbroadcast v3, $0x7;
	v9 =	vmul.f32 v9, v41;
	[tilespmem:s30+$0xFFFFFF50] =	vst v19  }
0x10e: {  	v54 =	vbroadcast v3, $0x3;
	v6 =	vmul.f32 v6, v45;
	[tilespmem:s30+$0xFFFFFFD0] =	vst v7  }
0x10f: {  	v31 =	vld [tilespmem:s30+$0xA0];
	v59 =	vbroadcast v3, $0x4;
	v4 =	vmul.f32 v4, v47;
	[tilespmem:s30+$0xFFFFFFC0] =	vst v9  }
0x110: {  	v32 =	vld [tilespmem:s30+$0x70];
	v1 =	vmul.f32 v1, v54;
	[tilespmem:s30+$0xFFFFFFA0] =	vst v6  }
0x111: {  	v34 =	vld [tilespmem:s30+$0xFFFFFFB0];
	v37 =	vbroadcast v3, $0xB;
	v2 =	vmul.f32 v2, v59;
	[tilespmem:s30+$0xFFFFFFF0] =	vst v4  }
0x112: {  	v36 =	vld [tilespmem:s30+$0xFFFFFF20];
	v43 =	vmul.f32 v16, v12;
	[tilespmem:s30+$0xFFFFFF60] =	vst v1  }
0x113: {  	v40 =	vld [tilespmem:s30+$0x40];
	v10 =	vmul.f32 v10, v37;
	[tilespmem:s30+$0xFFFFFF90] =	vst v2  }
0x114: {  	v38 =	vld [tilespmem:s30+$0xFFFFFFE0];
	v39 =	vmul.f32 v31, v12;
	[tilespmem:s30+$0xB0] =	vst v43  }
0x115: {  	v52 =	vbroadcast v3, $0x1;
	v55 =	vld [tilespmem:s30+$0xF0];
	v18 =	vmul.f32 v32, v37;
	[tilespmem:s30+$0x60] =	vst v10  }
0x116: {  	v49 =	vld [tilespmem:s30+$0xFFFFFF70];
	v56 =	vbroadcast v3, $0xA;
	v53 =	vmul.f32 v34, v45;
	[tilespmem:s30+$0xA0] =	vst v39  }
0x117: {  	v46 =	vld [tilespmem:s30+$0x30];
	v13 =	vmul.f32 v36, v52;
	[tilespmem:s30+$0x70] =	vst v18  }
0x118: {  	v50 =	vld [tilespmem:s30+$0xFFFFFF80];
	v58 =	vmul.f32 v40, v56;
	[tilespmem:s30+$0xFFFFFFB0] =	vst v53  }
0x119: {  	v44 =	vld [tilespmem:s30+$0x20];
	v8 =	vmul.f32 v38, v47;
	[tilespmem:s30+$0xFFFFFF20] =	vst v13  }
0x11a: {  	v57 =	vld [tilespmem:s30+$0xFFFFFF30];
	v60 =	vbroadcast v3, $0x9;
	v1 =	vmul.f32 v55, v5;
	[tilespmem:s30+$0x40] =	vst v58  }
0x11b: {  	v42 =	vld [tilespmem:s30+$0x50];
	v61 =	vmul.f32 v49, v54;
	[tilespmem:s30+$0xFFFFFFE0] =	vst v8  }
0x11c: {  	v48 =	vld [tilespmem:s30+$0x0];
	v2 =	vmul.f32 v46, v60;
	[tilespmem:s30+$0xF0] =	vst v1  }
0x11d: {  	v51 =	vld [tilespmem:s30+$0x10];
	v62 =	vmul.f32 v50, v59;
	[tilespmem:s30+$0xFFFFFF70] =	vst v61  }
0x11e: {  	v1 =	vmul.f32 v44, v60;
	[tilespmem:s30+$0x30] =	vst v2  }
0x11f: {  	v3 =	vbroadcast v3, $0x8;
	v63 =	vmul.f32 v57, v52;
	[tilespmem:s30+$0xFFFFFF80] =	vst v62  }
0x120: {  	[tilespmem:s30+$0x20] =	vst v1;
	v1 =	vmul.f32 v42, v56  }
0x121: {  	v2 =	vmul.f32 v48, v3;
	[tilespmem:s30+$0xFFFFFF30] =	vst v63  }
0x122: {  	s29 =	sadd.s32 $0x1, s29;
	[tilespmem:s30+$0x50] =	vst v1;
	v1 =	vmul.f32 v51, v3  }
0x123: {  	p1 =	sne.s32 s29, $0x187;
	[tilespmem:s30+$0x0] =	vst v2  }
.Ltmp3:
0x124: {  	[tilespmem:s30+$0x10] =	vst v1;
	(pc) =	sbr.rel @p1 .LBB2_6-.Ltmp3, $4  }
0x125: {  	[spmem:s3] =	stream.indirect.scatter.add.f32 [tilespmem:s23], [sflag:$0x2], $0x20, s20, s22, $0xb8;
	[tilespmem:$0x19880] =	vst v63  }
0x126: {  	_ =	swait.ge [sflag:s19], $0x1000  }
0x127: {  	[sflag:s19] =	ssyncset.done $0x0  }
0x128: {  	[sflag:s19] =	ssyncadd.s32 $0xFFFFF000  }
0x129: {  	[bflag:$0x0] =	sbarrier.arrive $0xFFFF  }
0x12a: {  	[hbm:s14], [sflag:s25] =	dma.local [spmem:s26], $0x30E0  }
0x12b: {  	_ =	swait.ge [sflag:s19], $0x30E0  }
0x12c: {  	[sflag:s19] =	ssyncset.done $0x0  }
0x12d: {  	[sflag:s19] =	ssyncadd.s32 $0xFFFFCF20  }
0x12e: {  	s0 =	simm.s32 @!p0 $0x2;
	[bflag:$0x0] =	sbarrier.arrive $0xFFFF  }
0x12f: {  	[spmem:s17], [sflag:s25] =	dma.local @!p0 [hbm:s2], $0x30E00  }
0x130: {  	_ =	swait.ge @!p0 [sflag:s0], $0x30E00  }
0x131: {  	[sflag:s0] =	ssyncset.done @!p0 $0x0  }
0x132: {  	[sflag:s0] =	ssyncadd.s32 @!p0 $0xFFFCF200  }
0x133: {  	s28 =	simm.s32 $0x0;
	s29 =	simm.s32 $0x0;
	[bflag:$0x0] =	sbarrier.arrive $0xFFFF  }
.LBB2_10:
0x134: {  	s0 =	sshll.u32 s29, $0x7  }
0x135: {  	s0 =	sadd.s32 s11, s0  }
0x136: {  	s0 =	sshrl.u32 s0, $0x3  }
0x137: {  	s5 =	sadd.s32 s1, s0  }
0x138: {  	[tilespmem:s18], [sflag:$0x2] =	stream.linear.gather [hbm4b:s5+s28], $0x80, $0x38;
	[tilespmem:$0x19880] =	vst v63  }
0x139: {  	_ =	swait.ge [sflag:s19], $0x80  }
0x13a: {  	[sflag:s19] =	ssyncset.done $0x0  }
0x13b: {  	s5 =	sadd.s32 s7, s0;
	[sflag:s19] =	ssyncadd.s32 $0xFFFFFF80  }
0x13c: {  	[tilespmem:s20], [sflag:$0x2] =	stream.linear.gather [hbm4b:s5+s28], $0x80, $0x38;
	[tilespmem:$0x19880] =	vst v63  }
0x13d: {  	_ =	swait.ge [sflag:s19], $0x80  }
0x13e: {  	[sflag:s19] =	ssyncset.done $0x0  }
0x13f: {  	s0 =	sadd.s32 s8, s0;
	[sflag:s19] =	ssyncadd.s32 $0xFFFFFF80  }
0x140: {  	[tilespmem:s21], [sflag:$0x2] =	stream.linear.gather [hbm4b:s0+s28], $0x80, $0x38;
	[tilespmem:$0x19880] =	vst v63  }
0x141: {  	_ =	swait.ge [sflag:s19], $0x80  }
0x142: {  	[sflag:s19] =	ssyncset.done $0x0  }
0x143: {  	[sflag:s19] =	ssyncadd.s32 $0xFFFFFF80  }
0x144: {  	v1 =	vld [tilespmem:$0x18700]  }
0x145: {  	v2 =	vld [tilespmem:$0x18710]  }
0x146: {  	v3 =	vld [tilespmem:$0x18720]  }
0x147: {  	v4 =	vld [tilespmem:$0x18730]  }
0x148: {  	v5 =	vld [tilespmem:$0x18740]  }
0x149: {  	v6 =	vld [tilespmem:$0x18750];
	v1 =	vadd.s32 v0, v1  }
0x14a: {  	[tilespmem:$0x18700] =	vst v1;
	v1 =	vadd.s32 v0, v2;
	v2 =	vld [tilespmem:$0x18760]  }
0x14b: {  	[tilespmem:$0x18710] =	vst v1;
	v1 =	vadd.s32 v0, v3;
	v3 =	vld [tilespmem:$0x18770]  }
0x14c: {  	[tilespmem:$0x18720] =	vst v1;
	v1 =	vadd.s32 v0, v4  }
0x14d: {  	[tilespmem:$0x18730] =	vst v1;
	v1 =	vadd.s32 v0, v5  }
0x14e: {  	[tilespmem:$0x18740] =	vst v1;
	v1 =	vadd.s32 v0, v6  }
0x14f: {  	[tilespmem:$0x18750] =	vst v1;
	v1 =	vadd.s32 v0, v2  }
0x150: {  	[tilespmem:$0x18760] =	vst v1;
	v1 =	vadd.s32 v0, v3  }
0x151: {  	[tilespmem:$0x18770] =	vst v1  }
0x152: {  	[tilespmem:s23], [sflag:$0x1] =	stream.indirect.gather [hbm4b:s10+s22], $0x20, s18, s22, $0xb8;
	[tilespmem:$0x19880] =	vst v63  }
0x153: {  	_ =	swait.ge [sflag:s24], $0x1000  }
0x154: {  	[sflag:s24] =	ssyncset.done $0x0  }
0x155: {  	s30 =	simm.s32 $0x18980;
	[sflag:s24] =	ssyncadd.s32 $0xFFFFF000  }
0x156: {  	v6 =	vld [tilespmem:s30+$0xFFFFFFA0]  }
0x157: {  	v4 =	vld [tilespmem:s30+$0xFFFFFFF0]  }
0x158: {  	v1 =	vld [tilespmem:s30+$0xFFFFFF60]  }
0x159: {  	v7 =	vld [tilespmem:s30+$0xFFFFFFD0]  }
0x15a: {  	v8 =	vld [tilespmem:s30+$0x80]  }
0x15b: {  	v11 =	vld [tilespmem:s30+$0xFFFFFF10]  }
0x15c: {  	v15 =	vld [tilespmem:s30+$0xE0]  }
0x15d: {  	v10 =	vld [tilespmem:s30+$0xFFFFFF40]  }
0x15e: {  	s5 =	simm.s32 $0x0;
	v2 =	vld [tilespmem:s30+$0xFFFFFF90]  }
0x15f: {  	v3 =	vld [tilespmem:s5+$0x18800]  }
0x160: {  	v9 =	vld [tilespmem:s30+$0xFFFFFFC0]  }
0x161: {  	v12 =	vld [tilespmem:s30+$0xFFFFFF00]  }
0x162: {  	v13 =	vld [tilespmem:s30+$0xD0]  }
0x163: {  	v22 =	vld [tilespmem:s30+$0xC0]  }
0x164: {  	v20 =	vld [tilespmem:s30+$0x90];
	v18 =	vbroadcast v3, $0x0;
	v5 =	vbroadcast v3, $0xF  }
0x165: {  	v21 =	vld [tilespmem:s30+$0xFFFFFF50];
	v19 =	vbroadcast v3, $0x2;
	v17 =	vbroadcast v3, $0xE  }
0x166: {  	v16 =	vld [tilespmem:s30+$0xB0];
	v14 =	vbroadcast v3, $0xC;
	v24 =	vmul.f32 v18, v12  }
0x167: {  	s31 =	simm.s32 $0x40;
	s0 =	simm.s32 $0x18980;
	v12 =	vbroadcast v3, $0xD;
	v23 =	vmul.f32 v10, v19;
	v10 =	vld [tilespmem:s30+$0x60]  }
.LBB2_11:
0x168: {  	p1 =	sne.s32 s31, $0x1C0  }
0x169: {  	[tilespmem:s30+$0xFFFFFF00] =	vst v24;
	v24 =	vld [tilespmem:s30+$0xFFFFFFB0];
	v22 =	vmul.f32 v22, v17;
	v15 =	vmul.f32 v15, v5;
	s0 =	sadd.s32 $0x200, s0;
	s5 =	smov.u32 s31;
	s31 =	sadd.s32 $0x40, s31  }
0x16a: {  	[tilespmem:s30+$0xFFFFFF40] =	vst v23;
	v23 =	vbroadcast v3, $0xA;
	v20 =	vmul.f32 v20, v14;
	v25 =	vld [tilespmem:s30+$0xA0]  }
0x16b: {  	v11 =	vmul.f32 v11, v18;
	v18 =	vmul.f32 v21, v19;
	v19 =	vld [tilespmem:s30+$0x70];
	[tilespmem:s30+$0xE0] =	vst v15  }
0x16c: {  	v15 =	vbroadcast v3, $0x5;
	v21 =	vld [tilespmem:s30+$0xFFFFFFE0];
	v16 =	vmul.f32 v16, v12;
	[tilespmem:s30+$0xC0] =	vst v22  }
0x16d: {  	v13 =	vmul.f32 v13, v17;
	[tilespmem:s30+$0xFFFFFF10] =	vst v11;
	v11 =	vbroadcast v3, $0x6;
	v22 =	vld [tilespmem:s30+$0x40]  }
0x16e: {  	v26 =	vbroadcast v3, $0xB;
	v6 =	vmul.f32 v6, v15;
	v17 =	vld [tilespmem:s30+$0xFFFFFF20];
	[tilespmem:s30+$0x90] =	vst v20  }
0x16f: {  	v20 =	vbroadcast v3, $0x9;
	[tilespmem:s30+$0xFFFFFF50] =	vst v18;
	v18 =	vld [tilespmem:s30+$0x20];
	v12 =	vmul.f32 v25, v12  }
0x170: {  	v15 =	vmul.f32 v24, v15;
	v24 =	vld [tilespmem:s30+$0x50];
	v19 =	vmul.f32 v19, v26;
	[tilespmem:s30+$0xD0] =	vst v13  }
0x171: {  	v8 =	vmul.f32 v8, v14;
	v13 =	vbroadcast v3, $0x7;
	v25 =	vld [tilespmem:s30+$0x30];
	[tilespmem:s30+$0xA0] =	vst v12  }
0x172: {  	v9 =	vmul.f32 v9, v11;
	v12 =	vbroadcast v3, $0x3;
	v14 =	vld [tilespmem:s30+$0x0];
	[tilespmem:s30+$0x70] =	vst v19  }
0x173: {  	v10 =	vmul.f32 v10, v26;
	v7 =	vmul.f32 v7, v11;
	v11 =	vld [tilespmem:s30+$0x10];
	[tilespmem:s30+$0x80] =	vst v8  }
0x174: {  	v19 =	vbroadcast v3, $0x8;
	v22 =	vmul.f32 v22, v23;
	v8 =	vld [tilespmem:s30+$0xFFFFFF30];
	[tilespmem:s30+$0xB0] =	vst v16  }
0x175: {  	v16 =	vbroadcast v3, $0x1;
	v26 =	vld [tilespmem:s30+$0xFFFFFF70];
	[tilespmem:s30+$0xFFFFFFD0] =	vst v7;
	v23 =	vmul.f32 v24, v23  }
0x176: {  	v4 =	vmul.f32 v4, v13;
	v7 =	vmul.f32 v21, v13;
	[tilespmem:s30+$0xFFFFFFC0] =	vst v9;
	v9 =	vld [tilespmem:s30+$0xF0]  }
0x177: {  	v21 =	vmul.f32 v25, v20;
	v13 =	vld [tilespmem:s30+$0xFFFFFF80];
	[tilespmem:s30+$0xFFFFFFA0] =	vst v6;
	v14 =	vmul.f32 v14, v19  }
0x178: {  	v6 =	vld [tilespmem:s0+$0xFFFFFFA0];
	[tilespmem:s30+$0xFFFFFFF0] =	vst v4;
	v19 =	vmul.f32 v11, v19;
	v11 =	vmul.f32 v18, v20  }
0x179: {  	v4 =	vmul.f32 v17, v16;
	v16 =	vmul.f32 v8, v16;
	[tilespmem:s30+$0x60] =	vst v10  }
0x17a: {  	v1 =	vmul.f32 v1, v12;
	v8 =	vmul.f32 v26, v12;
	[tilespmem:s30+$0xFFFFFFB0] =	vst v15  }
0x17b: {  	v3 =	vbroadcast v3, $0x4;
	[tilespmem:s30+$0xFFFFFF20] =	vst v4;
	v4 =	vmul.f32 v9, v5  }
0x17c: {  	[tilespmem:s30+$0xFFFFFF60] =	vst v1  }
0x17d: {  	v5 =	vmul.f32 v13, v3;
	v1 =	vmul.f32 v2, v3;
	[tilespmem:s30+$0x40] =	vst v22  }
0x17e: {  	[tilespmem:s30+$0xFFFFFFE0] =	vst v7  }
0x17f: {  	[tilespmem:s30+$0xF0] =	vst v4  }
0x180: {  	[tilespmem:s30+$0xFFFFFF90] =	vst v1  }
0x181: {  	v4 =	vld [tilespmem:s0+$0xFFFFFFF0];
	[tilespmem:s30+$0xFFFFFF70] =	vst v8  }
0x182: {  	v1 =	vld [tilespmem:s0+$0xFFFFFF60];
	[tilespmem:s30+$0x20] =	vst v11  }
0x183: {  	v7 =	vld [tilespmem:s0+$0xFFFFFFD0];
	[tilespmem:s30+$0x30] =	vst v21  }
0x184: {  	v8 =	vld [tilespmem:s0+$0x80];
	[tilespmem:s30+$0xFFFFFF80] =	vst v5  }
0x185: {  	v11 =	vld [tilespmem:s0+$0xFFFFFF10];
	[tilespmem:s30+$0x50] =	vst v23  }
0x186: {  	v15 =	vld [tilespmem:s0+$0xE0];
	[tilespmem:s30+$0x0] =	vst v14  }
0x187: {  	v10 =	vld [tilespmem:s0+$0xFFFFFF40];
	[tilespmem:s30+$0xFFFFFF30] =	vst v16  }
0x188: {  	s5 =	sshra.s32 s5, $0x2;
	v2 =	vld [tilespmem:s0+$0xFFFFFF90];
	[tilespmem:s30+$0x10] =	vst v19;
	s30 =	smov.u32 s0  }
0x189: {  	v3 =	vld [tilespmem:s5+$0x18800]  }
0x18a: {  	v9 =	vld [tilespmem:s0+$0xFFFFFFC0]  }
0x18b: {  	v12 =	vld [tilespmem:s0+$0xFFFFFF00]  }
0x18c: {  	v13 =	vld [tilespmem:s0+$0xD0]  }
.Ltmp4:
0x18d: {  	v22 =	vld [tilespmem:s0+$0xC0];
	(pc) =	sbr.rel @p1 .LBB2_11-.Ltmp4, $4  }
0x18e: {  	v18 =	vbroadcast v3, $0x0;
	v20 =	vld [tilespmem:s0+$0x90];
	v5 =	vbroadcast v3, $0xF  }
0x18f: {  	v19 =	vbroadcast v3, $0x2;
	v17 =	vbroadcast v3, $0xE;
	v21 =	vld [tilespmem:s0+$0xFFFFFF50]  }
0x190: {  	v24 =	vmul.f32 v18, v12;
	v12 =	vbroadcast v3, $0xD;
	v16 =	vld [tilespmem:s0+$0xB0]  }
0x191: {  	v14 =	vbroadcast v3, $0xC;
	v23 =	vmul.f32 v10, v19;
	v10 =	vld [tilespmem:s0+$0x60]  }
0x192: {  	[tilespmem:s30+$0xFFFFFF00] =	vst v24;
	v15 =	vmul.f32 v15, v5  }
0x193: {  	v22 =	vmul.f32 v22, v17;
	[tilespmem:s30+$0xFFFFFF40] =	vst v23  }
0x194: {  	v11 =	vmul.f32 v11, v18;
	[tilespmem:s30+$0xE0] =	vst v15  }
0x195: {  	v35 =	vmul.f32 v13, v17;
	[tilespmem:s30+$0xC0] =	vst v22  }
0x196: {  	v33 =	vmul.f32 v20, v14;
	[tilespmem:s30+$0xFFFFFF10] =	vst v11  }
0x197: {  	v41 =	vbroadcast v3, $0x6;
	v8 =	vmul.f32 v8, v14;
	[tilespmem:s30+$0xD0] =	vst v35  }
0x198: {  	v19 =	vmul.f32 v21, v19;
	[tilespmem:s30+$0x90] =	vst v33  }
0x199: {  	v45 =	vbroadcast v3, $0x5;
	v7 =	vmul.f32 v7, v41;
	[tilespmem:s30+$0x80] =	vst v8  }
0x19a: {  	v47 =	vbroadcast v3, $0x7;
	v9 =	vmul.f32 v9, v41;
	[tilespmem:s30+$0xFFFFFF50] =	vst v19  }
0x19b: {  	v54 =	vbroadcast v3, $0x3;
	v6 =	vmul.f32 v6, v45;
	[tilespmem:s30+$0xFFFFFFD0] =	vst v7  }
0x19c: {  	v31 =	vld [tilespmem:s30+$0xA0];
	v59 =	vbroadcast v3, $0x4;
	v4 =	vmul.f32 v4, v47;
	[tilespmem:s30+$0xFFFFFFC0] =	vst v9  }
0x19d: {  	v32 =	vld [tilespmem:s30+$0x70];
	v1 =	vmul.f32 v1, v54;
	[tilespmem:s30+$0xFFFFFFA0] =	vst v6  }
0x19e: {  	v34 =	vld [tilespmem:s30+$0xFFFFFFB0];
	v37 =	vbroadcast v3, $0xB;
	v2 =	vmul.f32 v2, v59;
	[tilespmem:s30+$0xFFFFFFF0] =	vst v4  }
0x19f: {  	v36 =	vld [tilespmem:s30+$0xFFFFFF20];
	v43 =	vmul.f32 v16, v12;
	[tilespmem:s30+$0xFFFFFF60] =	vst v1  }
0x1a0: {  	v40 =	vld [tilespmem:s30+$0x40];
	v10 =	vmul.f32 v10, v37;
	[tilespmem:s30+$0xFFFFFF90] =	vst v2  }
0x1a1: {  	v38 =	vld [tilespmem:s30+$0xFFFFFFE0];
	v39 =	vmul.f32 v31, v12;
	[tilespmem:s30+$0xB0] =	vst v43  }
0x1a2: {  	v52 =	vbroadcast v3, $0x1;
	v55 =	vld [tilespmem:s30+$0xF0];
	v18 =	vmul.f32 v32, v37;
	[tilespmem:s30+$0x60] =	vst v10  }
0x1a3: {  	v49 =	vld [tilespmem:s30+$0xFFFFFF70];
	v56 =	vbroadcast v3, $0xA;
	v53 =	vmul.f32 v34, v45;
	[tilespmem:s30+$0xA0] =	vst v39  }
0x1a4: {  	v46 =	vld [tilespmem:s30+$0x30];
	v13 =	vmul.f32 v36, v52;
	[tilespmem:s30+$0x70] =	vst v18  }
0x1a5: {  	v50 =	vld [tilespmem:s30+$0xFFFFFF80];
	v58 =	vmul.f32 v40, v56;
	[tilespmem:s30+$0xFFFFFFB0] =	vst v53  }
0x1a6: {  	v44 =	vld [tilespmem:s30+$0x20];
	v8 =	vmul.f32 v38, v47;
	[tilespmem:s30+$0xFFFFFF20] =	vst v13  }
0x1a7: {  	v57 =	vld [tilespmem:s30+$0xFFFFFF30];
	v60 =	vbroadcast v3, $0x9;
	v1 =	vmul.f32 v55, v5;
	[tilespmem:s30+$0x40] =	vst v58  }
0x1a8: {  	v42 =	vld [tilespmem:s30+$0x50];
	v61 =	vmul.f32 v49, v54;
	[tilespmem:s30+$0xFFFFFFE0] =	vst v8  }
0x1a9: {  	v48 =	vld [tilespmem:s30+$0x0];
	v2 =	vmul.f32 v46, v60;
	[tilespmem:s30+$0xF0] =	vst v1  }
0x1aa: {  	v51 =	vld [tilespmem:s30+$0x10];
	v62 =	vmul.f32 v50, v59;
	[tilespmem:s30+$0xFFFFFF70] =	vst v61  }
0x1ab: {  	v1 =	vmul.f32 v44, v60;
	[tilespmem:s30+$0x30] =	vst v2  }
0x1ac: {  	v3 =	vbroadcast v3, $0x8;
	v63 =	vmul.f32 v57, v52;
	[tilespmem:s30+$0xFFFFFF80] =	vst v62  }
0x1ad: {  	[tilespmem:s30+$0x20] =	vst v1;
	v1 =	vmul.f32 v42, v56  }
0x1ae: {  	v2 =	vmul.f32 v48, v3;
	[tilespmem:s30+$0xFFFFFF30] =	vst v63  }
0x1af: {  	s29 =	sadd.s32 $0x1, s29;
	[tilespmem:s30+$0x50] =	vst v1;
	v1 =	vmul.f32 v51, v3  }
0x1b0: {  	p1 =	sne.s32 s29, $0x187;
	[tilespmem:s30+$0x0] =	vst v2  }
.Ltmp5:
0x1b1: {  	[tilespmem:s30+$0x10] =	vst v1;
	(pc) =	sbr.rel @p1 .LBB2_10-.Ltmp5, $4  }
0x1b2: {  	[spmem:s3] =	stream.indirect.scatter.add.f32 [tilespmem:s23], [sflag:$0x2], $0x20, s20, s22, $0xb8;
	[tilespmem:$0x19880] =	vst v63  }
0x1b3: {  	_ =	swait.ge [sflag:s19], $0x1000  }
0x1b4: {  	[sflag:s19] =	ssyncset.done $0x0  }
0x1b5: {  	[sflag:s19] =	ssyncadd.s32 $0xFFFFF000  }
0x1b6: {  	[bflag:$0x0] =	sbarrier.arrive $0xFFFF;
	s4 =	sadd.s32 $0x1, s4  }
0x1b7: {  	[hbm:s15], [sflag:s25] =	dma.local [spmem:s26], $0x30E0  }
0x1b8: {  	p1 =	sne.s32 s4, s16  }
.Ltmp6:
0x1b9: {  	_ =	swait.ge [sflag:s19], $0x30E0;
	(pc) =	sbr.rel @p1 .LBB2_1-.Ltmp6, $3  }
0x1ba: {  	[sflag:s19] =	ssyncset.done $0x0  }
0x1bb: {  	[sflag:s19] =	ssyncadd.s32 $0xFFFFCF20  }
0x1bc: {  	[bflag:$0x0] =	sbarrier.arrive $0xFFFF;
	_ =	sdelay $0x1  }
0x1bd: {  	_ =	sfence.sel $0x180000  }
0x1be: {  	[bflag:$0x0] =	sbarrier.arrive $0xFFFF  }
0x1bf: {  	_ =	strace $0x90000047  }
0x1c0: {  	[bflag:$0x2] =	sbarrier.arrive $0xFFFF  }
0x1c1: {  	s0 =	rddreg [dreg:$0x4]  }
0x1c2: {  	s0 =	sadd.s32 @!p0 $0x100000, s0  }
0x1c3: {  	[sflag:s0] =	ssyncadd.tile.s32 @!p0 $0x1;
	_ =	shalt  }
.Lfunc_end2:
_tile_overlayer_lowered:
.L_overlay_start_2:
0x1c4: {  	(tag) =	ssettag $0x2  }
0x1c5: {  	s0 =	rddreg [dreg:$0x0];
	s2 =	stileid.u32  }
0x1c6: {  	s1 =	rddreg [dreg:$0x1];
	p0 =	sne.s32 s2, $0x0  }
0x1c7: {  	s3 =	rddreg [dreg:$0x2];
	[bflag:$0x3] =	sbarrier.arrive $0xFFFF;
	s2 =	simm.s32 @!p0 $0x1C02  }
0x1c8: {  	[timem:s3], [sflag:s2] =	dma.local @!p0 [hbm:s0], s1  }
0x1c9: {  	s0 =	simm.s32 @!p0 $0x2  }
0x1ca: {  	_ =	swait.ge @!p0 [sflag:s0], s1  }
0x1cb: {  	s1 =	ssub.s32 @!p0 $0x0, s1;
	[sflag:s0] =	ssyncset.done @!p0 $0x0  }
0x1cc: {  	[sflag:s0] =	ssyncadd.s32 @!p0 s1  }
0x1cd: {  	[bflag:$0x3] =	sbarrier.arrive $0xFFFF  }
0x1ce: {  	_ =	shalt  }

</sc_bundles>
